<compile_context>
chip_gen: v7x
topology: tpu7x:2x2x1
jax: 0.10.2.dev20260603
libtpu: 0.0.44.dev20260713+nightly
codegen_flags: <defaults>
</compile_context>

<pallas_src>
import functools

import jax
import jax.numpy as jnp
from jax import lax
from jax.experimental import pallas as pl
from jax.experimental.pallas import tpu as pltpu
from jax.experimental.pallas import tpu_sc as plsc

D_MODEL = 64
LANES = 16
CHUNK = 128
SCALE = 8.0
NBUF = 5
NW = 32


def _make_sc_gather(n_seq: int, n_btile: int):
    mesh = plsc.VectorSubcoreMesh(core_axis_name="c", subcore_axis_name="s")
    s_tiles = n_seq // 8

    @functools.partial(
        pl.kernel,
        mesh=mesh,
        out_type=jax.ShapeDtypeStruct((n_seq, 8, n_btile, 8, CHUNK),
                                      jnp.float32),
        scratch_types=[
            pltpu.VMEM((s_tiles, 8, CHUNK), jnp.int32),
            pltpu.VMEM((CHUNK, D_MODEL + 1), jnp.float32),
            [pltpu.VMEM((CHUNK, D_MODEL), jnp.float32)] * NBUF,
            [pltpu.VMEM((8, 8, CHUNK), jnp.float32)] * NBUF,
            [pltpu.SemaphoreType.DMA] * NBUF,
            [pltpu.SemaphoreType.DMA] * NBUF,
        ],
        compiler_params=pltpu.CompilerParams(use_tc_tiling_on_sc=False,
                                             needs_layout_passes=False),
    )
    def k(lut_hbm, idx_hbm, out_hbm, idx_v, skb, inb, outb, gsem, osem):
        w = lax.axis_index("s") * 2 + lax.axis_index("c")
        pltpu.sync_copy(idx_hbm.at[:, w], idx_v)
        iota = lax.iota(jnp.int32, 16)
        blkvecs = [iota + blk * LANES for blk in range(CHUNK // LANES)]

        for b in range(NBUF):
            pltpu.make_async_copy(
                lut_hbm.at[idx_v.at[b // 8, b % 8]], inb[b], gsem[b]).start()

        def group_body(g, _):
            for b in range(NBUF):
                step = g * NBUF + b

                @pl.when(g > 0)
                def _wait_store():
                    pltpu.make_async_copy(
                        outb[b], out_hbm.at[step - NBUF, :, w],
                        osem[b]).wait()

                pltpu.make_async_copy(
                    lut_hbm.at[idx_v.at[step // 8, step % 8]], inb[b],
                    gsem[b]).wait()

                @plsc.parallel_loop(0, CHUNK, unroll=2)
                def skew_body(bl, b=b):
                    for kk in range(D_MODEL // LANES):
                        skb[bl, pl.ds(kk * LANES, LANES)] = (
                            inb[b][bl, pl.ds(kk * LANES, LANES)] * SCALE)

                @plsc.parallel_loop(0, D_MODEL, unroll=2)
                def d_body(d, b=b):
                    dvec = jnp.zeros((LANES,), jnp.int32) + d
                    dh = d // 8
                    dl = d % 8
                    for blk in range(CHUNK // LANES):
                        v = plsc.load_gather(skb, [blkvecs[blk], dvec])
                        outb[b][dh, dl, pl.ds(blk * LANES, LANES)] = v

                @pl.when(step + NBUF < n_seq)
                def _next_gather():
                    nxt = step + NBUF
                    pltpu.make_async_copy(
                        lut_hbm.at[idx_v.at[nxt // 8, nxt % 8]], inb[b],
                        gsem[b]).start()

                pltpu.make_async_copy(
                    outb[b], out_hbm.at[step, :, w], osem[b]).start()
            return 0

        lax.fori_loop(0, n_seq // NBUF, group_body, 0)

        for b in range(NBUF):
            pltpu.make_async_copy(
                outb[b], out_hbm.at[n_seq - NBUF + b, :, w], osem[b]).wait()

    return k


def kernel(x, lut):
    b, s = x.shape
    n_btile = b // CHUNK
    x5 = (x.astype(jnp.int32).T
          .reshape(s // 8, 8, n_btile, CHUNK).transpose(0, 2, 1, 3))
    out5 = _make_sc_gather(s, n_btile)(lut, x5)
    return out5.transpose(2, 4, 0, 1, 3).reshape(b, s, D_MODEL)

# --- scband reference (transcript-rebuilt; emitter-appended) ---
"""Pipeline reference for scband-embeddings-24154896073252 (READ-ONLY COPY).

The authoritative reference and input builder live on the scoring server;
editing this copy changes nothing except your own understanding.
"""

import jax, jax.numpy as jnp
import numpy as np
import math

D_MODEL = 64
VOCAB = 1000000

def setup_inputs(seed: int = 0) -> dict:
    key = jax.random.key(seed)
    k1, k2 = jax.random.split(key)
    x = jax.random.randint(k1, (4096, 200), 0, VOCAB, dtype=jnp.int64)
    lut = jax.random.normal(k2, (VOCAB, D_MODEL), dtype=jnp.float32)
    return {"x": x, "lut": lut}

def reference(x, lut):
    # Embedding lookup scaled by sqrt(d_model)
    emb = jnp.take(lut, x, axis=0)
    return emb * math.sqrt(D_MODEL)

if __name__ == "__main__":
    import jax
    _d = setup_inputs()
    print(jax.jit(kernel)(*tuple(_d.values())))

</pallas_src>

<mosaic_0001>
#map = affine_map<(d0, d1) -> (0, 0)>
#map1 = affine_map<(d0, d1) -> (0, 0, 0, 0)>
#map2 = affine_map<(d0, d1) -> (0, 0, 0, 0, 0)>
module attributes {stable_mosaic.version = 14 : i64} {
  func.func @k(%arg0: i32, %arg1: i32, %arg2: memref<1000000x64xf32, #tpu.memory_space<hbm>>, %arg3: memref<25x32x8x128xi32, #tpu.memory_space<hbm>>, %arg4: memref<200x8x32x8x128xf32, #tpu.memory_space<hbm>>, %arg5: memref<25x8x128xi32, #tpu.memory_space<vmem>>, %arg6: memref<128x65xf32, #tpu.memory_space<vmem>>, %arg7: memref<128x64xf32, #tpu.memory_space<vmem>>, %arg8: memref<128x64xf32, #tpu.memory_space<vmem>>, %arg9: memref<128x64xf32, #tpu.memory_space<vmem>>, %arg10: memref<128x64xf32, #tpu.memory_space<vmem>>, %arg11: memref<128x64xf32, #tpu.memory_space<vmem>>, %arg12: memref<8x8x128xf32, #tpu.memory_space<vmem>>, %arg13: memref<8x8x128xf32, #tpu.memory_space<vmem>>, %arg14: memref<8x8x128xf32, #tpu.memory_space<vmem>>, %arg15: memref<8x8x128xf32, #tpu.memory_space<vmem>>, %arg16: memref<8x8x128xf32, #tpu.memory_space<vmem>>, %arg17: memref<!tpu.dma_semaphore, #tpu.memory_space<semaphore_mem>>, %arg18: memref<!tpu.dma_semaphore, #tpu.memory_space<semaphore_mem>>, %arg19: memref<!tpu.dma_semaphore, #tpu.memory_space<semaphore_mem>>, %arg20: memref<!tpu.dma_semaphore, #tpu.memory_space<semaphore_mem>>, %arg21: memref<!tpu.dma_semaphore, #tpu.memory_space<semaphore_mem>>, %arg22: memref<!tpu.dma_semaphore, #tpu.memory_space<semaphore_mem>>, %arg23: memref<!tpu.dma_semaphore, #tpu.memory_space<semaphore_mem>>, %arg24: memref<!tpu.dma_semaphore, #tpu.memory_space<semaphore_mem>>, %arg25: memref<!tpu.dma_semaphore, #tpu.memory_space<semaphore_mem>>, %arg26: memref<!tpu.dma_semaphore, #tpu.memory_space<semaphore_mem>>) attributes {dimension_semantics = [#tpu.dimension_semantics<core_parallel>, #tpu.dimension_semantics<subcore_parallel>], iteration_bounds = array<i64: 2, 16>, scalar_prefetch = 0 : i64, scratch_operands = 22 : i64, tpu.core_type = #tpu.core_type<sc_vector_subcore>, window_params = [{transform_indices = #map}, {transform_indices = #map1}, {transform_indices = #map2}]} {
    %mul3A = arith.constant 2 : i32
    %mul3A_0 = arith.muli %arg1, %mul3A : i32
    %add3A = arith.addi %mul3A_0, %arg0 : i32
    "tpu.region"() ({
      %run_scoped3A = tpu.sem_alloc : memref<!tpu.dma_semaphore, #tpu.memory_space<semaphore_mem>>
      %dma_start3A_124 = arith.constant 0 : i32
      %dma_start3A_125 = arith.constant 0 : i32
      %dma_start3A_126 = arith.constant 0 : i32
      %dma_start3A_127 = tpu.memref_slice %arg3[%dma_start3A_124, %add3A, %dma_start3A_125, %dma_start3A_126] : memref<25x32x8x128xi32, #tpu.memory_space<hbm>> -> memref<25x1x8x128xi32, #tpu.memory_space<hbm>>
      %dma_start3A_128 = tpu.memref_squeeze %dma_start3A_127 : memref<25x1x8x128xi32, #tpu.memory_space<hbm>> -> memref<25x8x128xi32, #tpu.memory_space<hbm>>
      %dma_start3A_129 = arith.constant 0 : i32
      %dma_start3A_130 = arith.constant 0 : i32
      %dma_start3A_131 = arith.constant 0 : i32
      %dma_start3A_132 = tpu.memref_slice %arg3[%dma_start3A_129, %add3A, %dma_start3A_130, %dma_start3A_131] : memref<25x32x8x128xi32, #tpu.memory_space<hbm>> -> memref<25x1x8x128xi32, #tpu.memory_space<hbm>>
      %dma_start3A_133 = tpu.memref_squeeze %dma_start3A_132 : memref<25x1x8x128xi32, #tpu.memory_space<hbm>> -> memref<25x8x128xi32, #tpu.memory_space<hbm>>
      tpu.enqueue_dma source(%dma_start3A_133 : memref<25x8x128xi32, #tpu.memory_space<hbm>>) target(%arg5 : memref<25x8x128xi32, #tpu.memory_space<vmem>>) target_semaphore(%run_scoped3A : memref<!tpu.dma_semaphore, #tpu.memory_space<semaphore_mem>>)
      %dma_wait3A_134 = arith.constant 0 : i32
      %dma_wait3A_135 = arith.constant 0 : i32
      %dma_wait3A_136 = arith.constant 0 : i32
      %dma_wait3A_137 = tpu.memref_slice %arg3[%dma_wait3A_134, %add3A, %dma_wait3A_135, %dma_wait3A_136] : memref<25x32x8x128xi32, #tpu.memory_space<hbm>> -> memref<25x1x8x128xi32, #tpu.memory_space<hbm>>
      %dma_wait3A_138 = tpu.memref_squeeze %dma_wait3A_137 : memref<25x1x8x128xi32, #tpu.memory_space<hbm>> -> memref<25x8x128xi32, #tpu.memory_space<hbm>>
      %dma_wait3A_139 = arith.constant 0 : i32
      %dma_wait3A_140 = arith.constant 0 : i32
      %dma_wait3A_141 = arith.constant 0 : i32
      %dma_wait3A_142 = tpu.memref_slice %arg3[%dma_wait3A_139, %add3A, %dma_wait3A_140, %dma_wait3A_141] : memref<25x32x8x128xi32, #tpu.memory_space<hbm>> -> memref<25x1x8x128xi32, #tpu.memory_space<hbm>>
      %dma_wait3A_143 = tpu.memref_squeeze %dma_wait3A_142 : memref<25x1x8x128xi32, #tpu.memory_space<hbm>> -> memref<25x8x128xi32, #tpu.memory_space<hbm>>
      tpu.wait_dma2 semaphore(%run_scoped3A : memref<!tpu.dma_semaphore, #tpu.memory_space<semaphore_mem>>) src(%dma_wait3A_143 : memref<25x8x128xi32, #tpu.memory_space<hbm>>) dst(%arg5 : memref<25x8x128xi32, #tpu.memory_space<vmem>>)
      tpu.yield
    }) : () -> ()
    %iota3A = tpu.iota {dimensions = array<i32: 0>} : vector<16xi32>
    %add3A_1 = arith.constant 0 : i32
    %add3A_2 = vector.broadcast %add3A_1 : i32 to vector<16xi32>
    %add3A_3 = arith.addi %iota3A, %add3A_2 : vector<16xi32>
    %add3A_4 = arith.constant 16 : i32
    %add3A_5 = vector.broadcast %add3A_4 : i32 to vector<16xi32>
    %add3A_6 = arith.addi %iota3A, %add3A_5 : vector<16xi32>
    %add3A_7 = arith.constant 32 : i32
    %add3A_8 = vector.broadcast %add3A_7 : i32 to vector<16xi32>
    %add3A_9 = arith.addi %iota3A, %add3A_8 : vector<16xi32>
    %add3A_10 = arith.constant 48 : i32
    %add3A_11 = vector.broadcast %add3A_10 : i32 to vector<16xi32>
    %add3A_12 = arith.addi %iota3A, %add3A_11 : vector<16xi32>
    %add3A_13 = arith.constant 64 : i32
    %add3A_14 = vector.broadcast %add3A_13 : i32 to vector<16xi32>
    %add3A_15 = arith.addi %iota3A, %add3A_14 : vector<16xi32>
    %add3A_16 = arith.constant 80 : i32
    %add3A_17 = vector.broadcast %add3A_16 : i32 to vector<16xi32>
    %add3A_18 = arith.addi %iota3A, %add3A_17 : vector<16xi32>
    %add3A_19 = arith.constant 96 : i32
    %add3A_20 = vector.broadcast %add3A_19 : i32 to vector<16xi32>
    %add3A_21 = arith.addi %iota3A, %add3A_20 : vector<16xi32>
    %add3A_22 = arith.constant 112 : i32
    %add3A_23 = vector.broadcast %add3A_22 : i32 to vector<16xi32>
    %add3A_24 = arith.addi %iota3A, %add3A_23 : vector<16xi32>
    %dma_start3A = arith.constant 0 : i32
    %dma_start3A_25 = arith.constant 0 : i32
    %dma_start3A_26 = arith.constant 0 : i32
    %dma_start3A_27 = tpu.memref_slice %arg5[%dma_start3A, %dma_start3A_25, %dma_start3A_26] : memref<25x8x128xi32, #tpu.memory_space<vmem>> -> memref<1x1x128xi32, #tpu.memory_space<vmem>>
    %dma_start3A_28 = tpu.memref_squeeze %dma_start3A_27 : memref<1x1x128xi32, #tpu.memory_space<vmem>> -> memref<128xi32, #tpu.memory_space<vmem>>
    %dma_start3A_29 = arith.constant 0 : i32
    %dma_start3A_30 = arith.constant 0 : i32
    %dma_start3A_31 = tpu.memref_slice %arg2[%dma_start3A_29, %dma_start3A_30] : memref<1000000x64xf32, #tpu.memory_space<hbm>> -> memref<1000000x64xf32, #tpu.memory_space<hbm>>
    tpu.enqueue_indirect_dma source(%dma_start3A_31 : memref<1000000x64xf32, #tpu.memory_space<hbm>>) target(%arg7 : memref<128x64xf32, #tpu.memory_space<vmem>>) offsets(%dma_start3A_28 : memref<128xi32, #tpu.memory_space<vmem>>) semaphore(%arg17 : memref<!tpu.dma_semaphore, #tpu.memory_space<semaphore_mem>>)
    %dma_start3A_32 = arith.constant 0 : i32
    %dma_start3A_33 = arith.constant 1 : i32
    %dma_start3A_34 = arith.constant 0 : i32
    %dma_start3A_35 = tpu.memref_slice %arg5[%dma_start3A_32, %dma_start3A_33, %dma_start3A_34] : memref<25x8x128xi32, #tpu.memory_space<vmem>> -> memref<1x1x128xi32, #tpu.memory_space<vmem>>
    %dma_start3A_36 = tpu.memref_squeeze %dma_start3A_35 : memref<1x1x128xi32, #tpu.memory_space<vmem>> -> memref<128xi32, #tpu.memory_space<vmem>>
    %dma_start3A_37 = arith.constant 0 : i32
    %dma_start3A_38 = arith.constant 0 : i32
    %dma_start3A_39 = tpu.memref_slice %arg2[%dma_start3A_37, %dma_start3A_38] : memref<1000000x64xf32, #tpu.memory_space<hbm>> -> memref<1000000x64xf32, #tpu.memory_space<hbm>>
    tpu.enqueue_indirect_dma source(%dma_start3A_39 : memref<1000000x64xf32, #tpu.memory_space<hbm>>) target(%arg8 : memref<128x64xf32, #tpu.memory_space<vmem>>) offsets(%dma_start3A_36 : memref<128xi32, #tpu.memory_space<vmem>>) semaphore(%arg18 : memref<!tpu.dma_semaphore, #tpu.memory_space<semaphore_mem>>)
    %dma_start3A_40 = arith.constant 0 : i32
    %dma_start3A_41 = arith.constant 2 : i32
    %dma_start3A_42 = arith.constant 0 : i32
    %dma_start3A_43 = tpu.memref_slice %arg5[%dma_start3A_40, %dma_start3A_41, %dma_start3A_42] : memref<25x8x128xi32, #tpu.memory_space<vmem>> -> memref<1x1x128xi32, #tpu.memory_space<vmem>>
    %dma_start3A_44 = tpu.memref_squeeze %dma_start3A_43 : memref<1x1x128xi32, #tpu.memory_space<vmem>> -> memref<128xi32, #tpu.memory_space<vmem>>
    %dma_start3A_45 = arith.constant 0 : i32
    %dma_start3A_46 = arith.constant 0 : i32
    %dma_start3A_47 = tpu.memref_slice %arg2[%dma_start3A_45, %dma_start3A_46] : memref<1000000x64xf32, #tpu.memory_space<hbm>> -> memref<1000000x64xf32, #tpu.memory_space<hbm>>
    tpu.enqueue_indirect_dma source(%dma_start3A_47 : memref<1000000x64xf32, #tpu.memory_space<hbm>>) target(%arg9 : memref<128x64xf32, #tpu.memory_space<vmem>>) offsets(%dma_start3A_44 : memref<128xi32, #tpu.memory_space<vmem>>) semaphore(%arg19 : memref<!tpu.dma_semaphore, #tpu.memory_space<semaphore_mem>>)
    %dma_start3A_48 = arith.constant 0 : i32
    %dma_start3A_49 = arith.constant 3 : i32
    %dma_start3A_50 = arith.constant 0 : i32
    %dma_start3A_51 = tpu.memref_slice %arg5[%dma_start3A_48, %dma_start3A_49, %dma_start3A_50] : memref<25x8x128xi32, #tpu.memory_space<vmem>> -> memref<1x1x128xi32, #tpu.memory_space<vmem>>
    %dma_start3A_52 = tpu.memref_squeeze %dma_start3A_51 : memref<1x1x128xi32, #tpu.memory_space<vmem>> -> memref<128xi32, #tpu.memory_space<vmem>>
    %dma_start3A_53 = arith.constant 0 : i32
    %dma_start3A_54 = arith.constant 0 : i32
    %dma_start3A_55 = tpu.memref_slice %arg2[%dma_start3A_53, %dma_start3A_54] : memref<1000000x64xf32, #tpu.memory_space<hbm>> -> memref<1000000x64xf32, #tpu.memory_space<hbm>>
    tpu.enqueue_indirect_dma source(%dma_start3A_55 : memref<1000000x64xf32, #tpu.memory_space<hbm>>) target(%arg10 : memref<128x64xf32, #tpu.memory_space<vmem>>) offsets(%dma_start3A_52 : memref<128xi32, #tpu.memory_space<vmem>>) semaphore(%arg20 : memref<!tpu.dma_semaphore, #tpu.memory_space<semaphore_mem>>)
    %dma_start3A_56 = arith.constant 0 : i32
    %dma_start3A_57 = arith.constant 4 : i32
    %dma_start3A_58 = arith.constant 0 : i32
    %dma_start3A_59 = tpu.memref_slice %arg5[%dma_start3A_56, %dma_start3A_57, %dma_start3A_58] : memref<25x8x128xi32, #tpu.memory_space<vmem>> -> memref<1x1x128xi32, #tpu.memory_space<vmem>>
    %dma_start3A_60 = tpu.memref_squeeze %dma_start3A_59 : memref<1x1x128xi32, #tpu.memory_space<vmem>> -> memref<128xi32, #tpu.memory_space<vmem>>
    %dma_start3A_61 = arith.constant 0 : i32
    %dma_start3A_62 = arith.constant 0 : i32
    %dma_start3A_63 = tpu.memref_slice %arg2[%dma_start3A_61, %dma_start3A_62] : memref<1000000x64xf32, #tpu.memory_space<hbm>> -> memref<1000000x64xf32, #tpu.memory_space<hbm>>
    tpu.enqueue_indirect_dma source(%dma_start3A_63 : memref<1000000x64xf32, #tpu.memory_space<hbm>>) target(%arg11 : memref<128x64xf32, #tpu.memory_space<vmem>>) offsets(%dma_start3A_60 : memref<128xi32, #tpu.memory_space<vmem>>) semaphore(%arg21 : memref<!tpu.dma_semaphore, #tpu.memory_space<semaphore_mem>>)
    %scan3A = arith.constant 0 : i32
    %scan3A_64 = arith.constant 0 : i32
    %scan3A_65 = arith.constant 40 : i32
    %scan3A_66 = arith.addi %scan3A_64, %scan3A_65 : i32
    %scan3A_67 = arith.constant 1 : i32
    %scan3A_68 = scf.for %scan3A_124 = %scan3A_64 to %scan3A_66 step %scan3A_67 iter_args(%scan3A_125 = %scan3A) -> (i32)  : i32 {
      %mul3A_126 = arith.constant 5 : i32
      %mul3A_127 = arith.muli %scan3A_124, %mul3A_126 : i32
      %add3A_128 = arith.constant 0 : i32
      %add3A_129 = arith.addi %mul3A_127, %add3A_128 : i32
      %gt3A = arith.constant 0 : i32
      %gt3A_130 = arith.cmpi sgt, %scan3A_124, %gt3A : i32
      %convert_element_type3A = arith.extui %gt3A_130 : i1 to i32
      %cond3A = arith.constant 0 : i32
      %cond3A_131 = arith.cmpi ne, %convert_element_type3A, %cond3A : i32
      scf.if %cond3A_131 {
        %sub3A_503 = arith.constant 5 : i32
        %sub3A_504 = arith.subi %add3A_129, %sub3A_503 : i32
        %dma_wait3A_505 = arith.constant 0 : i32
        %dma_wait3A_506 = arith.constant 0 : i32
        %dma_wait3A_507 = arith.constant 0 : i32
        %dma_wait3A_508 = tpu.memref_slice %arg4[%sub3A_504, %dma_wait3A_505, %add3A, %dma_wait3A_506, %dma_wait3A_507] : memref<200x8x32x8x128xf32, #tpu.memory_space<hbm>> -> memref<1x8x1x8x128xf32, #tpu.memory_space<hbm>>
        %dma_wait3A_509 = tpu.memref_squeeze %dma_wait3A_508 : memref<1x8x1x8x128xf32, #tpu.memory_space<hbm>> -> memref<8x8x128xf32, #tpu.memory_space<hbm>>
        %dma_wait3A_510 = arith.constant 0 : i32
        %dma_wait3A_511 = arith.constant 0 : i32
        %dma_wait3A_512 = arith.constant 0 : i32
        %dma_wait3A_513 = tpu.memref_slice %arg4[%sub3A_504, %dma_wait3A_510, %add3A, %dma_wait3A_511, %dma_wait3A_512] : memref<200x8x32x8x128xf32, #tpu.memory_space<hbm>> -> memref<1x8x1x8x128xf32, #tpu.memory_space<hbm>>
        %dma_wait3A_514 = tpu.memref_squeeze %dma_wait3A_513 : memref<1x8x1x8x128xf32, #tpu.memory_space<hbm>> -> memref<8x8x128xf32, #tpu.memory_space<hbm>>
        tpu.wait_dma2 semaphore(%arg22 : memref<!tpu.dma_semaphore, #tpu.memory_space<semaphore_mem>>) src(%arg12 : memref<8x8x128xf32, #tpu.memory_space<vmem>>) dst(%dma_wait3A_514 : memref<8x8x128xf32, #tpu.memory_space<hbm>>)
      } else {
      }
      %jit3A = arith.constant 8 : i32
      %div3A = arith.divsi %add3A_129, %jit3A : i32
      %sign3A = arith.constant 0 : i32
      %sign3A_132 = arith.cmpi sgt, %add3A_129, %sign3A : i32
      %sign3A_133 = arith.extui %sign3A_132 : i1 to i32
      %sign3A_134 = arith.constant 0 : i32
      %sign3A_135 = arith.cmpi slt, %add3A_129, %sign3A_134 : i32
      %sign3A_136 = arith.extui %sign3A_135 : i1 to i32
      %sign3A_137 = arith.subi %sign3A_133, %sign3A_136 : i32
      %sign3A_138 = arith.constant 0 : i32
      %sign3A_139 = arith.cmpi sgt, %jit3A, %sign3A_138 : i32
      %sign3A_140 = arith.extui %sign3A_139 : i1 to i32
      %sign3A_141 = arith.constant 0 : i32
      %sign3A_142 = arith.cmpi slt, %jit3A, %sign3A_141 : i32
      %sign3A_143 = arith.extui %sign3A_142 : i1 to i32
      %sign3A_144 = arith.subi %sign3A_140, %sign3A_143 : i32
      %ne3A = arith.cmpi ne, %sign3A_137, %sign3A_144 : i32
      %rem3A = arith.remsi %add3A_129, %jit3A : i32
      %ne3A_145 = arith.constant 0 : i32
      %ne3A_146 = arith.cmpi ne, %rem3A, %ne3A_145 : i32
      %and3A = arith.andi %ne3A, %ne3A_146 : i1
      %sub3A = arith.constant 1 : i32
      %sub3A_147 = arith.subi %div3A, %sub3A : i32
      %select_n3A = arith.select %and3A, %sub3A_147, %div3A : i32
      %jit3A_148 = arith.constant 8 : i32
      %eq3A = arith.constant 0 : i32
      %eq3A_149 = arith.cmpi eq, %jit3A_148, %eq3A : i32
      %jit3A_150 = arith.constant 1 : i32
      %select_n3A_151 = arith.select %eq3A_149, %jit3A_150, %jit3A_148 : i32
      %rem3A_152 = arith.remsi %add3A_129, %select_n3A_151 : i32
      %ne3A_153 = arith.constant 0 : i32
      %ne3A_154 = arith.cmpi ne, %rem3A_152, %ne3A_153 : i32
      %lt3A = arith.constant 0 : i32
      %lt3A_155 = arith.cmpi slt, %rem3A_152, %lt3A : i32
      %lt3A_156 = arith.constant 0 : i32
      %lt3A_157 = arith.cmpi slt, %select_n3A_151, %lt3A_156 : i32
      %ne3A_158 = arith.xori %lt3A_155, %lt3A_157 : i1
      %and3A_159 = arith.andi %ne3A_158, %ne3A_154 : i1
      %add3A_160 = arith.addi %rem3A_152, %select_n3A_151 : i32
      %select_n3A_161 = arith.select %and3A_159, %add3A_160, %rem3A_152 : i32
      %dma_wait3A_162 = arith.constant 0 : i32
      %dma_wait3A_163 = tpu.memref_slice %arg5[%select_n3A, %select_n3A_161, %dma_wait3A_162] : memref<25x8x128xi32, #tpu.memory_space<vmem>> -> memref<1x1x128xi32, #tpu.memory_space<vmem>>
      %dma_wait3A_164 = tpu.memref_squeeze %dma_wait3A_163 : memref<1x1x128xi32, #tpu.memory_space<vmem>> -> memref<128xi32, #tpu.memory_space<vmem>>
      %dma_wait3A_165 = arith.constant 0 : i32
      %dma_wait3A_166 = arith.constant 0 : i32
      %dma_wait3A_167 = tpu.memref_slice %arg2[%dma_wait3A_165, %dma_wait3A_166] : memref<1000000x64xf32, #tpu.memory_space<hbm>> -> memref<1000000x64xf32, #tpu.memory_space<hbm>>
      tpu.wait_indirect_dma semaphore(%arg17 : memref<!tpu.dma_semaphore, #tpu.memory_space<semaphore_mem>>) src(%dma_wait3A_167 : memref<1000000x64xf32, #tpu.memory_space<hbm>>) dst(%arg7 : memref<128x64xf32, #tpu.memory_space<vmem>>)
      %parallel_loop3A = arith.constant 0 : i32
      %parallel_loop3A_168 = arith.constant 128 : i32
      %parallel_loop3A_169 = arith.constant 1 : i32
      scf.for %parallel_loop3A_503 = %parallel_loop3A to %parallel_loop3A_168 step %parallel_loop3A_169  : i32 {
        %parallel_loop3A_504 = arith.index_cast %parallel_loop3A_503 : i32 to index
        %parallel_loop3A_505 = arith.constant 0 : index
        %parallel_loop3A_506 = tpu.vector_load %arg7[%parallel_loop3A_504, %parallel_loop3A_505] {strides = array<i32>} : memref<128x64xf32, #tpu.memory_space<vmem>>, vector<16xf32>,
        %parallel_loop3A_507 = arith.constant 8.000000e+00 : f32
        %parallel_loop3A_508 = vector.broadcast %parallel_loop3A_507 : f32 to vector<16xf32>
        %parallel_loop3A_509 = arith.mulf %parallel_loop3A_506, %parallel_loop3A_508 : vector<16xf32>
        %parallel_loop3A_510 = arith.index_cast %parallel_loop3A_503 : i32 to index
        %parallel_loop3A_511 = arith.constant 0 : index
        %parallel_loop3A_512 = tpu.vector_load %arg6[%parallel_loop3A_510, %parallel_loop3A_511] {strides = array<i32>} : memref<128x65xf32, #tpu.memory_space<vmem>>, vector<16xf32>,
        tpu.vector_store %arg6[%parallel_loop3A_510, %parallel_loop3A_511], %parallel_loop3A_509 {strides = array<i32>} : memref<128x65xf32, #tpu.memory_space<vmem>>, vector<16xf32>,
        %parallel_loop3A_513 = arith.index_cast %parallel_loop3A_503 : i32 to index
        %parallel_loop3A_514 = arith.constant 16 : index
        %parallel_loop3A_515 = tpu.vector_load %arg7[%parallel_loop3A_513, %parallel_loop3A_514] {strides = array<i32>} : memref<128x64xf32, #tpu.memory_space<vmem>>, vector<16xf32>,
        %parallel_loop3A_516 = arith.constant 8.000000e+00 : f32
        %parallel_loop3A_517 = vector.broadcast %parallel_loop3A_516 : f32 to vector<16xf32>
        %parallel_loop3A_518 = arith.mulf %parallel_loop3A_515, %parallel_loop3A_517 : vector<16xf32>
        %parallel_loop3A_519 = arith.index_cast %parallel_loop3A_503 : i32 to index
        %parallel_loop3A_520 = arith.constant 16 : index
        %parallel_loop3A_521 = tpu.vector_load %arg6[%parallel_loop3A_519, %parallel_loop3A_520] {strides = array<i32>} : memref<128x65xf32, #tpu.memory_space<vmem>>, vector<16xf32>,
        tpu.vector_store %arg6[%parallel_loop3A_519, %parallel_loop3A_520], %parallel_loop3A_518 {strides = array<i32>} : memref<128x65xf32, #tpu.memory_space<vmem>>, vector<16xf32>,
        %parallel_loop3A_522 = arith.index_cast %parallel_loop3A_503 : i32 to index
        %parallel_loop3A_523 = arith.constant 32 : index
        %parallel_loop3A_524 = tpu.vector_load %arg7[%parallel_loop3A_522, %parallel_loop3A_523] {strides = array<i32>} : memref<128x64xf32, #tpu.memory_space<vmem>>, vector<16xf32>,
        %parallel_loop3A_525 = arith.constant 8.000000e+00 : f32
        %parallel_loop3A_526 = vector.broadcast %parallel_loop3A_525 : f32 to vector<16xf32>
        %parallel_loop3A_527 = arith.mulf %parallel_loop3A_524, %parallel_loop3A_526 : vector<16xf32>
        %parallel_loop3A_528 = arith.index_cast %parallel_loop3A_503 : i32 to index
        %parallel_loop3A_529 = arith.constant 32 : index
        %parallel_loop3A_530 = tpu.vector_load %arg6[%parallel_loop3A_528, %parallel_loop3A_529] {strides = array<i32>} : memref<128x65xf32, #tpu.memory_space<vmem>>, vector<16xf32>,
        tpu.vector_store %arg6[%parallel_loop3A_528, %parallel_loop3A_529], %parallel_loop3A_527 {strides = array<i32>} : memref<128x65xf32, #tpu.memory_space<vmem>>, vector<16xf32>,
        %parallel_loop3A_531 = arith.index_cast %parallel_loop3A_503 : i32 to index
        %parallel_loop3A_532 = arith.constant 48 : index
        %parallel_loop3A_533 = tpu.vector_load %arg7[%parallel_loop3A_531, %parallel_loop3A_532] {strides = array<i32>} : memref<128x64xf32, #tpu.memory_space<vmem>>, vector<16xf32>,
        %parallel_loop3A_534 = arith.constant 8.000000e+00 : f32
        %parallel_loop3A_535 = vector.broadcast %parallel_loop3A_534 : f32 to vector<16xf32>
        %parallel_loop3A_536 = arith.mulf %parallel_loop3A_533, %parallel_loop3A_535 : vector<16xf32>
        %parallel_loop3A_537 = arith.index_cast %parallel_loop3A_503 : i32 to index
        %parallel_loop3A_538 = arith.constant 48 : index
        %parallel_loop3A_539 = tpu.vector_load %arg6[%parallel_loop3A_537, %parallel_loop3A_538] {strides = array<i32>} : memref<128x65xf32, #tpu.memory_space<vmem>>, vector<16xf32>,
        tpu.vector_store %arg6[%parallel_loop3A_537, %parallel_loop3A_538], %parallel_loop3A_536 {strides = array<i32>} : memref<128x65xf32, #tpu.memory_space<vmem>>, vector<16xf32>,
      } {sc.loop_unroll_factor = 2 : i64, sc.parallel_access}
      %parallel_loop3A_170 = arith.constant 0 : i32
      %parallel_loop3A_171 = arith.constant 64 : i32
      %parallel_loop3A_172 = arith.constant 1 : i32
      scf.for %parallel_loop3A_503 = %parallel_loop3A_170 to %parallel_loop3A_171 step %parallel_loop3A_172  : i32 {
        %parallel_loop3A_504 = arith.constant 0 : i32
        %parallel_loop3A_505 = vector.broadcast %parallel_loop3A_504 : i32 to vector<16xi32>
        %parallel_loop3A_506 = vector.broadcast %parallel_loop3A_503 : i32 to vector<16xi32>
        %parallel_loop3A_507 = arith.addi %parallel_loop3A_505, %parallel_loop3A_506 : vector<16xi32>
        %parallel_loop3A_508 = arith.constant 8 : i32
        %parallel_loop3A_509 = arith.divsi %parallel_loop3A_503, %parallel_loop3A_508 : i32
        %parallel_loop3A_510 = arith.constant 0 : i32
        %parallel_loop3A_511 = arith.cmpi sgt, %parallel_loop3A_503, %parallel_loop3A_510 : i32
        %parallel_loop3A_512 = arith.extui %parallel_loop3A_511 : i1 to i32
        %parallel_loop3A_513 = arith.constant 0 : i32
        %parallel_loop3A_514 = arith.cmpi slt, %parallel_loop3A_503, %parallel_loop3A_513 : i32
        %parallel_loop3A_515 = arith.extui %parallel_loop3A_514 : i1 to i32
        %parallel_loop3A_516 = arith.subi %parallel_loop3A_512, %parallel_loop3A_515 : i32
        %parallel_loop3A_517 = arith.constant 0 : i32
        %parallel_loop3A_518 = arith.cmpi sgt, %parallel_loop3A_508, %parallel_loop3A_517 : i32
        %parallel_loop3A_519 = arith.extui %parallel_loop3A_518 : i1 to i32
        %parallel_loop3A_520 = arith.constant 0 : i32
        %parallel_loop3A_521 = arith.cmpi slt, %parallel_loop3A_508, %parallel_loop3A_520 : i32
        %parallel_loop3A_522 = arith.extui %parallel_loop3A_521 : i1 to i32
        %parallel_loop3A_523 = arith.subi %parallel_loop3A_519, %parallel_loop3A_522 : i32
        %parallel_loop3A_524 = arith.cmpi ne, %parallel_loop3A_516, %parallel_loop3A_523 : i32
        %parallel_loop3A_525 = arith.remsi %parallel_loop3A_503, %parallel_loop3A_508 : i32
        %parallel_loop3A_526 = arith.constant 0 : i32
        %parallel_loop3A_527 = arith.cmpi ne, %parallel_loop3A_525, %parallel_loop3A_526 : i32
        %parallel_loop3A_528 = arith.andi %parallel_loop3A_524, %parallel_loop3A_527 : i1
        %parallel_loop3A_529 = arith.constant 1 : i32
        %parallel_loop3A_530 = arith.subi %parallel_loop3A_509, %parallel_loop3A_529 : i32
        %parallel_loop3A_531 = arith.select %parallel_loop3A_528, %parallel_loop3A_530, %parallel_loop3A_509 : i32
        %parallel_loop3A_532 = arith.constant 8 : i32
        %parallel_loop3A_533 = arith.constant 0 : i32
        %parallel_loop3A_534 = arith.cmpi eq, %parallel_loop3A_532, %parallel_loop3A_533 : i32
        %parallel_loop3A_535 = arith.constant 1 : i32
        %parallel_loop3A_536 = arith.select %parallel_loop3A_534, %parallel_loop3A_535, %parallel_loop3A_532 : i32
        %parallel_loop3A_537 = arith.remsi %parallel_loop3A_503, %parallel_loop3A_536 : i32
        %parallel_loop3A_538 = arith.constant 0 : i32
        %parallel_loop3A_539 = arith.cmpi ne, %parallel_loop3A_537, %parallel_loop3A_538 : i32
        %parallel_loop3A_540 = arith.constant 0 : i32
        %parallel_loop3A_541 = arith.cmpi slt, %parallel_loop3A_537, %parallel_loop3A_540 : i32
        %parallel_loop3A_542 = arith.constant 0 : i32
        %parallel_loop3A_543 = arith.cmpi slt, %parallel_loop3A_536, %parallel_loop3A_542 : i32
        %parallel_loop3A_544 = arith.xori %parallel_loop3A_541, %parallel_loop3A_543 : i1
        %parallel_loop3A_545 = arith.andi %parallel_loop3A_544, %parallel_loop3A_539 : i1
        %parallel_loop3A_546 = arith.addi %parallel_loop3A_537, %parallel_loop3A_536 : i32
        %parallel_loop3A_547 = arith.select %parallel_loop3A_545, %parallel_loop3A_546, %parallel_loop3A_537 : i32
        %parallel_loop3A_548 = tpu.vector_load_idx %arg6[%add3A_3, %parallel_loop3A_507] : memref<128x65xf32, #tpu.memory_space<vmem>>[vector<16xi32>, vector<16xi32>], vector<16xf32>,
        %parallel_loop3A_549 = arith.index_cast %parallel_loop3A_531 : i32 to index
        %parallel_loop3A_550 = arith.index_cast %parallel_loop3A_547 : i32 to index
        %parallel_loop3A_551 = arith.constant 0 : index
        %parallel_loop3A_552 = tpu.vector_load %arg12[%parallel_loop3A_549, %parallel_loop3A_550, %parallel_loop3A_551] {strides = array<i32>} : memref<8x8x128xf32, #tpu.memory_space<vmem>>, vector<16xf32>,
        tpu.vector_store %arg12[%parallel_loop3A_549, %parallel_loop3A_550, %parallel_loop3A_551], %parallel_loop3A_548 {strides = array<i32>} : memref<8x8x128xf32, #tpu.memory_space<vmem>>, vector<16xf32>,
        %parallel_loop3A_553 = tpu.vector_load_idx %arg6[%add3A_6, %parallel_loop3A_507] : memref<128x65xf32, #tpu.memory_space<vmem>>[vector<16xi32>, vector<16xi32>], vector<16xf32>,
        %parallel_loop3A_554 = arith.index_cast %parallel_loop3A_531 : i32 to index
        %parallel_loop3A_555 = arith.index_cast %parallel_loop3A_547 : i32 to index
        %parallel_loop3A_556 = arith.constant 16 : index
        %parallel_loop3A_557 = tpu.vector_load %arg12[%parallel_loop3A_554, %parallel_loop3A_555, %parallel_loop3A_556] {strides = array<i32>} : memref<8x8x128xf32, #tpu.memory_space<vmem>>, vector<16xf32>,
        tpu.vector_store %arg12[%parallel_loop3A_554, %parallel_loop3A_555, %parallel_loop3A_556], %parallel_loop3A_553 {strides = array<i32>} : memref<8x8x128xf32, #tpu.memory_space<vmem>>, vector<16xf32>,
        %parallel_loop3A_558 = tpu.vector_load_idx %arg6[%add3A_9, %parallel_loop3A_507] : memref<128x65xf32, #tpu.memory_space<vmem>>[vector<16xi32>, vector<16xi32>], vector<16xf32>,
        %parallel_loop3A_559 = arith.index_cast %parallel_loop3A_531 : i32 to index
        %parallel_loop3A_560 = arith.index_cast %parallel_loop3A_547 : i32 to index
        %parallel_loop3A_561 = arith.constant 32 : index
        %parallel_loop3A_562 = tpu.vector_load %arg12[%parallel_loop3A_559, %parallel_loop3A_560, %parallel_loop3A_561] {strides = array<i32>} : memref<8x8x128xf32, #tpu.memory_space<vmem>>, vector<16xf32>,
        tpu.vector_store %arg12[%parallel_loop3A_559, %parallel_loop3A_560, %parallel_loop3A_561], %parallel_loop3A_558 {strides = array<i32>} : memref<8x8x128xf32, #tpu.memory_space<vmem>>, vector<16xf32>,
        %parallel_loop3A_563 = tpu.vector_load_idx %arg6[%add3A_12, %parallel_loop3A_507] : memref<128x65xf32, #tpu.memory_space<vmem>>[vector<16xi32>, vector<16xi32>], vector<16xf32>,
        %parallel_loop3A_564 = arith.index_cast %parallel_loop3A_531 : i32 to index
        %parallel_loop3A_565 = arith.index_cast %parallel_loop3A_547 : i32 to index
        %parallel_loop3A_566 = arith.constant 48 : index
        %parallel_loop3A_567 = tpu.vector_load %arg12[%parallel_loop3A_564, %parallel_loop3A_565, %parallel_loop3A_566] {strides = array<i32>} : memref<8x8x128xf32, #tpu.memory_space<vmem>>, vector<16xf32>,
        tpu.vector_store %arg12[%parallel_loop3A_564, %parallel_loop3A_565, %parallel_loop3A_566], %parallel_loop3A_563 {strides = array<i32>} : memref<8x8x128xf32, #tpu.memory_space<vmem>>, vector<16xf32>,
        %parallel_loop3A_568 = tpu.vector_load_idx %arg6[%add3A_15, %parallel_loop3A_507] : memref<128x65xf32, #tpu.memory_space<vmem>>[vector<16xi32>, vector<16xi32>], vector<16xf32>,
        %parallel_loop3A_569 = arith.index_cast %parallel_loop3A_531 : i32 to index
        %parallel_loop3A_570 = arith.index_cast %parallel_loop3A_547 : i32 to index
        %parallel_loop3A_571 = arith.constant 64 : index
        %parallel_loop3A_572 = tpu.vector_load %arg12[%parallel_loop3A_569, %parallel_loop3A_570, %parallel_loop3A_571] {strides = array<i32>} : memref<8x8x128xf32, #tpu.memory_space<vmem>>, vector<16xf32>,
        tpu.vector_store %arg12[%parallel_loop3A_569, %parallel_loop3A_570, %parallel_loop3A_571], %parallel_loop3A_568 {strides = array<i32>} : memref<8x8x128xf32, #tpu.memory_space<vmem>>, vector<16xf32>,
        %parallel_loop3A_573 = tpu.vector_load_idx %arg6[%add3A_18, %parallel_loop3A_507] : memref<128x65xf32, #tpu.memory_space<vmem>>[vector<16xi32>, vector<16xi32>], vector<16xf32>,
        %parallel_loop3A_574 = arith.index_cast %parallel_loop3A_531 : i32 to index
        %parallel_loop3A_575 = arith.index_cast %parallel_loop3A_547 : i32 to index
        %parallel_loop3A_576 = arith.constant 80 : index
        %parallel_loop3A_577 = tpu.vector_load %arg12[%parallel_loop3A_574, %parallel_loop3A_575, %parallel_loop3A_576] {strides = array<i32>} : memref<8x8x128xf32, #tpu.memory_space<vmem>>, vector<16xf32>,
        tpu.vector_store %arg12[%parallel_loop3A_574, %parallel_loop3A_575, %parallel_loop3A_576], %parallel_loop3A_573 {strides = array<i32>} : memref<8x8x128xf32, #tpu.memory_space<vmem>>, vector<16xf32>,
        %parallel_loop3A_578 = tpu.vector_load_idx %arg6[%add3A_21, %parallel_loop3A_507] : memref<128x65xf32, #tpu.memory_space<vmem>>[vector<16xi32>, vector<16xi32>], vector<16xf32>,
        %parallel_loop3A_579 = arith.index_cast %parallel_loop3A_531 : i32 to index
        %parallel_loop3A_580 = arith.index_cast %parallel_loop3A_547 : i32 to index
        %parallel_loop3A_581 = arith.constant 96 : index
        %parallel_loop3A_582 = tpu.vector_load %arg12[%parallel_loop3A_579, %parallel_loop3A_580, %parallel_loop3A_581] {strides = array<i32>} : memref<8x8x128xf32, #tpu.memory_space<vmem>>, vector<16xf32>,
        tpu.vector_store %arg12[%parallel_loop3A_579, %parallel_loop3A_580, %parallel_loop3A_581], %parallel_loop3A_578 {strides = array<i32>} : memref<8x8x128xf32, #tpu.memory_space<vmem>>, vector<16xf32>,
        %parallel_loop3A_583 = tpu.vector_load_idx %arg6[%add3A_24, %parallel_loop3A_507] : memref<128x65xf32, #tpu.memory_space<vmem>>[vector<16xi32>, vector<16xi32>], vector<16xf32>,
        %parallel_loop3A_584 = arith.index_cast %parallel_loop3A_531 : i32 to index
        %parallel_loop3A_585 = arith.index_cast %parallel_loop3A_547 : i32 to index
        %parallel_loop3A_586 = arith.constant 112 : index
        %parallel_loop3A_587 = tpu.vector_load %arg12[%parallel_loop3A_584, %parallel_loop3A_585, %parallel_loop3A_586] {strides = array<i32>} : memref<8x8x128xf32, #tpu.memory_space<vmem>>, vector<16xf32>,
        tpu.vector_store %arg12[%parallel_loop3A_584, %parallel_loop3A_585, %parallel_loop3A_586], %parallel_loop3A_583 {strides = array<i32>} : memref<8x8x128xf32, #tpu.memory_space<vmem>>, vector<16xf32>,
      } {sc.loop_unroll_factor = 2 : i64, sc.parallel_access}
      %add3A_173 = arith.constant 5 : i32
      %add3A_174 = arith.addi %add3A_129, %add3A_173 : i32
      %lt3A_175 = arith.constant 200 : i32
      %lt3A_176 = arith.cmpi slt, %add3A_174, %lt3A_175 : i32
      %convert_element_type3A_177 = arith.extui %lt3A_176 : i1 to i32
      %cond3A_178 = arith.constant 0 : i32
      %cond3A_179 = arith.cmpi ne, %convert_element_type3A_177, %cond3A_178 : i32
      scf.if %cond3A_179 {
        %add3A_503 = arith.constant 5 : i32
        %add3A_504 = arith.addi %add3A_129, %add3A_503 : i32
        %jit3A_505 = arith.constant 8 : i32
        %div3A_506 = arith.divsi %add3A_504, %jit3A_505 : i32
        %sign3A_507 = arith.constant 0 : i32
        %sign3A_508 = arith.cmpi sgt, %add3A_504, %sign3A_507 : i32
        %sign3A_509 = arith.extui %sign3A_508 : i1 to i32
        %sign3A_510 = arith.constant 0 : i32
        %sign3A_511 = arith.cmpi slt, %add3A_504, %sign3A_510 : i32
        %sign3A_512 = arith.extui %sign3A_511 : i1 to i32
        %sign3A_513 = arith.subi %sign3A_509, %sign3A_512 : i32
        %sign3A_514 = arith.constant 0 : i32
        %sign3A_515 = arith.cmpi sgt, %jit3A_505, %sign3A_514 : i32
        %sign3A_516 = arith.extui %sign3A_515 : i1 to i32
        %sign3A_517 = arith.constant 0 : i32
        %sign3A_518 = arith.cmpi slt, %jit3A_505, %sign3A_517 : i32
        %sign3A_519 = arith.extui %sign3A_518 : i1 to i32
        %sign3A_520 = arith.subi %sign3A_516, %sign3A_519 : i32
        %ne3A_521 = arith.cmpi ne, %sign3A_513, %sign3A_520 : i32
        %rem3A_522 = arith.remsi %add3A_504, %jit3A_505 : i32
        %ne3A_523 = arith.constant 0 : i32
        %ne3A_524 = arith.cmpi ne, %rem3A_522, %ne3A_523 : i32
        %and3A_525 = arith.andi %ne3A_521, %ne3A_524 : i1
        %sub3A_526 = arith.constant 1 : i32
        %sub3A_527 = arith.subi %div3A_506, %sub3A_526 : i32
        %select_n3A_528 = arith.select %and3A_525, %sub3A_527, %div3A_506 : i32
        %jit3A_529 = arith.constant 8 : i32
        %eq3A_530 = arith.constant 0 : i32
        %eq3A_531 = arith.cmpi eq, %jit3A_529, %eq3A_530 : i32
        %jit3A_532 = arith.constant 1 : i32
        %select_n3A_533 = arith.select %eq3A_531, %jit3A_532, %jit3A_529 : i32
        %rem3A_534 = arith.remsi %add3A_504, %select_n3A_533 : i32
        %ne3A_535 = arith.constant 0 : i32
        %ne3A_536 = arith.cmpi ne, %rem3A_534, %ne3A_535 : i32
        %lt3A_537 = arith.constant 0 : i32
        %lt3A_538 = arith.cmpi slt, %rem3A_534, %lt3A_537 : i32
        %lt3A_539 = arith.constant 0 : i32
        %lt3A_540 = arith.cmpi slt, %select_n3A_533, %lt3A_539 : i32
        %ne3A_541 = arith.xori %lt3A_538, %lt3A_540 : i1
        %and3A_542 = arith.andi %ne3A_541, %ne3A_536 : i1
        %add3A_543 = arith.addi %rem3A_534, %select_n3A_533 : i32
        %select_n3A_544 = arith.select %and3A_542, %add3A_543, %rem3A_534 : i32
        %dma_start3A_545 = arith.constant 0 : i32
        %dma_start3A_546 = tpu.memref_slice %arg5[%select_n3A_528, %select_n3A_544, %dma_start3A_545] : memref<25x8x128xi32, #tpu.memory_space<vmem>> -> memref<1x1x128xi32, #tpu.memory_space<vmem>>
        %dma_start3A_547 = tpu.memref_squeeze %dma_start3A_546 : memref<1x1x128xi32, #tpu.memory_space<vmem>> -> memref<128xi32, #tpu.memory_space<vmem>>
        %dma_start3A_548 = arith.constant 0 : i32
        %dma_start3A_549 = arith.constant 0 : i32
        %dma_start3A_550 = tpu.memref_slice %arg2[%dma_start3A_548, %dma_start3A_549] : memref<1000000x64xf32, #tpu.memory_space<hbm>> -> memref<1000000x64xf32, #tpu.memory_space<hbm>>
        tpu.enqueue_indirect_dma source(%dma_start3A_550 : memref<1000000x64xf32, #tpu.memory_space<hbm>>) target(%arg7 : memref<128x64xf32, #tpu.memory_space<vmem>>) offsets(%dma_start3A_547 : memref<128xi32, #tpu.memory_space<vmem>>) semaphore(%arg17 : memref<!tpu.dma_semaphore, #tpu.memory_space<semaphore_mem>>)
      } else {
      }
      %dma_start3A_180 = arith.constant 0 : i32
      %dma_start3A_181 = arith.constant 0 : i32
      %dma_start3A_182 = arith.constant 0 : i32
      %dma_start3A_183 = tpu.memref_slice %arg4[%add3A_129, %dma_start3A_180, %add3A, %dma_start3A_181, %dma_start3A_182] : memref<200x8x32x8x128xf32, #tpu.memory_space<hbm>> -> memref<1x8x1x8x128xf32, #tpu.memory_space<hbm>>
      %dma_start3A_184 = tpu.memref_squeeze %dma_start3A_183 : memref<1x8x1x8x128xf32, #tpu.memory_space<hbm>> -> memref<8x8x128xf32, #tpu.memory_space<hbm>>
      %dma_start3A_185 = arith.constant 0 : i32
      %dma_start3A_186 = arith.constant 0 : i32
      %dma_start3A_187 = arith.constant 0 : i32
      %dma_start3A_188 = tpu.memref_slice %arg4[%add3A_129, %dma_start3A_185, %add3A, %dma_start3A_186, %dma_start3A_187] : memref<200x8x32x8x128xf32, #tpu.memory_space<hbm>> -> memref<1x8x1x8x128xf32, #tpu.memory_space<hbm>>
      %dma_start3A_189 = tpu.memref_squeeze %dma_start3A_188 : memref<1x8x1x8x128xf32, #tpu.memory_space<hbm>> -> memref<8x8x128xf32, #tpu.memory_space<hbm>>
      tpu.enqueue_dma source(%arg12 : memref<8x8x128xf32, #tpu.memory_space<vmem>>) target(%dma_start3A_189 : memref<8x8x128xf32, #tpu.memory_space<hbm>>) target_semaphore(%arg22 : memref<!tpu.dma_semaphore, #tpu.memory_space<semaphore_mem>>)
      %mul3A_190 = arith.constant 5 : i32
      %mul3A_191 = arith.muli %scan3A_124, %mul3A_190 : i32
      %add3A_192 = arith.constant 1 : i32
      %add3A_193 = arith.addi %mul3A_191, %add3A_192 : i32
      %gt3A_194 = arith.constant 0 : i32
      %gt3A_195 = arith.cmpi sgt, %scan3A_124, %gt3A_194 : i32
      %convert_element_type3A_196 = arith.extui %gt3A_195 : i1 to i32
      %cond3A_197 = arith.constant 0 : i32
      %cond3A_198 = arith.cmpi ne, %convert_element_type3A_196, %cond3A_197 : i32
      scf.if %cond3A_198 {
        %sub3A_503 = arith.constant 5 : i32
        %sub3A_504 = arith.subi %add3A_193, %sub3A_503 : i32
        %dma_wait3A_505 = arith.constant 0 : i32
        %dma_wait3A_506 = arith.constant 0 : i32
        %dma_wait3A_507 = arith.constant 0 : i32
        %dma_wait3A_508 = tpu.memref_slice %arg4[%sub3A_504, %dma_wait3A_505, %add3A, %dma_wait3A_506, %dma_wait3A_507] : memref<200x8x32x8x128xf32, #tpu.memory_space<hbm>> -> memref<1x8x1x8x128xf32, #tpu.memory_space<hbm>>
        %dma_wait3A_509 = tpu.memref_squeeze %dma_wait3A_508 : memref<1x8x1x8x128xf32, #tpu.memory_space<hbm>> -> memref<8x8x128xf32, #tpu.memory_space<hbm>>
        %dma_wait3A_510 = arith.constant 0 : i32
        %dma_wait3A_511 = arith.constant 0 : i32
        %dma_wait3A_512 = arith.constant 0 : i32
        %dma_wait3A_513 = tpu.memref_slice %arg4[%sub3A_504, %dma_wait3A_510, %add3A, %dma_wait3A_511, %dma_wait3A_512] : memref<200x8x32x8x128xf32, #tpu.memory_space<hbm>> -> memref<1x8x1x8x128xf32, #tpu.memory_space<hbm>>
        %dma_wait3A_514 = tpu.memref_squeeze %dma_wait3A_513 : memref<1x8x1x8x128xf32, #tpu.memory_space<hbm>> -> memref<8x8x128xf32, #tpu.memory_space<hbm>>
        tpu.wait_dma2 semaphore(%arg23 : memref<!tpu.dma_semaphore, #tpu.memory_space<semaphore_mem>>) src(%arg13 : memref<8x8x128xf32, #tpu.memory_space<vmem>>) dst(%dma_wait3A_514 : memref<8x8x128xf32, #tpu.memory_space<hbm>>)
      } else {
      }
      %jit3A_199 = arith.constant 8 : i32
      %div3A_200 = arith.divsi %add3A_193, %jit3A_199 : i32
      %sign3A_201 = arith.constant 0 : i32
      %sign3A_202 = arith.cmpi sgt, %add3A_193, %sign3A_201 : i32
      %sign3A_203 = arith.extui %sign3A_202 : i1 to i32
      %sign3A_204 = arith.constant 0 : i32
      %sign3A_205 = arith.cmpi slt, %add3A_193, %sign3A_204 : i32
      %sign3A_206 = arith.extui %sign3A_205 : i1 to i32
      %sign3A_207 = arith.subi %sign3A_203, %sign3A_206 : i32
      %sign3A_208 = arith.constant 0 : i32
      %sign3A_209 = arith.cmpi sgt, %jit3A_199, %sign3A_208 : i32
      %sign3A_210 = arith.extui %sign3A_209 : i1 to i32
      %sign3A_211 = arith.constant 0 : i32
      %sign3A_212 = arith.cmpi slt, %jit3A_199, %sign3A_211 : i32
      %sign3A_213 = arith.extui %sign3A_212 : i1 to i32
      %sign3A_214 = arith.subi %sign3A_210, %sign3A_213 : i32
      %ne3A_215 = arith.cmpi ne, %sign3A_207, %sign3A_214 : i32
      %rem3A_216 = arith.remsi %add3A_193, %jit3A_199 : i32
      %ne3A_217 = arith.constant 0 : i32
      %ne3A_218 = arith.cmpi ne, %rem3A_216, %ne3A_217 : i32
      %and3A_219 = arith.andi %ne3A_215, %ne3A_218 : i1
      %sub3A_220 = arith.constant 1 : i32
      %sub3A_221 = arith.subi %div3A_200, %sub3A_220 : i32
      %select_n3A_222 = arith.select %and3A_219, %sub3A_221, %div3A_200 : i32
      %jit3A_223 = arith.constant 8 : i32
      %eq3A_224 = arith.constant 0 : i32
      %eq3A_225 = arith.cmpi eq, %jit3A_223, %eq3A_224 : i32
      %jit3A_226 = arith.constant 1 : i32
      %select_n3A_227 = arith.select %eq3A_225, %jit3A_226, %jit3A_223 : i32
      %rem3A_228 = arith.remsi %add3A_193, %select_n3A_227 : i32
      %ne3A_229 = arith.constant 0 : i32
      %ne3A_230 = arith.cmpi ne, %rem3A_228, %ne3A_229 : i32
      %lt3A_231 = arith.constant 0 : i32
      %lt3A_232 = arith.cmpi slt, %rem3A_228, %lt3A_231 : i32
      %lt3A_233 = arith.constant 0 : i32
      %lt3A_234 = arith.cmpi slt, %select_n3A_227, %lt3A_233 : i32
      %ne3A_235 = arith.xori %lt3A_232, %lt3A_234 : i1
      %and3A_236 = arith.andi %ne3A_235, %ne3A_230 : i1
      %add3A_237 = arith.addi %rem3A_228, %select_n3A_227 : i32
      %select_n3A_238 = arith.select %and3A_236, %add3A_237, %rem3A_228 : i32
      %dma_wait3A_239 = arith.constant 0 : i32
      %dma_wait3A_240 = tpu.memref_slice %arg5[%select_n3A_222, %select_n3A_238, %dma_wait3A_239] : memref<25x8x128xi32, #tpu.memory_space<vmem>> -> memref<1x1x128xi32, #tpu.memory_space<vmem>>
      %dma_wait3A_241 = tpu.memref_squeeze %dma_wait3A_240 : memref<1x1x128xi32, #tpu.memory_space<vmem>> -> memref<128xi32, #tpu.memory_space<vmem>>
      %dma_wait3A_242 = arith.constant 0 : i32
      %dma_wait3A_243 = arith.constant 0 : i32
      %dma_wait3A_244 = tpu.memref_slice %arg2[%dma_wait3A_242, %dma_wait3A_243] : memref<1000000x64xf32, #tpu.memory_space<hbm>> -> memref<1000000x64xf32, #tpu.memory_space<hbm>>
      tpu.wait_indirect_dma semaphore(%arg18 : memref<!tpu.dma_semaphore, #tpu.memory_space<semaphore_mem>>) src(%dma_wait3A_244 : memref<1000000x64xf32, #tpu.memory_space<hbm>>) dst(%arg8 : memref<128x64xf32, #tpu.memory_space<vmem>>)
      %parallel_loop3A_245 = arith.constant 0 : i32
      %parallel_loop3A_246 = arith.constant 128 : i32
      %parallel_loop3A_247 = arith.constant 1 : i32
      scf.for %parallel_loop3A_503 = %parallel_loop3A_245 to %parallel_loop3A_246 step %parallel_loop3A_247  : i32 {
        %parallel_loop3A_504 = arith.index_cast %parallel_loop3A_503 : i32 to index
        %parallel_loop3A_505 = arith.constant 0 : index
        %parallel_loop3A_506 = tpu.vector_load %arg8[%parallel_loop3A_504, %parallel_loop3A_505] {strides = array<i32>} : memref<128x64xf32, #tpu.memory_space<vmem>>, vector<16xf32>,
        %parallel_loop3A_507 = arith.constant 8.000000e+00 : f32
        %parallel_loop3A_508 = vector.broadcast %parallel_loop3A_507 : f32 to vector<16xf32>
        %parallel_loop3A_509 = arith.mulf %parallel_loop3A_506, %parallel_loop3A_508 : vector<16xf32>
        %parallel_loop3A_510 = arith.index_cast %parallel_loop3A_503 : i32 to index
        %parallel_loop3A_511 = arith.constant 0 : index
        %parallel_loop3A_512 = tpu.vector_load %arg6[%parallel_loop3A_510, %parallel_loop3A_511] {strides = array<i32>} : memref<128x65xf32, #tpu.memory_space<vmem>>, vector<16xf32>,
        tpu.vector_store %arg6[%parallel_loop3A_510, %parallel_loop3A_511], %parallel_loop3A_509 {strides = array<i32>} : memref<128x65xf32, #tpu.memory_space<vmem>>, vector<16xf32>,
        %parallel_loop3A_513 = arith.index_cast %parallel_loop3A_503 : i32 to index
        %parallel_loop3A_514 = arith.constant 16 : index
        %parallel_loop3A_515 = tpu.vector_load %arg8[%parallel_loop3A_513, %parallel_loop3A_514] {strides = array<i32>} : memref<128x64xf32, #tpu.memory_space<vmem>>, vector<16xf32>,
        %parallel_loop3A_516 = arith.constant 8.000000e+00 : f32
        %parallel_loop3A_517 = vector.broadcast %parallel_loop3A_516 : f32 to vector<16xf32>
        %parallel_loop3A_518 = arith.mulf %parallel_loop3A_515, %parallel_loop3A_517 : vector<16xf32>
        %parallel_loop3A_519 = arith.index_cast %parallel_loop3A_503 : i32 to index
        %parallel_loop3A_520 = arith.constant 16 : index
        %parallel_loop3A_521 = tpu.vector_load %arg6[%parallel_loop3A_519, %parallel_loop3A_520] {strides = array<i32>} : memref<128x65xf32, #tpu.memory_space<vmem>>, vector<16xf32>,
        tpu.vector_store %arg6[%parallel_loop3A_519, %parallel_loop3A_520], %parallel_loop3A_518 {strides = array<i32>} : memref<128x65xf32, #tpu.memory_space<vmem>>, vector<16xf32>,
        %parallel_loop3A_522 = arith.index_cast %parallel_loop3A_503 : i32 to index
        %parallel_loop3A_523 = arith.constant 32 : index
        %parallel_loop3A_524 = tpu.vector_load %arg8[%parallel_loop3A_522, %parallel_loop3A_523] {strides = array<i32>} : memref<128x64xf32, #tpu.memory_space<vmem>>, vector<16xf32>,
        %parallel_loop3A_525 = arith.constant 8.000000e+00 : f32
        %parallel_loop3A_526 = vector.broadcast %parallel_loop3A_525 : f32 to vector<16xf32>
        %parallel_loop3A_527 = arith.mulf %parallel_loop3A_524, %parallel_loop3A_526 : vector<16xf32>
        %parallel_loop3A_528 = arith.index_cast %parallel_loop3A_503 : i32 to index
        %parallel_loop3A_529 = arith.constant 32 : index
        %parallel_loop3A_530 = tpu.vector_load %arg6[%parallel_loop3A_528, %parallel_loop3A_529] {strides = array<i32>} : memref<128x65xf32, #tpu.memory_space<vmem>>, vector<16xf32>,
        tpu.vector_store %arg6[%parallel_loop3A_528, %parallel_loop3A_529], %parallel_loop3A_527 {strides = array<i32>} : memref<128x65xf32, #tpu.memory_space<vmem>>, vector<16xf32>,
        %parallel_loop3A_531 = arith.index_cast %parallel_loop3A_503 : i32 to index
        %parallel_loop3A_532 = arith.constant 48 : index
        %parallel_loop3A_533 = tpu.vector_load %arg8[%parallel_loop3A_531, %parallel_loop3A_532] {strides = array<i32>} : memref<128x64xf32, #tpu.memory_space<vmem>>, vector<16xf32>,
        %parallel_loop3A_534 = arith.constant 8.000000e+00 : f32
        %parallel_loop3A_535 = vector.broadcast %parallel_loop3A_534 : f32 to vector<16xf32>
        %parallel_loop3A_536 = arith.mulf %parallel_loop3A_533, %parallel_loop3A_535 : vector<16xf32>
        %parallel_loop3A_537 = arith.index_cast %parallel_loop3A_503 : i32 to index
        %parallel_loop3A_538 = arith.constant 48 : index
        %parallel_loop3A_539 = tpu.vector_load %arg6[%parallel_loop3A_537, %parallel_loop3A_538] {strides = array<i32>} : memref<128x65xf32, #tpu.memory_space<vmem>>, vector<16xf32>,
        tpu.vector_store %arg6[%parallel_loop3A_537, %parallel_loop3A_538], %parallel_loop3A_536 {strides = array<i32>} : memref<128x65xf32, #tpu.memory_space<vmem>>, vector<16xf32>,
      } {sc.loop_unroll_factor = 2 : i64, sc.parallel_access}
      %parallel_loop3A_248 = arith.constant 0 : i32
      %parallel_loop3A_249 = arith.constant 64 : i32
      %parallel_loop3A_250 = arith.constant 1 : i32
      scf.for %parallel_loop3A_503 = %parallel_loop3A_248 to %parallel_loop3A_249 step %parallel_loop3A_250  : i32 {
        %parallel_loop3A_504 = arith.constant 0 : i32
        %parallel_loop3A_505 = vector.broadcast %parallel_loop3A_504 : i32 to vector<16xi32>
        %parallel_loop3A_506 = vector.broadcast %parallel_loop3A_503 : i32 to vector<16xi32>
        %parallel_loop3A_507 = arith.addi %parallel_loop3A_505, %parallel_loop3A_506 : vector<16xi32>
        %parallel_loop3A_508 = arith.constant 8 : i32
        %parallel_loop3A_509 = arith.divsi %parallel_loop3A_503, %parallel_loop3A_508 : i32
        %parallel_loop3A_510 = arith.constant 0 : i32
        %parallel_loop3A_511 = arith.cmpi sgt, %parallel_loop3A_503, %parallel_loop3A_510 : i32
        %parallel_loop3A_512 = arith.extui %parallel_loop3A_511 : i1 to i32
        %parallel_loop3A_513 = arith.constant 0 : i32
        %parallel_loop3A_514 = arith.cmpi slt, %parallel_loop3A_503, %parallel_loop3A_513 : i32
        %parallel_loop3A_515 = arith.extui %parallel_loop3A_514 : i1 to i32
        %parallel_loop3A_516 = arith.subi %parallel_loop3A_512, %parallel_loop3A_515 : i32
        %parallel_loop3A_517 = arith.constant 0 : i32
        %parallel_loop3A_518 = arith.cmpi sgt, %parallel_loop3A_508, %parallel_loop3A_517 : i32
        %parallel_loop3A_519 = arith.extui %parallel_loop3A_518 : i1 to i32
        %parallel_loop3A_520 = arith.constant 0 : i32
        %parallel_loop3A_521 = arith.cmpi slt, %parallel_loop3A_508, %parallel_loop3A_520 : i32
        %parallel_loop3A_522 = arith.extui %parallel_loop3A_521 : i1 to i32
        %parallel_loop3A_523 = arith.subi %parallel_loop3A_519, %parallel_loop3A_522 : i32
        %parallel_loop3A_524 = arith.cmpi ne, %parallel_loop3A_516, %parallel_loop3A_523 : i32
        %parallel_loop3A_525 = arith.remsi %parallel_loop3A_503, %parallel_loop3A_508 : i32
        %parallel_loop3A_526 = arith.constant 0 : i32
        %parallel_loop3A_527 = arith.cmpi ne, %parallel_loop3A_525, %parallel_loop3A_526 : i32
        %parallel_loop3A_528 = arith.andi %parallel_loop3A_524, %parallel_loop3A_527 : i1
        %parallel_loop3A_529 = arith.constant 1 : i32
        %parallel_loop3A_530 = arith.subi %parallel_loop3A_509, %parallel_loop3A_529 : i32
        %parallel_loop3A_531 = arith.select %parallel_loop3A_528, %parallel_loop3A_530, %parallel_loop3A_509 : i32
        %parallel_loop3A_532 = arith.constant 8 : i32
        %parallel_loop3A_533 = arith.constant 0 : i32
        %parallel_loop3A_534 = arith.cmpi eq, %parallel_loop3A_532, %parallel_loop3A_533 : i32
        %parallel_loop3A_535 = arith.constant 1 : i32
        %parallel_loop3A_536 = arith.select %parallel_loop3A_534, %parallel_loop3A_535, %parallel_loop3A_532 : i32
        %parallel_loop3A_537 = arith.remsi %parallel_loop3A_503, %parallel_loop3A_536 : i32
        %parallel_loop3A_538 = arith.constant 0 : i32
        %parallel_loop3A_539 = arith.cmpi ne, %parallel_loop3A_537, %parallel_loop3A_538 : i32
        %parallel_loop3A_540 = arith.constant 0 : i32
        %parallel_loop3A_541 = arith.cmpi slt, %parallel_loop3A_537, %parallel_loop3A_540 : i32
        %parallel_loop3A_542 = arith.constant 0 : i32
        %parallel_loop3A_543 = arith.cmpi slt, %parallel_loop3A_536, %parallel_loop3A_542 : i32
        %parallel_loop3A_544 = arith.xori %parallel_loop3A_541, %parallel_loop3A_543 : i1
        %parallel_loop3A_545 = arith.andi %parallel_loop3A_544, %parallel_loop3A_539 : i1
        %parallel_loop3A_546 = arith.addi %parallel_loop3A_537, %parallel_loop3A_536 : i32
        %parallel_loop3A_547 = arith.select %parallel_loop3A_545, %parallel_loop3A_546, %parallel_loop3A_537 : i32
        %parallel_loop3A_548 = tpu.vector_load_idx %arg6[%add3A_3, %parallel_loop3A_507] : memref<128x65xf32, #tpu.memory_space<vmem>>[vector<16xi32>, vector<16xi32>], vector<16xf32>,
        %parallel_loop3A_549 = arith.index_cast %parallel_loop3A_531 : i32 to index
        %parallel_loop3A_550 = arith.index_cast %parallel_loop3A_547 : i32 to index
        %parallel_loop3A_551 = arith.constant 0 : index
        %parallel_loop3A_552 = tpu.vector_load %arg13[%parallel_loop3A_549, %parallel_loop3A_550, %parallel_loop3A_551] {strides = array<i32>} : memref<8x8x128xf32, #tpu.memory_space<vmem>>, vector<16xf32>,
        tpu.vector_store %arg13[%parallel_loop3A_549, %parallel_loop3A_550, %parallel_loop3A_551], %parallel_loop3A_548 {strides = array<i32>} : memref<8x8x128xf32, #tpu.memory_space<vmem>>, vector<16xf32>,
        %parallel_loop3A_553 = tpu.vector_load_idx %arg6[%add3A_6, %parallel_loop3A_507] : memref<128x65xf32, #tpu.memory_space<vmem>>[vector<16xi32>, vector<16xi32>], vector<16xf32>,
        %parallel_loop3A_554 = arith.index_cast %parallel_loop3A_531 : i32 to index
        %parallel_loop3A_555 = arith.index_cast %parallel_loop3A_547 : i32 to index
        %parallel_loop3A_556 = arith.constant 16 : index
        %parallel_loop3A_557 = tpu.vector_load %arg13[%parallel_loop3A_554, %parallel_loop3A_555, %parallel_loop3A_556] {strides = array<i32>} : memref<8x8x128xf32, #tpu.memory_space<vmem>>, vector<16xf32>,
        tpu.vector_store %arg13[%parallel_loop3A_554, %parallel_loop3A_555, %parallel_loop3A_556], %parallel_loop3A_553 {strides = array<i32>} : memref<8x8x128xf32, #tpu.memory_space<vmem>>, vector<16xf32>,
        %parallel_loop3A_558 = tpu.vector_load_idx %arg6[%add3A_9, %parallel_loop3A_507] : memref<128x65xf32, #tpu.memory_space<vmem>>[vector<16xi32>, vector<16xi32>], vector<16xf32>,
        %parallel_loop3A_559 = arith.index_cast %parallel_loop3A_531 : i32 to index
        %parallel_loop3A_560 = arith.index_cast %parallel_loop3A_547 : i32 to index
        %parallel_loop3A_561 = arith.constant 32 : index
        %parallel_loop3A_562 = tpu.vector_load %arg13[%parallel_loop3A_559, %parallel_loop3A_560, %parallel_loop3A_561] {strides = array<i32>} : memref<8x8x128xf32, #tpu.memory_space<vmem>>, vector<16xf32>,
        tpu.vector_store %arg13[%parallel_loop3A_559, %parallel_loop3A_560, %parallel_loop3A_561], %parallel_loop3A_558 {strides = array<i32>} : memref<8x8x128xf32, #tpu.memory_space<vmem>>, vector<16xf32>,
        %parallel_loop3A_563 = tpu.vector_load_idx %arg6[%add3A_12, %parallel_loop3A_507] : memref<128x65xf32, #tpu.memory_space<vmem>>[vector<16xi32>, vector<16xi32>], vector<16xf32>,
        %parallel_loop3A_564 = arith.index_cast %parallel_loop3A_531 : i32 to index
        %parallel_loop3A_565 = arith.index_cast %parallel_loop3A_547 : i32 to index
        %parallel_loop3A_566 = arith.constant 48 : index
        %parallel_loop3A_567 = tpu.vector_load %arg13[%parallel_loop3A_564, %parallel_loop3A_565, %parallel_loop3A_566] {strides = array<i32>} : memref<8x8x128xf32, #tpu.memory_space<vmem>>, vector<16xf32>,
        tpu.vector_store %arg13[%parallel_loop3A_564, %parallel_loop3A_565, %parallel_loop3A_566], %parallel_loop3A_563 {strides = array<i32>} : memref<8x8x128xf32, #tpu.memory_space<vmem>>, vector<16xf32>,
        %parallel_loop3A_568 = tpu.vector_load_idx %arg6[%add3A_15, %parallel_loop3A_507] : memref<128x65xf32, #tpu.memory_space<vmem>>[vector<16xi32>, vector<16xi32>], vector<16xf32>,
        %parallel_loop3A_569 = arith.index_cast %parallel_loop3A_531 : i32 to index
        %parallel_loop3A_570 = arith.index_cast %parallel_loop3A_547 : i32 to index
        %parallel_loop3A_571 = arith.constant 64 : index
        %parallel_loop3A_572 = tpu.vector_load %arg13[%parallel_loop3A_569, %parallel_loop3A_570, %parallel_loop3A_571] {strides = array<i32>} : memref<8x8x128xf32, #tpu.memory_space<vmem>>, vector<16xf32>,
        tpu.vector_store %arg13[%parallel_loop3A_569, %parallel_loop3A_570, %parallel_loop3A_571], %parallel_loop3A_568 {strides = array<i32>} : memref<8x8x128xf32, #tpu.memory_space<vmem>>, vector<16xf32>,
        %parallel_loop3A_573 = tpu.vector_load_idx %arg6[%add3A_18, %parallel_loop3A_507] : memref<128x65xf32, #tpu.memory_space<vmem>>[vector<16xi32>, vector<16xi32>], vector<16xf32>,
        %parallel_loop3A_574 = arith.index_cast %parallel_loop3A_531 : i32 to index
        %parallel_loop3A_575 = arith.index_cast %parallel_loop3A_547 : i32 to index
        %parallel_loop3A_576 = arith.constant 80 : index
        %parallel_loop3A_577 = tpu.vector_load %arg13[%parallel_loop3A_574, %parallel_loop3A_575, %parallel_loop3A_576] {strides = array<i32>} : memref<8x8x128xf32, #tpu.memory_space<vmem>>, vector<16xf32>,
        tpu.vector_store %arg13[%parallel_loop3A_574, %parallel_loop3A_575, %parallel_loop3A_576], %parallel_loop3A_573 {strides = array<i32>} : memref<8x8x128xf32, #tpu.memory_space<vmem>>, vector<16xf32>,
        %parallel_loop3A_578 = tpu.vector_load_idx %arg6[%add3A_21, %parallel_loop3A_507] : memref<128x65xf32, #tpu.memory_space<vmem>>[vector<16xi32>, vector<16xi32>], vector<16xf32>,
        %parallel_loop3A_579 = arith.index_cast %parallel_loop3A_531 : i32 to index
        %parallel_loop3A_580 = arith.index_cast %parallel_loop3A_547 : i32 to index
        %parallel_loop3A_581 = arith.constant 96 : index
        %parallel_loop3A_582 = tpu.vector_load %arg13[%parallel_loop3A_579, %parallel_loop3A_580, %parallel_loop3A_581] {strides = array<i32>} : memref<8x8x128xf32, #tpu.memory_space<vmem>>, vector<16xf32>,
        tpu.vector_store %arg13[%parallel_loop3A_579, %parallel_loop3A_580, %parallel_loop3A_581], %parallel_loop3A_578 {strides = array<i32>} : memref<8x8x128xf32, #tpu.memory_space<vmem>>, vector<16xf32>,
        %parallel_loop3A_583 = tpu.vector_load_idx %arg6[%add3A_24, %parallel_loop3A_507] : memref<128x65xf32, #tpu.memory_space<vmem>>[vector<16xi32>, vector<16xi32>], vector<16xf32>,
        %parallel_loop3A_584 = arith.index_cast %parallel_loop3A_531 : i32 to index
        %parallel_loop3A_585 = arith.index_cast %parallel_loop3A_547 : i32 to index
        %parallel_loop3A_586 = arith.constant 112 : index
        %parallel_loop3A_587 = tpu.vector_load %arg13[%parallel_loop3A_584, %parallel_loop3A_585, %parallel_loop3A_586] {strides = array<i32>} : memref<8x8x128xf32, #tpu.memory_space<vmem>>, vector<16xf32>,
        tpu.vector_store %arg13[%parallel_loop3A_584, %parallel_loop3A_585, %parallel_loop3A_586], %parallel_loop3A_583 {strides = array<i32>} : memref<8x8x128xf32, #tpu.memory_space<vmem>>, vector<16xf32>,
      } {sc.loop_unroll_factor = 2 : i64, sc.parallel_access}
      %add3A_251 = arith.constant 5 : i32
      %add3A_252 = arith.addi %add3A_193, %add3A_251 : i32
      %lt3A_253 = arith.constant 200 : i32
      %lt3A_254 = arith.cmpi slt, %add3A_252, %lt3A_253 : i32
      %convert_element_type3A_255 = arith.extui %lt3A_254 : i1 to i32
      %cond3A_256 = arith.constant 0 : i32
      %cond3A_257 = arith.cmpi ne, %convert_element_type3A_255, %cond3A_256 : i32
      scf.if %cond3A_257 {
        %add3A_503 = arith.constant 5 : i32
        %add3A_504 = arith.addi %add3A_193, %add3A_503 : i32
        %jit3A_505 = arith.constant 8 : i32
        %div3A_506 = arith.divsi %add3A_504, %jit3A_505 : i32
        %sign3A_507 = arith.constant 0 : i32
        %sign3A_508 = arith.cmpi sgt, %add3A_504, %sign3A_507 : i32
        %sign3A_509 = arith.extui %sign3A_508 : i1 to i32
        %sign3A_510 = arith.constant 0 : i32
        %sign3A_511 = arith.cmpi slt, %add3A_504, %sign3A_510 : i32
        %sign3A_512 = arith.extui %sign3A_511 : i1 to i32
        %sign3A_513 = arith.subi %sign3A_509, %sign3A_512 : i32
        %sign3A_514 = arith.constant 0 : i32
        %sign3A_515 = arith.cmpi sgt, %jit3A_505, %sign3A_514 : i32
        %sign3A_516 = arith.extui %sign3A_515 : i1 to i32
        %sign3A_517 = arith.constant 0 : i32
        %sign3A_518 = arith.cmpi slt, %jit3A_505, %sign3A_517 : i32
        %sign3A_519 = arith.extui %sign3A_518 : i1 to i32
        %sign3A_520 = arith.subi %sign3A_516, %sign3A_519 : i32
        %ne3A_521 = arith.cmpi ne, %sign3A_513, %sign3A_520 : i32
        %rem3A_522 = arith.remsi %add3A_504, %jit3A_505 : i32
        %ne3A_523 = arith.constant 0 : i32
        %ne3A_524 = arith.cmpi ne, %rem3A_522, %ne3A_523 : i32
        %and3A_525 = arith.andi %ne3A_521, %ne3A_524 : i1
        %sub3A_526 = arith.constant 1 : i32
        %sub3A_527 = arith.subi %div3A_506, %sub3A_526 : i32
        %select_n3A_528 = arith.select %and3A_525, %sub3A_527, %div3A_506 : i32
        %jit3A_529 = arith.constant 8 : i32
        %eq3A_530 = arith.constant 0 : i32
        %eq3A_531 = arith.cmpi eq, %jit3A_529, %eq3A_530 : i32
        %jit3A_532 = arith.constant 1 : i32
        %select_n3A_533 = arith.select %eq3A_531, %jit3A_532, %jit3A_529 : i32
        %rem3A_534 = arith.remsi %add3A_504, %select_n3A_533 : i32
        %ne3A_535 = arith.constant 0 : i32
        %ne3A_536 = arith.cmpi ne, %rem3A_534, %ne3A_535 : i32
        %lt3A_537 = arith.constant 0 : i32
        %lt3A_538 = arith.cmpi slt, %rem3A_534, %lt3A_537 : i32
        %lt3A_539 = arith.constant 0 : i32
        %lt3A_540 = arith.cmpi slt, %select_n3A_533, %lt3A_539 : i32
        %ne3A_541 = arith.xori %lt3A_538, %lt3A_540 : i1
        %and3A_542 = arith.andi %ne3A_541, %ne3A_536 : i1
        %add3A_543 = arith.addi %rem3A_534, %select_n3A_533 : i32
        %select_n3A_544 = arith.select %and3A_542, %add3A_543, %rem3A_534 : i32
        %dma_start3A_545 = arith.constant 0 : i32
        %dma_start3A_546 = tpu.memref_slice %arg5[%select_n3A_528, %select_n3A_544, %dma_start3A_545] : memref<25x8x128xi32, #tpu.memory_space<vmem>> -> memref<1x1x128xi32, #tpu.memory_space<vmem>>
        %dma_start3A_547 = tpu.memref_squeeze %dma_start3A_546 : memref<1x1x128xi32, #tpu.memory_space<vmem>> -> memref<128xi32, #tpu.memory_space<vmem>>
        %dma_start3A_548 = arith.constant 0 : i32
        %dma_start3A_549 = arith.constant 0 : i32
        %dma_start3A_550 = tpu.memref_slice %arg2[%dma_start3A_548, %dma_start3A_549] : memref<1000000x64xf32, #tpu.memory_space<hbm>> -> memref<1000000x64xf32, #tpu.memory_space<hbm>>
        tpu.enqueue_indirect_dma source(%dma_start3A_550 : memref<1000000x64xf32, #tpu.memory_space<hbm>>) target(%arg8 : memref<128x64xf32, #tpu.memory_space<vmem>>) offsets(%dma_start3A_547 : memref<128xi32, #tpu.memory_space<vmem>>) semaphore(%arg18 : memref<!tpu.dma_semaphore, #tpu.memory_space<semaphore_mem>>)
      } else {
      }
      %dma_start3A_258 = arith.constant 0 : i32
      %dma_start3A_259 = arith.constant 0 : i32
      %dma_start3A_260 = arith.constant 0 : i32
      %dma_start3A_261 = tpu.memref_slice %arg4[%add3A_193, %dma_start3A_258, %add3A, %dma_start3A_259, %dma_start3A_260] : memref<200x8x32x8x128xf32, #tpu.memory_space<hbm>> -> memref<1x8x1x8x128xf32, #tpu.memory_space<hbm>>
      %dma_start3A_262 = tpu.memref_squeeze %dma_start3A_261 : memref<1x8x1x8x128xf32, #tpu.memory_space<hbm>> -> memref<8x8x128xf32, #tpu.memory_space<hbm>>
      %dma_start3A_263 = arith.constant 0 : i32
      %dma_start3A_264 = arith.constant 0 : i32
      %dma_start3A_265 = arith.constant 0 : i32
      %dma_start3A_266 = tpu.memref_slice %arg4[%add3A_193, %dma_start3A_263, %add3A, %dma_start3A_264, %dma_start3A_265] : memref<200x8x32x8x128xf32, #tpu.memory_space<hbm>> -> memref<1x8x1x8x128xf32, #tpu.memory_space<hbm>>
      %dma_start3A_267 = tpu.memref_squeeze %dma_start3A_266 : memref<1x8x1x8x128xf32, #tpu.memory_space<hbm>> -> memref<8x8x128xf32, #tpu.memory_space<hbm>>
      tpu.enqueue_dma source(%arg13 : memref<8x8x128xf32, #tpu.memory_space<vmem>>) target(%dma_start3A_267 : memref<8x8x128xf32, #tpu.memory_space<hbm>>) target_semaphore(%arg23 : memref<!tpu.dma_semaphore, #tpu.memory_space<semaphore_mem>>)
      %mul3A_268 = arith.constant 5 : i32
      %mul3A_269 = arith.muli %scan3A_124, %mul3A_268 : i32
      %add3A_270 = arith.constant 2 : i32
      %add3A_271 = arith.addi %mul3A_269, %add3A_270 : i32
      %gt3A_272 = arith.constant 0 : i32
      %gt3A_273 = arith.cmpi sgt, %scan3A_124, %gt3A_272 : i32
      %convert_element_type3A_274 = arith.extui %gt3A_273 : i1 to i32
      %cond3A_275 = arith.constant 0 : i32
      %cond3A_276 = arith.cmpi ne, %convert_element_type3A_274, %cond3A_275 : i32
      scf.if %cond3A_276 {
        %sub3A_503 = arith.constant 5 : i32
        %sub3A_504 = arith.subi %add3A_271, %sub3A_503 : i32
        %dma_wait3A_505 = arith.constant 0 : i32
        %dma_wait3A_506 = arith.constant 0 : i32
        %dma_wait3A_507 = arith.constant 0 : i32
        %dma_wait3A_508 = tpu.memref_slice %arg4[%sub3A_504, %dma_wait3A_505, %add3A, %dma_wait3A_506, %dma_wait3A_507] : memref<200x8x32x8x128xf32, #tpu.memory_space<hbm>> -> memref<1x8x1x8x128xf32, #tpu.memory_space<hbm>>
        %dma_wait3A_509 = tpu.memref_squeeze %dma_wait3A_508 : memref<1x8x1x8x128xf32, #tpu.memory_space<hbm>> -> memref<8x8x128xf32, #tpu.memory_space<hbm>>
        %dma_wait3A_510 = arith.constant 0 : i32
        %dma_wait3A_511 = arith.constant 0 : i32
        %dma_wait3A_512 = arith.constant 0 : i32
        %dma_wait3A_513 = tpu.memref_slice %arg4[%sub3A_504, %dma_wait3A_510, %add3A, %dma_wait3A_511, %dma_wait3A_512] : memref<200x8x32x8x128xf32, #tpu.memory_space<hbm>> -> memref<1x8x1x8x128xf32, #tpu.memory_space<hbm>>
        %dma_wait3A_514 = tpu.memref_squeeze %dma_wait3A_513 : memref<1x8x1x8x128xf32, #tpu.memory_space<hbm>> -> memref<8x8x128xf32, #tpu.memory_space<hbm>>
        tpu.wait_dma2 semaphore(%arg24 : memref<!tpu.dma_semaphore, #tpu.memory_space<semaphore_mem>>) src(%arg14 : memref<8x8x128xf32, #tpu.memory_space<vmem>>) dst(%dma_wait3A_514 : memref<8x8x128xf32, #tpu.memory_space<hbm>>)
      } else {
      }
      %jit3A_277 = arith.constant 8 : i32
      %div3A_278 = arith.divsi %add3A_271, %jit3A_277 : i32
      %sign3A_279 = arith.constant 0 : i32
      %sign3A_280 = arith.cmpi sgt, %add3A_271, %sign3A_279 : i32
      %sign3A_281 = arith.extui %sign3A_280 : i1 to i32
      %sign3A_282 = arith.constant 0 : i32
      %sign3A_283 = arith.cmpi slt, %add3A_271, %sign3A_282 : i32
      %sign3A_284 = arith.extui %sign3A_283 : i1 to i32
      %sign3A_285 = arith.subi %sign3A_281, %sign3A_284 : i32
      %sign3A_286 = arith.constant 0 : i32
      %sign3A_287 = arith.cmpi sgt, %jit3A_277, %sign3A_286 : i32
      %sign3A_288 = arith.extui %sign3A_287 : i1 to i32
      %sign3A_289 = arith.constant 0 : i32
      %sign3A_290 = arith.cmpi slt, %jit3A_277, %sign3A_289 : i32
      %sign3A_291 = arith.extui %sign3A_290 : i1 to i32
      %sign3A_292 = arith.subi %sign3A_288, %sign3A_291 : i32
      %ne3A_293 = arith.cmpi ne, %sign3A_285, %sign3A_292 : i32
      %rem3A_294 = arith.remsi %add3A_271, %jit3A_277 : i32
      %ne3A_295 = arith.constant 0 : i32
      %ne3A_296 = arith.cmpi ne, %rem3A_294, %ne3A_295 : i32
      %and3A_297 = arith.andi %ne3A_293, %ne3A_296 : i1
      %sub3A_298 = arith.constant 1 : i32
      %sub3A_299 = arith.subi %div3A_278, %sub3A_298 : i32
      %select_n3A_300 = arith.select %and3A_297, %sub3A_299, %div3A_278 : i32
      %jit3A_301 = arith.constant 8 : i32
      %eq3A_302 = arith.constant 0 : i32
      %eq3A_303 = arith.cmpi eq, %jit3A_301, %eq3A_302 : i32
      %jit3A_304 = arith.constant 1 : i32
      %select_n3A_305 = arith.select %eq3A_303, %jit3A_304, %jit3A_301 : i32
      %rem3A_306 = arith.remsi %add3A_271, %select_n3A_305 : i32
      %ne3A_307 = arith.constant 0 : i32
      %ne3A_308 = arith.cmpi ne, %rem3A_306, %ne3A_307 : i32
      %lt3A_309 = arith.constant 0 : i32
      %lt3A_310 = arith.cmpi slt, %rem3A_306, %lt3A_309 : i32
      %lt3A_311 = arith.constant 0 : i32
      %lt3A_312 = arith.cmpi slt, %select_n3A_305, %lt3A_311 : i32
      %ne3A_313 = arith.xori %lt3A_310, %lt3A_312 : i1
      %and3A_314 = arith.andi %ne3A_313, %ne3A_308 : i1
      %add3A_315 = arith.addi %rem3A_306, %select_n3A_305 : i32
      %select_n3A_316 = arith.select %and3A_314, %add3A_315, %rem3A_306 : i32
      %dma_wait3A_317 = arith.constant 0 : i32
      %dma_wait3A_318 = tpu.memref_slice %arg5[%select_n3A_300, %select_n3A_316, %dma_wait3A_317] : memref<25x8x128xi32, #tpu.memory_space<vmem>> -> memref<1x1x128xi32, #tpu.memory_space<vmem>>
      %dma_wait3A_319 = tpu.memref_squeeze %dma_wait3A_318 : memref<1x1x128xi32, #tpu.memory_space<vmem>> -> memref<128xi32, #tpu.memory_space<vmem>>
      %dma_wait3A_320 = arith.constant 0 : i32
      %dma_wait3A_321 = arith.constant 0 : i32
      %dma_wait3A_322 = tpu.memref_slice %arg2[%dma_wait3A_320, %dma_wait3A_321] : memref<1000000x64xf32, #tpu.memory_space<hbm>> -> memref<1000000x64xf32, #tpu.memory_space<hbm>>
      tpu.wait_indirect_dma semaphore(%arg19 : memref<!tpu.dma_semaphore, #tpu.memory_space<semaphore_mem>>) src(%dma_wait3A_322 : memref<1000000x64xf32, #tpu.memory_space<hbm>>) dst(%arg9 : memref<128x64xf32, #tpu.memory_space<vmem>>)
      %parallel_loop3A_323 = arith.constant 0 : i32
      %parallel_loop3A_324 = arith.constant 128 : i32
      %parallel_loop3A_325 = arith.constant 1 : i32
      scf.for %parallel_loop3A_503 = %parallel_loop3A_323 to %parallel_loop3A_324 step %parallel_loop3A_325  : i32 {
        %parallel_loop3A_504 = arith.index_cast %parallel_loop3A_503 : i32 to index
        %parallel_loop3A_505 = arith.constant 0 : index
        %parallel_loop3A_506 = tpu.vector_load %arg9[%parallel_loop3A_504, %parallel_loop3A_505] {strides = array<i32>} : memref<128x64xf32, #tpu.memory_space<vmem>>, vector<16xf32>,
        %parallel_loop3A_507 = arith.constant 8.000000e+00 : f32
        %parallel_loop3A_508 = vector.broadcast %parallel_loop3A_507 : f32 to vector<16xf32>
        %parallel_loop3A_509 = arith.mulf %parallel_loop3A_506, %parallel_loop3A_508 : vector<16xf32>
        %parallel_loop3A_510 = arith.index_cast %parallel_loop3A_503 : i32 to index
        %parallel_loop3A_511 = arith.constant 0 : index
        %parallel_loop3A_512 = tpu.vector_load %arg6[%parallel_loop3A_510, %parallel_loop3A_511] {strides = array<i32>} : memref<128x65xf32, #tpu.memory_space<vmem>>, vector<16xf32>,
        tpu.vector_store %arg6[%parallel_loop3A_510, %parallel_loop3A_511], %parallel_loop3A_509 {strides = array<i32>} : memref<128x65xf32, #tpu.memory_space<vmem>>, vector<16xf32>,
        %parallel_loop3A_513 = arith.index_cast %parallel_loop3A_503 : i32 to index
        %parallel_loop3A_514 = arith.constant 16 : index
        %parallel_loop3A_515 = tpu.vector_load %arg9[%parallel_loop3A_513, %parallel_loop3A_514] {strides = array<i32>} : memref<128x64xf32, #tpu.memory_space<vmem>>, vector<16xf32>,
        %parallel_loop3A_516 = arith.constant 8.000000e+00 : f32
        %parallel_loop3A_517 = vector.broadcast %parallel_loop3A_516 : f32 to vector<16xf32>
        %parallel_loop3A_518 = arith.mulf %parallel_loop3A_515, %parallel_loop3A_517 : vector<16xf32>
        %parallel_loop3A_519 = arith.index_cast %parallel_loop3A_503 : i32 to index
        %parallel_loop3A_520 = arith.constant 16 : index
        %parallel_loop3A_521 = tpu.vector_load %arg6[%parallel_loop3A_519, %parallel_loop3A_520] {strides = array<i32>} : memref<128x65xf32, #tpu.memory_space<vmem>>, vector<16xf32>,
        tpu.vector_store %arg6[%parallel_loop3A_519, %parallel_loop3A_520], %parallel_loop3A_518 {strides = array<i32>} : memref<128x65xf32, #tpu.memory_space<vmem>>, vector<16xf32>,
        %parallel_loop3A_522 = arith.index_cast %parallel_loop3A_503 : i32 to index
        %parallel_loop3A_523 = arith.constant 32 : index
        %parallel_loop3A_524 = tpu.vector_load %arg9[%parallel_loop3A_522, %parallel_loop3A_523] {strides = array<i32>} : memref<128x64xf32, #tpu.memory_space<vmem>>, vector<16xf32>,
        %parallel_loop3A_525 = arith.constant 8.000000e+00 : f32
        %parallel_loop3A_526 = vector.broadcast %parallel_loop3A_525 : f32 to vector<16xf32>
        %parallel_loop3A_527 = arith.mulf %parallel_loop3A_524, %parallel_loop3A_526 : vector<16xf32>
        %parallel_loop3A_528 = arith.index_cast %parallel_loop3A_503 : i32 to index
        %parallel_loop3A_529 = arith.constant 32 : index
        %parallel_loop3A_530 = tpu.vector_load %arg6[%parallel_loop3A_528, %parallel_loop3A_529] {strides = array<i32>} : memref<128x65xf32, #tpu.memory_space<vmem>>, vector<16xf32>,
        tpu.vector_store %arg6[%parallel_loop3A_528, %parallel_loop3A_529], %parallel_loop3A_527 {strides = array<i32>} : memref<128x65xf32, #tpu.memory_space<vmem>>, vector<16xf32>,
        %parallel_loop3A_531 = arith.index_cast %parallel_loop3A_503 : i32 to index
        %parallel_loop3A_532 = arith.constant 48 : index
        %parallel_loop3A_533 = tpu.vector_load %arg9[%parallel_loop3A_531, %parallel_loop3A_532] {strides = array<i32>} : memref<128x64xf32, #tpu.memory_space<vmem>>, vector<16xf32>,
        %parallel_loop3A_534 = arith.constant 8.000000e+00 : f32
        %parallel_loop3A_535 = vector.broadcast %parallel_loop3A_534 : f32 to vector<16xf32>
        %parallel_loop3A_536 = arith.mulf %parallel_loop3A_533, %parallel_loop3A_535 : vector<16xf32>
        %parallel_loop3A_537 = arith.index_cast %parallel_loop3A_503 : i32 to index
        %parallel_loop3A_538 = arith.constant 48 : index
        %parallel_loop3A_539 = tpu.vector_load %arg6[%parallel_loop3A_537, %parallel_loop3A_538] {strides = array<i32>} : memref<128x65xf32, #tpu.memory_space<vmem>>, vector<16xf32>,
        tpu.vector_store %arg6[%parallel_loop3A_537, %parallel_loop3A_538], %parallel_loop3A_536 {strides = array<i32>} : memref<128x65xf32, #tpu.memory_space<vmem>>, vector<16xf32>,
      } {sc.loop_unroll_factor = 2 : i64, sc.parallel_access}
      %parallel_loop3A_326 = arith.constant 0 : i32
      %parallel_loop3A_327 = arith.constant 64 : i32
      %parallel_loop3A_328 = arith.constant 1 : i32
      scf.for %parallel_loop3A_503 = %parallel_loop3A_326 to %parallel_loop3A_327 step %parallel_loop3A_328  : i32 {
        %parallel_loop3A_504 = arith.constant 0 : i32
        %parallel_loop3A_505 = vector.broadcast %parallel_loop3A_504 : i32 to vector<16xi32>
        %parallel_loop3A_506 = vector.broadcast %parallel_loop3A_503 : i32 to vector<16xi32>
        %parallel_loop3A_507 = arith.addi %parallel_loop3A_505, %parallel_loop3A_506 : vector<16xi32>
        %parallel_loop3A_508 = arith.constant 8 : i32
        %parallel_loop3A_509 = arith.divsi %parallel_loop3A_503, %parallel_loop3A_508 : i32
        %parallel_loop3A_510 = arith.constant 0 : i32
        %parallel_loop3A_511 = arith.cmpi sgt, %parallel_loop3A_503, %parallel_loop3A_510 : i32
        %parallel_loop3A_512 = arith.extui %parallel_loop3A_511 : i1 to i32
        %parallel_loop3A_513 = arith.constant 0 : i32
        %parallel_loop3A_514 = arith.cmpi slt, %parallel_loop3A_503, %parallel_loop3A_513 : i32
        %parallel_loop3A_515 = arith.extui %parallel_loop3A_514 : i1 to i32
        %parallel_loop3A_516 = arith.subi %parallel_loop3A_512, %parallel_loop3A_515 : i32
        %parallel_loop3A_517 = arith.constant 0 : i32
        %parallel_loop3A_518 = arith.cmpi sgt, %parallel_loop3A_508, %parallel_loop3A_517 : i32
        %parallel_loop3A_519 = arith.extui %parallel_loop3A_518 : i1 to i32
        %parallel_loop3A_520 = arith.constant 0 : i32
        %parallel_loop3A_521 = arith.cmpi slt, %parallel_loop3A_508, %parallel_loop3A_520 : i32
        %parallel_loop3A_522 = arith.extui %parallel_loop3A_521 : i1 to i32
        %parallel_loop3A_523 = arith.subi %parallel_loop3A_519, %parallel_loop3A_522 : i32
        %parallel_loop3A_524 = arith.cmpi ne, %parallel_loop3A_516, %parallel_loop3A_523 : i32
        %parallel_loop3A_525 = arith.remsi %parallel_loop3A_503, %parallel_loop3A_508 : i32
        %parallel_loop3A_526 = arith.constant 0 : i32
        %parallel_loop3A_527 = arith.cmpi ne, %parallel_loop3A_525, %parallel_loop3A_526 : i32
        %parallel_loop3A_528 = arith.andi %parallel_loop3A_524, %parallel_loop3A_527 : i1
        %parallel_loop3A_529 = arith.constant 1 : i32
        %parallel_loop3A_530 = arith.subi %parallel_loop3A_509, %parallel_loop3A_529 : i32
        %parallel_loop3A_531 = arith.select %parallel_loop3A_528, %parallel_loop3A_530, %parallel_loop3A_509 : i32
        %parallel_loop3A_532 = arith.constant 8 : i32
        %parallel_loop3A_533 = arith.constant 0 : i32
        %parallel_loop3A_534 = arith.cmpi eq, %parallel_loop3A_532, %parallel_loop3A_533 : i32
        %parallel_loop3A_535 = arith.constant 1 : i32
        %parallel_loop3A_536 = arith.select %parallel_loop3A_534, %parallel_loop3A_535, %parallel_loop3A_532 : i32
        %parallel_loop3A_537 = arith.remsi %parallel_loop3A_503, %parallel_loop3A_536 : i32
        %parallel_loop3A_538 = arith.constant 0 : i32
        %parallel_loop3A_539 = arith.cmpi ne, %parallel_loop3A_537, %parallel_loop3A_538 : i32
        %parallel_loop3A_540 = arith.constant 0 : i32
        %parallel_loop3A_541 = arith.cmpi slt, %parallel_loop3A_537, %parallel_loop3A_540 : i32
        %parallel_loop3A_542 = arith.constant 0 : i32
        %parallel_loop3A_543 = arith.cmpi slt, %parallel_loop3A_536, %parallel_loop3A_542 : i32
        %parallel_loop3A_544 = arith.xori %parallel_loop3A_541, %parallel_loop3A_543 : i1
        %parallel_loop3A_545 = arith.andi %parallel_loop3A_544, %parallel_loop3A_539 : i1
        %parallel_loop3A_546 = arith.addi %parallel_loop3A_537, %parallel_loop3A_536 : i32
        %parallel_loop3A_547 = arith.select %parallel_loop3A_545, %parallel_loop3A_546, %parallel_loop3A_537 : i32
        %parallel_loop3A_548 = tpu.vector_load_idx %arg6[%add3A_3, %parallel_loop3A_507] : memref<128x65xf32, #tpu.memory_space<vmem>>[vector<16xi32>, vector<16xi32>], vector<16xf32>,
        %parallel_loop3A_549 = arith.index_cast %parallel_loop3A_531 : i32 to index
        %parallel_loop3A_550 = arith.index_cast %parallel_loop3A_547 : i32 to index
        %parallel_loop3A_551 = arith.constant 0 : index
        %parallel_loop3A_552 = tpu.vector_load %arg14[%parallel_loop3A_549, %parallel_loop3A_550, %parallel_loop3A_551] {strides = array<i32>} : memref<8x8x128xf32, #tpu.memory_space<vmem>>, vector<16xf32>,
        tpu.vector_store %arg14[%parallel_loop3A_549, %parallel_loop3A_550, %parallel_loop3A_551], %parallel_loop3A_548 {strides = array<i32>} : memref<8x8x128xf32, #tpu.memory_space<vmem>>, vector<16xf32>,
        %parallel_loop3A_553 = tpu.vector_load_idx %arg6[%add3A_6, %parallel_loop3A_507] : memref<128x65xf32, #tpu.memory_space<vmem>>[vector<16xi32>, vector<16xi32>], vector<16xf32>,
        %parallel_loop3A_554 = arith.index_cast %parallel_loop3A_531 : i32 to index
        %parallel_loop3A_555 = arith.index_cast %parallel_loop3A_547 : i32 to index
        %parallel_loop3A_556 = arith.constant 16 : index
        %parallel_loop3A_557 = tpu.vector_load %arg14[%parallel_loop3A_554, %parallel_loop3A_555, %parallel_loop3A_556] {strides = array<i32>} : memref<8x8x128xf32, #tpu.memory_space<vmem>>, vector<16xf32>,
        tpu.vector_store %arg14[%parallel_loop3A_554, %parallel_loop3A_555, %parallel_loop3A_556], %parallel_loop3A_553 {strides = array<i32>} : memref<8x8x128xf32, #tpu.memory_space<vmem>>, vector<16xf32>,
        %parallel_loop3A_558 = tpu.vector_load_idx %arg6[%add3A_9, %parallel_loop3A_507] : memref<128x65xf32, #tpu.memory_space<vmem>>[vector<16xi32>, vector<16xi32>], vector<16xf32>,
        %parallel_loop3A_559 = arith.index_cast %parallel_loop3A_531 : i32 to index
        %parallel_loop3A_560 = arith.index_cast %parallel_loop3A_547 : i32 to index
        %parallel_loop3A_561 = arith.constant 32 : index
        %parallel_loop3A_562 = tpu.vector_load %arg14[%parallel_loop3A_559, %parallel_loop3A_560, %parallel_loop3A_561] {strides = array<i32>} : memref<8x8x128xf32, #tpu.memory_space<vmem>>, vector<16xf32>,
        tpu.vector_store %arg14[%parallel_loop3A_559, %parallel_loop3A_560, %parallel_loop3A_561], %parallel_loop3A_558 {strides = array<i32>} : memref<8x8x128xf32, #tpu.memory_space<vmem>>, vector<16xf32>,
        %parallel_loop3A_563 = tpu.vector_load_idx %arg6[%add3A_12, %parallel_loop3A_507] : memref<128x65xf32, #tpu.memory_space<vmem>>[vector<16xi32>, vector<16xi32>], vector<16xf32>,
        %parallel_loop3A_564 = arith.index_cast %parallel_loop3A_531 : i32 to index
        %parallel_loop3A_565 = arith.index_cast %parallel_loop3A_547 : i32 to index
        %parallel_loop3A_566 = arith.constant 48 : index
        %parallel_loop3A_567 = tpu.vector_load %arg14[%parallel_loop3A_564, %parallel_loop3A_565, %parallel_loop3A_566] {strides = array<i32>} : memref<8x8x128xf32, #tpu.memory_space<vmem>>, vector<16xf32>,
        tpu.vector_store %arg14[%parallel_loop3A_564, %parallel_loop3A_565, %parallel_loop3A_566], %parallel_loop3A_563 {strides = array<i32>} : memref<8x8x128xf32, #tpu.memory_space<vmem>>, vector<16xf32>,
        %parallel_loop3A_568 = tpu.vector_load_idx %arg6[%add3A_15, %parallel_loop3A_507] : memref<128x65xf32, #tpu.memory_space<vmem>>[vector<16xi32>, vector<16xi32>], vector<16xf32>,
        %parallel_loop3A_569 = arith.index_cast %parallel_loop3A_531 : i32 to index
        %parallel_loop3A_570 = arith.index_cast %parallel_loop3A_547 : i32 to index
        %parallel_loop3A_571 = arith.constant 64 : index
        %parallel_loop3A_572 = tpu.vector_load %arg14[%parallel_loop3A_569, %parallel_loop3A_570, %parallel_loop3A_571] {strides = array<i32>} : memref<8x8x128xf32, #tpu.memory_space<vmem>>, vector<16xf32>,
        tpu.vector_store %arg14[%parallel_loop3A_569, %parallel_loop3A_570, %parallel_loop3A_571], %parallel_loop3A_568 {strides = array<i32>} : memref<8x8x128xf32, #tpu.memory_space<vmem>>, vector<16xf32>,
        %parallel_loop3A_573 = tpu.vector_load_idx %arg6[%add3A_18, %parallel_loop3A_507] : memref<128x65xf32, #tpu.memory_space<vmem>>[vector<16xi32>, vector<16xi32>], vector<16xf32>,
        %parallel_loop3A_574 = arith.index_cast %parallel_loop3A_531 : i32 to index
        %parallel_loop3A_575 = arith.index_cast %parallel_loop3A_547 : i32 to index
        %parallel_loop3A_576 = arith.constant 80 : index
        %parallel_loop3A_577 = tpu.vector_load %arg14[%parallel_loop3A_574, %parallel_loop3A_575, %parallel_loop3A_576] {strides = array<i32>} : memref<8x8x128xf32, #tpu.memory_space<vmem>>, vector<16xf32>,
        tpu.vector_store %arg14[%parallel_loop3A_574, %parallel_loop3A_575, %parallel_loop3A_576], %parallel_loop3A_573 {strides = array<i32>} : memref<8x8x128xf32, #tpu.memory_space<vmem>>, vector<16xf32>,
        %parallel_loop3A_578 = tpu.vector_load_idx %arg6[%add3A_21, %parallel_loop3A_507] : memref<128x65xf32, #tpu.memory_space<vmem>>[vector<16xi32>, vector<16xi32>], vector<16xf32>,
        %parallel_loop3A_579 = arith.index_cast %parallel_loop3A_531 : i32 to index
        %parallel_loop3A_580 = arith.index_cast %parallel_loop3A_547 : i32 to index
        %parallel_loop3A_581 = arith.constant 96 : index
        %parallel_loop3A_582 = tpu.vector_load %arg14[%parallel_loop3A_579, %parallel_loop3A_580, %parallel_loop3A_581] {strides = array<i32>} : memref<8x8x128xf32, #tpu.memory_space<vmem>>, vector<16xf32>,
        tpu.vector_store %arg14[%parallel_loop3A_579, %parallel_loop3A_580, %parallel_loop3A_581], %parallel_loop3A_578 {strides = array<i32>} : memref<8x8x128xf32, #tpu.memory_space<vmem>>, vector<16xf32>,
        %parallel_loop3A_583 = tpu.vector_load_idx %arg6[%add3A_24, %parallel_loop3A_507] : memref<128x65xf32, #tpu.memory_space<vmem>>[vector<16xi32>, vector<16xi32>], vector<16xf32>,
        %parallel_loop3A_584 = arith.index_cast %parallel_loop3A_531 : i32 to index
        %parallel_loop3A_585 = arith.index_cast %parallel_loop3A_547 : i32 to index
        %parallel_loop3A_586 = arith.constant 112 : index
        %parallel_loop3A_587 = tpu.vector_load %arg14[%parallel_loop3A_584, %parallel_loop3A_585, %parallel_loop3A_586] {strides = array<i32>} : memref<8x8x128xf32, #tpu.memory_space<vmem>>, vector<16xf32>,
        tpu.vector_store %arg14[%parallel_loop3A_584, %parallel_loop3A_585, %parallel_loop3A_586], %parallel_loop3A_583 {strides = array<i32>} : memref<8x8x128xf32, #tpu.memory_space<vmem>>, vector<16xf32>,
      } {sc.loop_unroll_factor = 2 : i64, sc.parallel_access}
      %add3A_329 = arith.constant 5 : i32
      %add3A_330 = arith.addi %add3A_271, %add3A_329 : i32
      %lt3A_331 = arith.constant 200 : i32
      %lt3A_332 = arith.cmpi slt, %add3A_330, %lt3A_331 : i32
      %convert_element_type3A_333 = arith.extui %lt3A_332 : i1 to i32
      %cond3A_334 = arith.constant 0 : i32
      %cond3A_335 = arith.cmpi ne, %convert_element_type3A_333, %cond3A_334 : i32
      scf.if %cond3A_335 {
        %add3A_503 = arith.constant 5 : i32
        %add3A_504 = arith.addi %add3A_271, %add3A_503 : i32
        %jit3A_505 = arith.constant 8 : i32
        %div3A_506 = arith.divsi %add3A_504, %jit3A_505 : i32
        %sign3A_507 = arith.constant 0 : i32
        %sign3A_508 = arith.cmpi sgt, %add3A_504, %sign3A_507 : i32
        %sign3A_509 = arith.extui %sign3A_508 : i1 to i32
        %sign3A_510 = arith.constant 0 : i32
        %sign3A_511 = arith.cmpi slt, %add3A_504, %sign3A_510 : i32
        %sign3A_512 = arith.extui %sign3A_511 : i1 to i32
        %sign3A_513 = arith.subi %sign3A_509, %sign3A_512 : i32
        %sign3A_514 = arith.constant 0 : i32
        %sign3A_515 = arith.cmpi sgt, %jit3A_505, %sign3A_514 : i32
        %sign3A_516 = arith.extui %sign3A_515 : i1 to i32
        %sign3A_517 = arith.constant 0 : i32
        %sign3A_518 = arith.cmpi slt, %jit3A_505, %sign3A_517 : i32
        %sign3A_519 = arith.extui %sign3A_518 : i1 to i32
        %sign3A_520 = arith.subi %sign3A_516, %sign3A_519 : i32
        %ne3A_521 = arith.cmpi ne, %sign3A_513, %sign3A_520 : i32
        %rem3A_522 = arith.remsi %add3A_504, %jit3A_505 : i32
        %ne3A_523 = arith.constant 0 : i32
        %ne3A_524 = arith.cmpi ne, %rem3A_522, %ne3A_523 : i32
        %and3A_525 = arith.andi %ne3A_521, %ne3A_524 : i1
        %sub3A_526 = arith.constant 1 : i32
        %sub3A_527 = arith.subi %div3A_506, %sub3A_526 : i32
        %select_n3A_528 = arith.select %and3A_525, %sub3A_527, %div3A_506 : i32
        %jit3A_529 = arith.constant 8 : i32
        %eq3A_530 = arith.constant 0 : i32
        %eq3A_531 = arith.cmpi eq, %jit3A_529, %eq3A_530 : i32
        %jit3A_532 = arith.constant 1 : i32
        %select_n3A_533 = arith.select %eq3A_531, %jit3A_532, %jit3A_529 : i32
        %rem3A_534 = arith.remsi %add3A_504, %select_n3A_533 : i32
        %ne3A_535 = arith.constant 0 : i32
        %ne3A_536 = arith.cmpi ne, %rem3A_534, %ne3A_535 : i32
        %lt3A_537 = arith.constant 0 : i32
        %lt3A_538 = arith.cmpi slt, %rem3A_534, %lt3A_537 : i32
        %lt3A_539 = arith.constant 0 : i32
        %lt3A_540 = arith.cmpi slt, %select_n3A_533, %lt3A_539 : i32
        %ne3A_541 = arith.xori %lt3A_538, %lt3A_540 : i1
        %and3A_542 = arith.andi %ne3A_541, %ne3A_536 : i1
        %add3A_543 = arith.addi %rem3A_534, %select_n3A_533 : i32
        %select_n3A_544 = arith.select %and3A_542, %add3A_543, %rem3A_534 : i32
        %dma_start3A_545 = arith.constant 0 : i32
        %dma_start3A_546 = tpu.memref_slice %arg5[%select_n3A_528, %select_n3A_544, %dma_start3A_545] : memref<25x8x128xi32, #tpu.memory_space<vmem>> -> memref<1x1x128xi32, #tpu.memory_space<vmem>>
        %dma_start3A_547 = tpu.memref_squeeze %dma_start3A_546 : memref<1x1x128xi32, #tpu.memory_space<vmem>> -> memref<128xi32, #tpu.memory_space<vmem>>
        %dma_start3A_548 = arith.constant 0 : i32
        %dma_start3A_549 = arith.constant 0 : i32
        %dma_start3A_550 = tpu.memref_slice %arg2[%dma_start3A_548, %dma_start3A_549] : memref<1000000x64xf32, #tpu.memory_space<hbm>> -> memref<1000000x64xf32, #tpu.memory_space<hbm>>
        tpu.enqueue_indirect_dma source(%dma_start3A_550 : memref<1000000x64xf32, #tpu.memory_space<hbm>>) target(%arg9 : memref<128x64xf32, #tpu.memory_space<vmem>>) offsets(%dma_start3A_547 : memref<128xi32, #tpu.memory_space<vmem>>) semaphore(%arg19 : memref<!tpu.dma_semaphore, #tpu.memory_space<semaphore_mem>>)
      } else {
      }
      %dma_start3A_336 = arith.constant 0 : i32
      %dma_start3A_337 = arith.constant 0 : i32
      %dma_start3A_338 = arith.constant 0 : i32
      %dma_start3A_339 = tpu.memref_slice %arg4[%add3A_271, %dma_start3A_336, %add3A, %dma_start3A_337, %dma_start3A_338] : memref<200x8x32x8x128xf32, #tpu.memory_space<hbm>> -> memref<1x8x1x8x128xf32, #tpu.memory_space<hbm>>
      %dma_start3A_340 = tpu.memref_squeeze %dma_start3A_339 : memref<1x8x1x8x128xf32, #tpu.memory_space<hbm>> -> memref<8x8x128xf32, #tpu.memory_space<hbm>>
      %dma_start3A_341 = arith.constant 0 : i32
      %dma_start3A_342 = arith.constant 0 : i32
      %dma_start3A_343 = arith.constant 0 : i32
      %dma_start3A_344 = tpu.memref_slice %arg4[%add3A_271, %dma_start3A_341, %add3A, %dma_start3A_342, %dma_start3A_343] : memref<200x8x32x8x128xf32, #tpu.memory_space<hbm>> -> memref<1x8x1x8x128xf32, #tpu.memory_space<hbm>>
      %dma_start3A_345 = tpu.memref_squeeze %dma_start3A_344 : memref<1x8x1x8x128xf32, #tpu.memory_space<hbm>> -> memref<8x8x128xf32, #tpu.memory_space<hbm>>
      tpu.enqueue_dma source(%arg14 : memref<8x8x128xf32, #tpu.memory_space<vmem>>) target(%dma_start3A_345 : memref<8x8x128xf32, #tpu.memory_space<hbm>>) target_semaphore(%arg24 : memref<!tpu.dma_semaphore, #tpu.memory_space<semaphore_mem>>)
      %mul3A_346 = arith.constant 5 : i32
      %mul3A_347 = arith.muli %scan3A_124, %mul3A_346 : i32
      %add3A_348 = arith.constant 3 : i32
      %add3A_349 = arith.addi %mul3A_347, %add3A_348 : i32
      %gt3A_350 = arith.constant 0 : i32
      %gt3A_351 = arith.cmpi sgt, %scan3A_124, %gt3A_350 : i32
      %convert_element_type3A_352 = arith.extui %gt3A_351 : i1 to i32
      %cond3A_353 = arith.constant 0 : i32
      %cond3A_354 = arith.cmpi ne, %convert_element_type3A_352, %cond3A_353 : i32
      scf.if %cond3A_354 {
        %sub3A_503 = arith.constant 5 : i32
        %sub3A_504 = arith.subi %add3A_349, %sub3A_503 : i32
        %dma_wait3A_505 = arith.constant 0 : i32
        %dma_wait3A_506 = arith.constant 0 : i32
        %dma_wait3A_507 = arith.constant 0 : i32
        %dma_wait3A_508 = tpu.memref_slice %arg4[%sub3A_504, %dma_wait3A_505, %add3A, %dma_wait3A_506, %dma_wait3A_507] : memref<200x8x32x8x128xf32, #tpu.memory_space<hbm>> -> memref<1x8x1x8x128xf32, #tpu.memory_space<hbm>>
        %dma_wait3A_509 = tpu.memref_squeeze %dma_wait3A_508 : memref<1x8x1x8x128xf32, #tpu.memory_space<hbm>> -> memref<8x8x128xf32, #tpu.memory_space<hbm>>
        %dma_wait3A_510 = arith.constant 0 : i32
        %dma_wait3A_511 = arith.constant 0 : i32
        %dma_wait3A_512 = arith.constant 0 : i32
        %dma_wait3A_513 = tpu.memref_slice %arg4[%sub3A_504, %dma_wait3A_510, %add3A, %dma_wait3A_511, %dma_wait3A_512] : memref<200x8x32x8x128xf32, #tpu.memory_space<hbm>> -> memref<1x8x1x8x128xf32, #tpu.memory_space<hbm>>
        %dma_wait3A_514 = tpu.memref_squeeze %dma_wait3A_513 : memref<1x8x1x8x128xf32, #tpu.memory_space<hbm>> -> memref<8x8x128xf32, #tpu.memory_space<hbm>>
        tpu.wait_dma2 semaphore(%arg25 : memref<!tpu.dma_semaphore, #tpu.memory_space<semaphore_mem>>) src(%arg15 : memref<8x8x128xf32, #tpu.memory_space<vmem>>) dst(%dma_wait3A_514 : memref<8x8x128xf32, #tpu.memory_space<hbm>>)
      } else {
      }
      %jit3A_355 = arith.constant 8 : i32
      %div3A_356 = arith.divsi %add3A_349, %jit3A_355 : i32
      %sign3A_357 = arith.constant 0 : i32
      %sign3A_358 = arith.cmpi sgt, %add3A_349, %sign3A_357 : i32
      %sign3A_359 = arith.extui %sign3A_358 : i1 to i32
      %sign3A_360 = arith.constant 0 : i32
      %sign3A_361 = arith.cmpi slt, %add3A_349, %sign3A_360 : i32
      %sign3A_362 = arith.extui %sign3A_361 : i1 to i32
      %sign3A_363 = arith.subi %sign3A_359, %sign3A_362 : i32
      %sign3A_364 = arith.constant 0 : i32
      %sign3A_365 = arith.cmpi sgt, %jit3A_355, %sign3A_364 : i32
      %sign3A_366 = arith.extui %sign3A_365 : i1 to i32
      %sign3A_367 = arith.constant 0 : i32
      %sign3A_368 = arith.cmpi slt, %jit3A_355, %sign3A_367 : i32
      %sign3A_369 = arith.extui %sign3A_368 : i1 to i32
      %sign3A_370 = arith.subi %sign3A_366, %sign3A_369 : i32
      %ne3A_371 = arith.cmpi ne, %sign3A_363, %sign3A_370 : i32
      %rem3A_372 = arith.remsi %add3A_349, %jit3A_355 : i32
      %ne3A_373 = arith.constant 0 : i32
      %ne3A_374 = arith.cmpi ne, %rem3A_372, %ne3A_373 : i32
      %and3A_375 = arith.andi %ne3A_371, %ne3A_374 : i1
      %sub3A_376 = arith.constant 1 : i32
      %sub3A_377 = arith.subi %div3A_356, %sub3A_376 : i32
      %select_n3A_378 = arith.select %and3A_375, %sub3A_377, %div3A_356 : i32
      %jit3A_379 = arith.constant 8 : i32
      %eq3A_380 = arith.constant 0 : i32
      %eq3A_381 = arith.cmpi eq, %jit3A_379, %eq3A_380 : i32
      %jit3A_382 = arith.constant 1 : i32
      %select_n3A_383 = arith.select %eq3A_381, %jit3A_382, %jit3A_379 : i32
      %rem3A_384 = arith.remsi %add3A_349, %select_n3A_383 : i32
      %ne3A_385 = arith.constant 0 : i32
      %ne3A_386 = arith.cmpi ne, %rem3A_384, %ne3A_385 : i32
      %lt3A_387 = arith.constant 0 : i32
      %lt3A_388 = arith.cmpi slt, %rem3A_384, %lt3A_387 : i32
      %lt3A_389 = arith.constant 0 : i32
      %lt3A_390 = arith.cmpi slt, %select_n3A_383, %lt3A_389 : i32
      %ne3A_391 = arith.xori %lt3A_388, %lt3A_390 : i1
      %and3A_392 = arith.andi %ne3A_391, %ne3A_386 : i1
      %add3A_393 = arith.addi %rem3A_384, %select_n3A_383 : i32
      %select_n3A_394 = arith.select %and3A_392, %add3A_393, %rem3A_384 : i32
      %dma_wait3A_395 = arith.constant 0 : i32
      %dma_wait3A_396 = tpu.memref_slice %arg5[%select_n3A_378, %select_n3A_394, %dma_wait3A_395] : memref<25x8x128xi32, #tpu.memory_space<vmem>> -> memref<1x1x128xi32, #tpu.memory_space<vmem>>
      %dma_wait3A_397 = tpu.memref_squeeze %dma_wait3A_396 : memref<1x1x128xi32, #tpu.memory_space<vmem>> -> memref<128xi32, #tpu.memory_space<vmem>>
      %dma_wait3A_398 = arith.constant 0 : i32
      %dma_wait3A_399 = arith.constant 0 : i32
      %dma_wait3A_400 = tpu.memref_slice %arg2[%dma_wait3A_398, %dma_wait3A_399] : memref<1000000x64xf32, #tpu.memory_space<hbm>> -> memref<1000000x64xf32, #tpu.memory_space<hbm>>
      tpu.wait_indirect_dma semaphore(%arg20 : memref<!tpu.dma_semaphore, #tpu.memory_space<semaphore_mem>>) src(%dma_wait3A_400 : memref<1000000x64xf32, #tpu.memory_space<hbm>>) dst(%arg10 : memref<128x64xf32, #tpu.memory_space<vmem>>)
      %parallel_loop3A_401 = arith.constant 0 : i32
      %parallel_loop3A_402 = arith.constant 128 : i32
      %parallel_loop3A_403 = arith.constant 1 : i32
      scf.for %parallel_loop3A_503 = %parallel_loop3A_401 to %parallel_loop3A_402 step %parallel_loop3A_403  : i32 {
        %parallel_loop3A_504 = arith.index_cast %parallel_loop3A_503 : i32 to index
        %parallel_loop3A_505 = arith.constant 0 : index
        %parallel_loop3A_506 = tpu.vector_load %arg10[%parallel_loop3A_504, %parallel_loop3A_505] {strides = array<i32>} : memref<128x64xf32, #tpu.memory_space<vmem>>, vector<16xf32>,
        %parallel_loop3A_507 = arith.constant 8.000000e+00 : f32
        %parallel_loop3A_508 = vector.broadcast %parallel_loop3A_507 : f32 to vector<16xf32>
        %parallel_loop3A_509 = arith.mulf %parallel_loop3A_506, %parallel_loop3A_508 : vector<16xf32>
        %parallel_loop3A_510 = arith.index_cast %parallel_loop3A_503 : i32 to index
        %parallel_loop3A_511 = arith.constant 0 : index
        %parallel_loop3A_512 = tpu.vector_load %arg6[%parallel_loop3A_510, %parallel_loop3A_511] {strides = array<i32>} : memref<128x65xf32, #tpu.memory_space<vmem>>, vector<16xf32>,
        tpu.vector_store %arg6[%parallel_loop3A_510, %parallel_loop3A_511], %parallel_loop3A_509 {strides = array<i32>} : memref<128x65xf32, #tpu.memory_space<vmem>>, vector<16xf32>,
        %parallel_loop3A_513 = arith.index_cast %parallel_loop3A_503 : i32 to index
        %parallel_loop3A_514 = arith.constant 16 : index
        %parallel_loop3A_515 = tpu.vector_load %arg10[%parallel_loop3A_513, %parallel_loop3A_514] {strides = array<i32>} : memref<128x64xf32, #tpu.memory_space<vmem>>, vector<16xf32>,
        %parallel_loop3A_516 = arith.constant 8.000000e+00 : f32
        %parallel_loop3A_517 = vector.broadcast %parallel_loop3A_516 : f32 to vector<16xf32>
        %parallel_loop3A_518 = arith.mulf %parallel_loop3A_515, %parallel_loop3A_517 : vector<16xf32>
        %parallel_loop3A_519 = arith.index_cast %parallel_loop3A_503 : i32 to index
        %parallel_loop3A_520 = arith.constant 16 : index
        %parallel_loop3A_521 = tpu.vector_load %arg6[%parallel_loop3A_519, %parallel_loop3A_520] {strides = array<i32>} : memref<128x65xf32, #tpu.memory_space<vmem>>, vector<16xf32>,
        tpu.vector_store %arg6[%parallel_loop3A_519, %parallel_loop3A_520], %parallel_loop3A_518 {strides = array<i32>} : memref<128x65xf32, #tpu.memory_space<vmem>>, vector<16xf32>,
        %parallel_loop3A_522 = arith.index_cast %parallel_loop3A_503 : i32 to index
        %parallel_loop3A_523 = arith.constant 32 : index
        %parallel_loop3A_524 = tpu.vector_load %arg10[%parallel_loop3A_522, %parallel_loop3A_523] {strides = array<i32>} : memref<128x64xf32, #tpu.memory_space<vmem>>, vector<16xf32>,
        %parallel_loop3A_525 = arith.constant 8.000000e+00 : f32
        %parallel_loop3A_526 = vector.broadcast %parallel_loop3A_525 : f32 to vector<16xf32>
        %parallel_loop3A_527 = arith.mulf %parallel_loop3A_524, %parallel_loop3A_526 : vector<16xf32>
        %parallel_loop3A_528 = arith.index_cast %parallel_loop3A_503 : i32 to index
        %parallel_loop3A_529 = arith.constant 32 : index
        %parallel_loop3A_530 = tpu.vector_load %arg6[%parallel_loop3A_528, %parallel_loop3A_529] {strides = array<i32>} : memref<128x65xf32, #tpu.memory_space<vmem>>, vector<16xf32>,
        tpu.vector_store %arg6[%parallel_loop3A_528, %parallel_loop3A_529], %parallel_loop3A_527 {strides = array<i32>} : memref<128x65xf32, #tpu.memory_space<vmem>>, vector<16xf32>,
        %parallel_loop3A_531 = arith.index_cast %parallel_loop3A_503 : i32 to index
        %parallel_loop3A_532 = arith.constant 48 : index
        %parallel_loop3A_533 = tpu.vector_load %arg10[%parallel_loop3A_531, %parallel_loop3A_532] {strides = array<i32>} : memref<128x64xf32, #tpu.memory_space<vmem>>, vector<16xf32>,
        %parallel_loop3A_534 = arith.constant 8.000000e+00 : f32
        %parallel_loop3A_535 = vector.broadcast %parallel_loop3A_534 : f32 to vector<16xf32>
        %parallel_loop3A_536 = arith.mulf %parallel_loop3A_533, %parallel_loop3A_535 : vector<16xf32>
        %parallel_loop3A_537 = arith.index_cast %parallel_loop3A_503 : i32 to index
        %parallel_loop3A_538 = arith.constant 48 : index
        %parallel_loop3A_539 = tpu.vector_load %arg6[%parallel_loop3A_537, %parallel_loop3A_538] {strides = array<i32>} : memref<128x65xf32, #tpu.memory_space<vmem>>, vector<16xf32>,
        tpu.vector_store %arg6[%parallel_loop3A_537, %parallel_loop3A_538], %parallel_loop3A_536 {strides = array<i32>} : memref<128x65xf32, #tpu.memory_space<vmem>>, vector<16xf32>,
      } {sc.loop_unroll_factor = 2 : i64, sc.parallel_access}
      %parallel_loop3A_404 = arith.constant 0 : i32
      %parallel_loop3A_405 = arith.constant 64 : i32
      %parallel_loop3A_406 = arith.constant 1 : i32
      scf.for %parallel_loop3A_503 = %parallel_loop3A_404 to %parallel_loop3A_405 step %parallel_loop3A_406  : i32 {
        %parallel_loop3A_504 = arith.constant 0 : i32
        %parallel_loop3A_505 = vector.broadcast %parallel_loop3A_504 : i32 to vector<16xi32>
        %parallel_loop3A_506 = vector.broadcast %parallel_loop3A_503 : i32 to vector<16xi32>
        %parallel_loop3A_507 = arith.addi %parallel_loop3A_505, %parallel_loop3A_506 : vector<16xi32>
        %parallel_loop3A_508 = arith.constant 8 : i32
        %parallel_loop3A_509 = arith.divsi %parallel_loop3A_503, %parallel_loop3A_508 : i32
        %parallel_loop3A_510 = arith.constant 0 : i32
        %parallel_loop3A_511 = arith.cmpi sgt, %parallel_loop3A_503, %parallel_loop3A_510 : i32
        %parallel_loop3A_512 = arith.extui %parallel_loop3A_511 : i1 to i32
        %parallel_loop3A_513 = arith.constant 0 : i32
        %parallel_loop3A_514 = arith.cmpi slt, %parallel_loop3A_503, %parallel_loop3A_513 : i32
        %parallel_loop3A_515 = arith.extui %parallel_loop3A_514 : i1 to i32
        %parallel_loop3A_516 = arith.subi %parallel_loop3A_512, %parallel_loop3A_515 : i32
        %parallel_loop3A_517 = arith.constant 0 : i32
        %parallel_loop3A_518 = arith.cmpi sgt, %parallel_loop3A_508, %parallel_loop3A_517 : i32
        %parallel_loop3A_519 = arith.extui %parallel_loop3A_518 : i1 to i32
        %parallel_loop3A_520 = arith.constant 0 : i32
        %parallel_loop3A_521 = arith.cmpi slt, %parallel_loop3A_508, %parallel_loop3A_520 : i32
        %parallel_loop3A_522 = arith.extui %parallel_loop3A_521 : i1 to i32
        %parallel_loop3A_523 = arith.subi %parallel_loop3A_519, %parallel_loop3A_522 : i32
        %parallel_loop3A_524 = arith.cmpi ne, %parallel_loop3A_516, %parallel_loop3A_523 : i32
        %parallel_loop3A_525 = arith.remsi %parallel_loop3A_503, %parallel_loop3A_508 : i32
        %parallel_loop3A_526 = arith.constant 0 : i32
        %parallel_loop3A_527 = arith.cmpi ne, %parallel_loop3A_525, %parallel_loop3A_526 : i32
        %parallel_loop3A_528 = arith.andi %parallel_loop3A_524, %parallel_loop3A_527 : i1
        %parallel_loop3A_529 = arith.constant 1 : i32
        %parallel_loop3A_530 = arith.subi %parallel_loop3A_509, %parallel_loop3A_529 : i32
        %parallel_loop3A_531 = arith.select %parallel_loop3A_528, %parallel_loop3A_530, %parallel_loop3A_509 : i32
        %parallel_loop3A_532 = arith.constant 8 : i32
        %parallel_loop3A_533 = arith.constant 0 : i32
        %parallel_loop3A_534 = arith.cmpi eq, %parallel_loop3A_532, %parallel_loop3A_533 : i32
        %parallel_loop3A_535 = arith.constant 1 : i32
        %parallel_loop3A_536 = arith.select %parallel_loop3A_534, %parallel_loop3A_535, %parallel_loop3A_532 : i32
        %parallel_loop3A_537 = arith.remsi %parallel_loop3A_503, %parallel_loop3A_536 : i32
        %parallel_loop3A_538 = arith.constant 0 : i32
        %parallel_loop3A_539 = arith.cmpi ne, %parallel_loop3A_537, %parallel_loop3A_538 : i32
        %parallel_loop3A_540 = arith.constant 0 : i32
        %parallel_loop3A_541 = arith.cmpi slt, %parallel_loop3A_537, %parallel_loop3A_540 : i32
        %parallel_loop3A_542 = arith.constant 0 : i32
        %parallel_loop3A_543 = arith.cmpi slt, %parallel_loop3A_536, %parallel_loop3A_542 : i32
        %parallel_loop3A_544 = arith.xori %parallel_loop3A_541, %parallel_loop3A_543 : i1
        %parallel_loop3A_545 = arith.andi %parallel_loop3A_544, %parallel_loop3A_539 : i1
        %parallel_loop3A_546 = arith.addi %parallel_loop3A_537, %parallel_loop3A_536 : i32
        %parallel_loop3A_547 = arith.select %parallel_loop3A_545, %parallel_loop3A_546, %parallel_loop3A_537 : i32
        %parallel_loop3A_548 = tpu.vector_load_idx %arg6[%add3A_3, %parallel_loop3A_507] : memref<128x65xf32, #tpu.memory_space<vmem>>[vector<16xi32>, vector<16xi32>], vector<16xf32>,
        %parallel_loop3A_549 = arith.index_cast %parallel_loop3A_531 : i32 to index
        %parallel_loop3A_550 = arith.index_cast %parallel_loop3A_547 : i32 to index
        %parallel_loop3A_551 = arith.constant 0 : index
        %parallel_loop3A_552 = tpu.vector_load %arg15[%parallel_loop3A_549, %parallel_loop3A_550, %parallel_loop3A_551] {strides = array<i32>} : memref<8x8x128xf32, #tpu.memory_space<vmem>>, vector<16xf32>,
        tpu.vector_store %arg15[%parallel_loop3A_549, %parallel_loop3A_550, %parallel_loop3A_551], %parallel_loop3A_548 {strides = array<i32>} : memref<8x8x128xf32, #tpu.memory_space<vmem>>, vector<16xf32>,
        %parallel_loop3A_553 = tpu.vector_load_idx %arg6[%add3A_6, %parallel_loop3A_507] : memref<128x65xf32, #tpu.memory_space<vmem>>[vector<16xi32>, vector<16xi32>], vector<16xf32>,
        %parallel_loop3A_554 = arith.index_cast %parallel_loop3A_531 : i32 to index
        %parallel_loop3A_555 = arith.index_cast %parallel_loop3A_547 : i32 to index
        %parallel_loop3A_556 = arith.constant 16 : index
        %parallel_loop3A_557 = tpu.vector_load %arg15[%parallel_loop3A_554, %parallel_loop3A_555, %parallel_loop3A_556] {strides = array<i32>} : memref<8x8x128xf32, #tpu.memory_space<vmem>>, vector<16xf32>,
        tpu.vector_store %arg15[%parallel_loop3A_554, %parallel_loop3A_555, %parallel_loop3A_556], %parallel_loop3A_553 {strides = array<i32>} : memref<8x8x128xf32, #tpu.memory_space<vmem>>, vector<16xf32>,
        %parallel_loop3A_558 = tpu.vector_load_idx %arg6[%add3A_9, %parallel_loop3A_507] : memref<128x65xf32, #tpu.memory_space<vmem>>[vector<16xi32>, vector<16xi32>], vector<16xf32>,
        %parallel_loop3A_559 = arith.index_cast %parallel_loop3A_531 : i32 to index
        %parallel_loop3A_560 = arith.index_cast %parallel_loop3A_547 : i32 to index
        %parallel_loop3A_561 = arith.constant 32 : index
        %parallel_loop3A_562 = tpu.vector_load %arg15[%parallel_loop3A_559, %parallel_loop3A_560, %parallel_loop3A_561] {strides = array<i32>} : memref<8x8x128xf32, #tpu.memory_space<vmem>>, vector<16xf32>,
        tpu.vector_store %arg15[%parallel_loop3A_559, %parallel_loop3A_560, %parallel_loop3A_561], %parallel_loop3A_558 {strides = array<i32>} : memref<8x8x128xf32, #tpu.memory_space<vmem>>, vector<16xf32>,
        %parallel_loop3A_563 = tpu.vector_load_idx %arg6[%add3A_12, %parallel_loop3A_507] : memref<128x65xf32, #tpu.memory_space<vmem>>[vector<16xi32>, vector<16xi32>], vector<16xf32>,
        %parallel_loop3A_564 = arith.index_cast %parallel_loop3A_531 : i32 to index
        %parallel_loop3A_565 = arith.index_cast %parallel_loop3A_547 : i32 to index
        %parallel_loop3A_566 = arith.constant 48 : index
        %parallel_loop3A_567 = tpu.vector_load %arg15[%parallel_loop3A_564, %parallel_loop3A_565, %parallel_loop3A_566] {strides = array<i32>} : memref<8x8x128xf32, #tpu.memory_space<vmem>>, vector<16xf32>,
        tpu.vector_store %arg15[%parallel_loop3A_564, %parallel_loop3A_565, %parallel_loop3A_566], %parallel_loop3A_563 {strides = array<i32>} : memref<8x8x128xf32, #tpu.memory_space<vmem>>, vector<16xf32>,
        %parallel_loop3A_568 = tpu.vector_load_idx %arg6[%add3A_15, %parallel_loop3A_507] : memref<128x65xf32, #tpu.memory_space<vmem>>[vector<16xi32>, vector<16xi32>], vector<16xf32>,
        %parallel_loop3A_569 = arith.index_cast %parallel_loop3A_531 : i32 to index
        %parallel_loop3A_570 = arith.index_cast %parallel_loop3A_547 : i32 to index
        %parallel_loop3A_571 = arith.constant 64 : index
        %parallel_loop3A_572 = tpu.vector_load %arg15[%parallel_loop3A_569, %parallel_loop3A_570, %parallel_loop3A_571] {strides = array<i32>} : memref<8x8x128xf32, #tpu.memory_space<vmem>>, vector<16xf32>,
        tpu.vector_store %arg15[%parallel_loop3A_569, %parallel_loop3A_570, %parallel_loop3A_571], %parallel_loop3A_568 {strides = array<i32>} : memref<8x8x128xf32, #tpu.memory_space<vmem>>, vector<16xf32>,
        %parallel_loop3A_573 = tpu.vector_load_idx %arg6[%add3A_18, %parallel_loop3A_507] : memref<128x65xf32, #tpu.memory_space<vmem>>[vector<16xi32>, vector<16xi32>], vector<16xf32>,
        %parallel_loop3A_574 = arith.index_cast %parallel_loop3A_531 : i32 to index
        %parallel_loop3A_575 = arith.index_cast %parallel_loop3A_547 : i32 to index
        %parallel_loop3A_576 = arith.constant 80 : index
        %parallel_loop3A_577 = tpu.vector_load %arg15[%parallel_loop3A_574, %parallel_loop3A_575, %parallel_loop3A_576] {strides = array<i32>} : memref<8x8x128xf32, #tpu.memory_space<vmem>>, vector<16xf32>,
        tpu.vector_store %arg15[%parallel_loop3A_574, %parallel_loop3A_575, %parallel_loop3A_576], %parallel_loop3A_573 {strides = array<i32>} : memref<8x8x128xf32, #tpu.memory_space<vmem>>, vector<16xf32>,
        %parallel_loop3A_578 = tpu.vector_load_idx %arg6[%add3A_21, %parallel_loop3A_507] : memref<128x65xf32, #tpu.memory_space<vmem>>[vector<16xi32>, vector<16xi32>], vector<16xf32>,
        %parallel_loop3A_579 = arith.index_cast %parallel_loop3A_531 : i32 to index
        %parallel_loop3A_580 = arith.index_cast %parallel_loop3A_547 : i32 to index
        %parallel_loop3A_581 = arith.constant 96 : index
        %parallel_loop3A_582 = tpu.vector_load %arg15[%parallel_loop3A_579, %parallel_loop3A_580, %parallel_loop3A_581] {strides = array<i32>} : memref<8x8x128xf32, #tpu.memory_space<vmem>>, vector<16xf32>,
        tpu.vector_store %arg15[%parallel_loop3A_579, %parallel_loop3A_580, %parallel_loop3A_581], %parallel_loop3A_578 {strides = array<i32>} : memref<8x8x128xf32, #tpu.memory_space<vmem>>, vector<16xf32>,
        %parallel_loop3A_583 = tpu.vector_load_idx %arg6[%add3A_24, %parallel_loop3A_507] : memref<128x65xf32, #tpu.memory_space<vmem>>[vector<16xi32>, vector<16xi32>], vector<16xf32>,
        %parallel_loop3A_584 = arith.index_cast %parallel_loop3A_531 : i32 to index
        %parallel_loop3A_585 = arith.index_cast %parallel_loop3A_547 : i32 to index
        %parallel_loop3A_586 = arith.constant 112 : index
        %parallel_loop3A_587 = tpu.vector_load %arg15[%parallel_loop3A_584, %parallel_loop3A_585, %parallel_loop3A_586] {strides = array<i32>} : memref<8x8x128xf32, #tpu.memory_space<vmem>>, vector<16xf32>,
        tpu.vector_store %arg15[%parallel_loop3A_584, %parallel_loop3A_585, %parallel_loop3A_586], %parallel_loop3A_583 {strides = array<i32>} : memref<8x8x128xf32, #tpu.memory_space<vmem>>, vector<16xf32>,
      } {sc.loop_unroll_factor = 2 : i64, sc.parallel_access}
      %add3A_407 = arith.constant 5 : i32
      %add3A_408 = arith.addi %add3A_349, %add3A_407 : i32
      %lt3A_409 = arith.constant 200 : i32
      %lt3A_410 = arith.cmpi slt, %add3A_408, %lt3A_409 : i32
      %convert_element_type3A_411 = arith.extui %lt3A_410 : i1 to i32
      %cond3A_412 = arith.constant 0 : i32
      %cond3A_413 = arith.cmpi ne, %convert_element_type3A_411, %cond3A_412 : i32
      scf.if %cond3A_413 {
        %add3A_503 = arith.constant 5 : i32
        %add3A_504 = arith.addi %add3A_349, %add3A_503 : i32
        %jit3A_505 = arith.constant 8 : i32
        %div3A_506 = arith.divsi %add3A_504, %jit3A_505 : i32
        %sign3A_507 = arith.constant 0 : i32
        %sign3A_508 = arith.cmpi sgt, %add3A_504, %sign3A_507 : i32
        %sign3A_509 = arith.extui %sign3A_508 : i1 to i32
        %sign3A_510 = arith.constant 0 : i32
        %sign3A_511 = arith.cmpi slt, %add3A_504, %sign3A_510 : i32
        %sign3A_512 = arith.extui %sign3A_511 : i1 to i32
        %sign3A_513 = arith.subi %sign3A_509, %sign3A_512 : i32
        %sign3A_514 = arith.constant 0 : i32
        %sign3A_515 = arith.cmpi sgt, %jit3A_505, %sign3A_514 : i32
        %sign3A_516 = arith.extui %sign3A_515 : i1 to i32
        %sign3A_517 = arith.constant 0 : i32
        %sign3A_518 = arith.cmpi slt, %jit3A_505, %sign3A_517 : i32
        %sign3A_519 = arith.extui %sign3A_518 : i1 to i32
        %sign3A_520 = arith.subi %sign3A_516, %sign3A_519 : i32
        %ne3A_521 = arith.cmpi ne, %sign3A_513, %sign3A_520 : i32
        %rem3A_522 = arith.remsi %add3A_504, %jit3A_505 : i32
        %ne3A_523 = arith.constant 0 : i32
        %ne3A_524 = arith.cmpi ne, %rem3A_522, %ne3A_523 : i32
        %and3A_525 = arith.andi %ne3A_521, %ne3A_524 : i1
        %sub3A_526 = arith.constant 1 : i32
        %sub3A_527 = arith.subi %div3A_506, %sub3A_526 : i32
        %select_n3A_528 = arith.select %and3A_525, %sub3A_527, %div3A_506 : i32
        %jit3A_529 = arith.constant 8 : i32
        %eq3A_530 = arith.constant 0 : i32
        %eq3A_531 = arith.cmpi eq, %jit3A_529, %eq3A_530 : i32
        %jit3A_532 = arith.constant 1 : i32
        %select_n3A_533 = arith.select %eq3A_531, %jit3A_532, %jit3A_529 : i32
        %rem3A_534 = arith.remsi %add3A_504, %select_n3A_533 : i32
        %ne3A_535 = arith.constant 0 : i32
        %ne3A_536 = arith.cmpi ne, %rem3A_534, %ne3A_535 : i32
        %lt3A_537 = arith.constant 0 : i32
        %lt3A_538 = arith.cmpi slt, %rem3A_534, %lt3A_537 : i32
        %lt3A_539 = arith.constant 0 : i32
        %lt3A_540 = arith.cmpi slt, %select_n3A_533, %lt3A_539 : i32
        %ne3A_541 = arith.xori %lt3A_538, %lt3A_540 : i1
        %and3A_542 = arith.andi %ne3A_541, %ne3A_536 : i1
        %add3A_543 = arith.addi %rem3A_534, %select_n3A_533 : i32
        %select_n3A_544 = arith.select %and3A_542, %add3A_543, %rem3A_534 : i32
        %dma_start3A_545 = arith.constant 0 : i32
        %dma_start3A_546 = tpu.memref_slice %arg5[%select_n3A_528, %select_n3A_544, %dma_start3A_545] : memref<25x8x128xi32, #tpu.memory_space<vmem>> -> memref<1x1x128xi32, #tpu.memory_space<vmem>>
        %dma_start3A_547 = tpu.memref_squeeze %dma_start3A_546 : memref<1x1x128xi32, #tpu.memory_space<vmem>> -> memref<128xi32, #tpu.memory_space<vmem>>
        %dma_start3A_548 = arith.constant 0 : i32
        %dma_start3A_549 = arith.constant 0 : i32
        %dma_start3A_550 = tpu.memref_slice %arg2[%dma_start3A_548, %dma_start3A_549] : memref<1000000x64xf32, #tpu.memory_space<hbm>> -> memref<1000000x64xf32, #tpu.memory_space<hbm>>
        tpu.enqueue_indirect_dma source(%dma_start3A_550 : memref<1000000x64xf32, #tpu.memory_space<hbm>>) target(%arg10 : memref<128x64xf32, #tpu.memory_space<vmem>>) offsets(%dma_start3A_547 : memref<128xi32, #tpu.memory_space<vmem>>) semaphore(%arg20 : memref<!tpu.dma_semaphore, #tpu.memory_space<semaphore_mem>>)
      } else {
      }
      %dma_start3A_414 = arith.constant 0 : i32
      %dma_start3A_415 = arith.constant 0 : i32
      %dma_start3A_416 = arith.constant 0 : i32
      %dma_start3A_417 = tpu.memref_slice %arg4[%add3A_349, %dma_start3A_414, %add3A, %dma_start3A_415, %dma_start3A_416] : memref<200x8x32x8x128xf32, #tpu.memory_space<hbm>> -> memref<1x8x1x8x128xf32, #tpu.memory_space<hbm>>
      %dma_start3A_418 = tpu.memref_squeeze %dma_start3A_417 : memref<1x8x1x8x128xf32, #tpu.memory_space<hbm>> -> memref<8x8x128xf32, #tpu.memory_space<hbm>>
      %dma_start3A_419 = arith.constant 0 : i32
      %dma_start3A_420 = arith.constant 0 : i32
      %dma_start3A_421 = arith.constant 0 : i32
      %dma_start3A_422 = tpu.memref_slice %arg4[%add3A_349, %dma_start3A_419, %add3A, %dma_start3A_420, %dma_start3A_421] : memref<200x8x32x8x128xf32, #tpu.memory_space<hbm>> -> memref<1x8x1x8x128xf32, #tpu.memory_space<hbm>>
      %dma_start3A_423 = tpu.memref_squeeze %dma_start3A_422 : memref<1x8x1x8x128xf32, #tpu.memory_space<hbm>> -> memref<8x8x128xf32, #tpu.memory_space<hbm>>
      tpu.enqueue_dma source(%arg15 : memref<8x8x128xf32, #tpu.memory_space<vmem>>) target(%dma_start3A_423 : memref<8x8x128xf32, #tpu.memory_space<hbm>>) target_semaphore(%arg25 : memref<!tpu.dma_semaphore, #tpu.memory_space<semaphore_mem>>)
      %mul3A_424 = arith.constant 5 : i32
      %mul3A_425 = arith.muli %scan3A_124, %mul3A_424 : i32
      %add3A_426 = arith.constant 4 : i32
      %add3A_427 = arith.addi %mul3A_425, %add3A_426 : i32
      %gt3A_428 = arith.constant 0 : i32
      %gt3A_429 = arith.cmpi sgt, %scan3A_124, %gt3A_428 : i32
      %convert_element_type3A_430 = arith.extui %gt3A_429 : i1 to i32
      %cond3A_431 = arith.constant 0 : i32
      %cond3A_432 = arith.cmpi ne, %convert_element_type3A_430, %cond3A_431 : i32
      scf.if %cond3A_432 {
        %sub3A_503 = arith.constant 5 : i32
        %sub3A_504 = arith.subi %add3A_427, %sub3A_503 : i32
        %dma_wait3A_505 = arith.constant 0 : i32
        %dma_wait3A_506 = arith.constant 0 : i32
        %dma_wait3A_507 = arith.constant 0 : i32
        %dma_wait3A_508 = tpu.memref_slice %arg4[%sub3A_504, %dma_wait3A_505, %add3A, %dma_wait3A_506, %dma_wait3A_507] : memref<200x8x32x8x128xf32, #tpu.memory_space<hbm>> -> memref<1x8x1x8x128xf32, #tpu.memory_space<hbm>>
        %dma_wait3A_509 = tpu.memref_squeeze %dma_wait3A_508 : memref<1x8x1x8x128xf32, #tpu.memory_space<hbm>> -> memref<8x8x128xf32, #tpu.memory_space<hbm>>
        %dma_wait3A_510 = arith.constant 0 : i32
        %dma_wait3A_511 = arith.constant 0 : i32
        %dma_wait3A_512 = arith.constant 0 : i32
        %dma_wait3A_513 = tpu.memref_slice %arg4[%sub3A_504, %dma_wait3A_510, %add3A, %dma_wait3A_511, %dma_wait3A_512] : memref<200x8x32x8x128xf32, #tpu.memory_space<hbm>> -> memref<1x8x1x8x128xf32, #tpu.memory_space<hbm>>
        %dma_wait3A_514 = tpu.memref_squeeze %dma_wait3A_513 : memref<1x8x1x8x128xf32, #tpu.memory_space<hbm>> -> memref<8x8x128xf32, #tpu.memory_space<hbm>>
        tpu.wait_dma2 semaphore(%arg26 : memref<!tpu.dma_semaphore, #tpu.memory_space<semaphore_mem>>) src(%arg16 : memref<8x8x128xf32, #tpu.memory_space<vmem>>) dst(%dma_wait3A_514 : memref<8x8x128xf32, #tpu.memory_space<hbm>>)
      } else {
      }
      %jit3A_433 = arith.constant 8 : i32
      %div3A_434 = arith.divsi %add3A_427, %jit3A_433 : i32
      %sign3A_435 = arith.constant 0 : i32
      %sign3A_436 = arith.cmpi sgt, %add3A_427, %sign3A_435 : i32
      %sign3A_437 = arith.extui %sign3A_436 : i1 to i32
      %sign3A_438 = arith.constant 0 : i32
      %sign3A_439 = arith.cmpi slt, %add3A_427, %sign3A_438 : i32
      %sign3A_440 = arith.extui %sign3A_439 : i1 to i32
      %sign3A_441 = arith.subi %sign3A_437, %sign3A_440 : i32
      %sign3A_442 = arith.constant 0 : i32
      %sign3A_443 = arith.cmpi sgt, %jit3A_433, %sign3A_442 : i32
      %sign3A_444 = arith.extui %sign3A_443 : i1 to i32
      %sign3A_445 = arith.constant 0 : i32
      %sign3A_446 = arith.cmpi slt, %jit3A_433, %sign3A_445 : i32
      %sign3A_447 = arith.extui %sign3A_446 : i1 to i32
      %sign3A_448 = arith.subi %sign3A_444, %sign3A_447 : i32
      %ne3A_449 = arith.cmpi ne, %sign3A_441, %sign3A_448 : i32
      %rem3A_450 = arith.remsi %add3A_427, %jit3A_433 : i32
      %ne3A_451 = arith.constant 0 : i32
      %ne3A_452 = arith.cmpi ne, %rem3A_450, %ne3A_451 : i32
      %and3A_453 = arith.andi %ne3A_449, %ne3A_452 : i1
      %sub3A_454 = arith.constant 1 : i32
      %sub3A_455 = arith.subi %div3A_434, %sub3A_454 : i32
      %select_n3A_456 = arith.select %and3A_453, %sub3A_455, %div3A_434 : i32
      %jit3A_457 = arith.constant 8 : i32
      %eq3A_458 = arith.constant 0 : i32
      %eq3A_459 = arith.cmpi eq, %jit3A_457, %eq3A_458 : i32
      %jit3A_460 = arith.constant 1 : i32
      %select_n3A_461 = arith.select %eq3A_459, %jit3A_460, %jit3A_457 : i32
      %rem3A_462 = arith.remsi %add3A_427, %select_n3A_461 : i32
      %ne3A_463 = arith.constant 0 : i32
      %ne3A_464 = arith.cmpi ne, %rem3A_462, %ne3A_463 : i32
      %lt3A_465 = arith.constant 0 : i32
      %lt3A_466 = arith.cmpi slt, %rem3A_462, %lt3A_465 : i32
      %lt3A_467 = arith.constant 0 : i32
      %lt3A_468 = arith.cmpi slt, %select_n3A_461, %lt3A_467 : i32
      %ne3A_469 = arith.xori %lt3A_466, %lt3A_468 : i1
      %and3A_470 = arith.andi %ne3A_469, %ne3A_464 : i1
      %add3A_471 = arith.addi %rem3A_462, %select_n3A_461 : i32
      %select_n3A_472 = arith.select %and3A_470, %add3A_471, %rem3A_462 : i32
      %dma_wait3A_473 = arith.constant 0 : i32
      %dma_wait3A_474 = tpu.memref_slice %arg5[%select_n3A_456, %select_n3A_472, %dma_wait3A_473] : memref<25x8x128xi32, #tpu.memory_space<vmem>> -> memref<1x1x128xi32, #tpu.memory_space<vmem>>
      %dma_wait3A_475 = tpu.memref_squeeze %dma_wait3A_474 : memref<1x1x128xi32, #tpu.memory_space<vmem>> -> memref<128xi32, #tpu.memory_space<vmem>>
      %dma_wait3A_476 = arith.constant 0 : i32
      %dma_wait3A_477 = arith.constant 0 : i32
      %dma_wait3A_478 = tpu.memref_slice %arg2[%dma_wait3A_476, %dma_wait3A_477] : memref<1000000x64xf32, #tpu.memory_space<hbm>> -> memref<1000000x64xf32, #tpu.memory_space<hbm>>
      tpu.wait_indirect_dma semaphore(%arg21 : memref<!tpu.dma_semaphore, #tpu.memory_space<semaphore_mem>>) src(%dma_wait3A_478 : memref<1000000x64xf32, #tpu.memory_space<hbm>>) dst(%arg11 : memref<128x64xf32, #tpu.memory_space<vmem>>)
      %parallel_loop3A_479 = arith.constant 0 : i32
      %parallel_loop3A_480 = arith.constant 128 : i32
      %parallel_loop3A_481 = arith.constant 1 : i32
      scf.for %parallel_loop3A_503 = %parallel_loop3A_479 to %parallel_loop3A_480 step %parallel_loop3A_481  : i32 {
        %parallel_loop3A_504 = arith.index_cast %parallel_loop3A_503 : i32 to index
        %parallel_loop3A_505 = arith.constant 0 : index
        %parallel_loop3A_506 = tpu.vector_load %arg11[%parallel_loop3A_504, %parallel_loop3A_505] {strides = array<i32>} : memref<128x64xf32, #tpu.memory_space<vmem>>, vector<16xf32>,
        %parallel_loop3A_507 = arith.constant 8.000000e+00 : f32
        %parallel_loop3A_508 = vector.broadcast %parallel_loop3A_507 : f32 to vector<16xf32>
        %parallel_loop3A_509 = arith.mulf %parallel_loop3A_506, %parallel_loop3A_508 : vector<16xf32>
        %parallel_loop3A_510 = arith.index_cast %parallel_loop3A_503 : i32 to index
        %parallel_loop3A_511 = arith.constant 0 : index
        %parallel_loop3A_512 = tpu.vector_load %arg6[%parallel_loop3A_510, %parallel_loop3A_511] {strides = array<i32>} : memref<128x65xf32, #tpu.memory_space<vmem>>, vector<16xf32>,
        tpu.vector_store %arg6[%parallel_loop3A_510, %parallel_loop3A_511], %parallel_loop3A_509 {strides = array<i32>} : memref<128x65xf32, #tpu.memory_space<vmem>>, vector<16xf32>,
        %parallel_loop3A_513 = arith.index_cast %parallel_loop3A_503 : i32 to index
        %parallel_loop3A_514 = arith.constant 16 : index
        %parallel_loop3A_515 = tpu.vector_load %arg11[%parallel_loop3A_513, %parallel_loop3A_514] {strides = array<i32>} : memref<128x64xf32, #tpu.memory_space<vmem>>, vector<16xf32>,
        %parallel_loop3A_516 = arith.constant 8.000000e+00 : f32
        %parallel_loop3A_517 = vector.broadcast %parallel_loop3A_516 : f32 to vector<16xf32>
        %parallel_loop3A_518 = arith.mulf %parallel_loop3A_515, %parallel_loop3A_517 : vector<16xf32>
        %parallel_loop3A_519 = arith.index_cast %parallel_loop3A_503 : i32 to index
        %parallel_loop3A_520 = arith.constant 16 : index
        %parallel_loop3A_521 = tpu.vector_load %arg6[%parallel_loop3A_519, %parallel_loop3A_520] {strides = array<i32>} : memref<128x65xf32, #tpu.memory_space<vmem>>, vector<16xf32>,
        tpu.vector_store %arg6[%parallel_loop3A_519, %parallel_loop3A_520], %parallel_loop3A_518 {strides = array<i32>} : memref<128x65xf32, #tpu.memory_space<vmem>>, vector<16xf32>,
        %parallel_loop3A_522 = arith.index_cast %parallel_loop3A_503 : i32 to index
        %parallel_loop3A_523 = arith.constant 32 : index
        %parallel_loop3A_524 = tpu.vector_load %arg11[%parallel_loop3A_522, %parallel_loop3A_523] {strides = array<i32>} : memref<128x64xf32, #tpu.memory_space<vmem>>, vector<16xf32>,
        %parallel_loop3A_525 = arith.constant 8.000000e+00 : f32
        %parallel_loop3A_526 = vector.broadcast %parallel_loop3A_525 : f32 to vector<16xf32>
        %parallel_loop3A_527 = arith.mulf %parallel_loop3A_524, %parallel_loop3A_526 : vector<16xf32>
        %parallel_loop3A_528 = arith.index_cast %parallel_loop3A_503 : i32 to index
        %parallel_loop3A_529 = arith.constant 32 : index
        %parallel_loop3A_530 = tpu.vector_load %arg6[%parallel_loop3A_528, %parallel_loop3A_529] {strides = array<i32>} : memref<128x65xf32, #tpu.memory_space<vmem>>, vector<16xf32>,
        tpu.vector_store %arg6[%parallel_loop3A_528, %parallel_loop3A_529], %parallel_loop3A_527 {strides = array<i32>} : memref<128x65xf32, #tpu.memory_space<vmem>>, vector<16xf32>,
        %parallel_loop3A_531 = arith.index_cast %parallel_loop3A_503 : i32 to index
        %parallel_loop3A_532 = arith.constant 48 : index
        %parallel_loop3A_533 = tpu.vector_load %arg11[%parallel_loop3A_531, %parallel_loop3A_532] {strides = array<i32>} : memref<128x64xf32, #tpu.memory_space<vmem>>, vector<16xf32>,
        %parallel_loop3A_534 = arith.constant 8.000000e+00 : f32
        %parallel_loop3A_535 = vector.broadcast %parallel_loop3A_534 : f32 to vector<16xf32>
        %parallel_loop3A_536 = arith.mulf %parallel_loop3A_533, %parallel_loop3A_535 : vector<16xf32>
        %parallel_loop3A_537 = arith.index_cast %parallel_loop3A_503 : i32 to index
        %parallel_loop3A_538 = arith.constant 48 : index
        %parallel_loop3A_539 = tpu.vector_load %arg6[%parallel_loop3A_537, %parallel_loop3A_538] {strides = array<i32>} : memref<128x65xf32, #tpu.memory_space<vmem>>, vector<16xf32>,
        tpu.vector_store %arg6[%parallel_loop3A_537, %parallel_loop3A_538], %parallel_loop3A_536 {strides = array<i32>} : memref<128x65xf32, #tpu.memory_space<vmem>>, vector<16xf32>,
      } {sc.loop_unroll_factor = 2 : i64, sc.parallel_access}
      %parallel_loop3A_482 = arith.constant 0 : i32
      %parallel_loop3A_483 = arith.constant 64 : i32
      %parallel_loop3A_484 = arith.constant 1 : i32
      scf.for %parallel_loop3A_503 = %parallel_loop3A_482 to %parallel_loop3A_483 step %parallel_loop3A_484  : i32 {
        %parallel_loop3A_504 = arith.constant 0 : i32
        %parallel_loop3A_505 = vector.broadcast %parallel_loop3A_504 : i32 to vector<16xi32>
        %parallel_loop3A_506 = vector.broadcast %parallel_loop3A_503 : i32 to vector<16xi32>
        %parallel_loop3A_507 = arith.addi %parallel_loop3A_505, %parallel_loop3A_506 : vector<16xi32>
        %parallel_loop3A_508 = arith.constant 8 : i32
        %parallel_loop3A_509 = arith.divsi %parallel_loop3A_503, %parallel_loop3A_508 : i32
        %parallel_loop3A_510 = arith.constant 0 : i32
        %parallel_loop3A_511 = arith.cmpi sgt, %parallel_loop3A_503, %parallel_loop3A_510 : i32
        %parallel_loop3A_512 = arith.extui %parallel_loop3A_511 : i1 to i32
        %parallel_loop3A_513 = arith.constant 0 : i32
        %parallel_loop3A_514 = arith.cmpi slt, %parallel_loop3A_503, %parallel_loop3A_513 : i32
        %parallel_loop3A_515 = arith.extui %parallel_loop3A_514 : i1 to i32
        %parallel_loop3A_516 = arith.subi %parallel_loop3A_512, %parallel_loop3A_515 : i32
        %parallel_loop3A_517 = arith.constant 0 : i32
        %parallel_loop3A_518 = arith.cmpi sgt, %parallel_loop3A_508, %parallel_loop3A_517 : i32
        %parallel_loop3A_519 = arith.extui %parallel_loop3A_518 : i1 to i32
        %parallel_loop3A_520 = arith.constant 0 : i32
        %parallel_loop3A_521 = arith.cmpi slt, %parallel_loop3A_508, %parallel_loop3A_520 : i32
        %parallel_loop3A_522 = arith.extui %parallel_loop3A_521 : i1 to i32
        %parallel_loop3A_523 = arith.subi %parallel_loop3A_519, %parallel_loop3A_522 : i32
        %parallel_loop3A_524 = arith.cmpi ne, %parallel_loop3A_516, %parallel_loop3A_523 : i32
        %parallel_loop3A_525 = arith.remsi %parallel_loop3A_503, %parallel_loop3A_508 : i32
        %parallel_loop3A_526 = arith.constant 0 : i32
        %parallel_loop3A_527 = arith.cmpi ne, %parallel_loop3A_525, %parallel_loop3A_526 : i32
        %parallel_loop3A_528 = arith.andi %parallel_loop3A_524, %parallel_loop3A_527 : i1
        %parallel_loop3A_529 = arith.constant 1 : i32
        %parallel_loop3A_530 = arith.subi %parallel_loop3A_509, %parallel_loop3A_529 : i32
        %parallel_loop3A_531 = arith.select %parallel_loop3A_528, %parallel_loop3A_530, %parallel_loop3A_509 : i32
        %parallel_loop3A_532 = arith.constant 8 : i32
        %parallel_loop3A_533 = arith.constant 0 : i32
        %parallel_loop3A_534 = arith.cmpi eq, %parallel_loop3A_532, %parallel_loop3A_533 : i32
        %parallel_loop3A_535 = arith.constant 1 : i32
        %parallel_loop3A_536 = arith.select %parallel_loop3A_534, %parallel_loop3A_535, %parallel_loop3A_532 : i32
        %parallel_loop3A_537 = arith.remsi %parallel_loop3A_503, %parallel_loop3A_536 : i32
        %parallel_loop3A_538 = arith.constant 0 : i32
        %parallel_loop3A_539 = arith.cmpi ne, %parallel_loop3A_537, %parallel_loop3A_538 : i32
        %parallel_loop3A_540 = arith.constant 0 : i32
        %parallel_loop3A_541 = arith.cmpi slt, %parallel_loop3A_537, %parallel_loop3A_540 : i32
        %parallel_loop3A_542 = arith.constant 0 : i32
        %parallel_loop3A_543 = arith.cmpi slt, %parallel_loop3A_536, %parallel_loop3A_542 : i32
        %parallel_loop3A_544 = arith.xori %parallel_loop3A_541, %parallel_loop3A_543 : i1
        %parallel_loop3A_545 = arith.andi %parallel_loop3A_544, %parallel_loop3A_539 : i1
        %parallel_loop3A_546 = arith.addi %parallel_loop3A_537, %parallel_loop3A_536 : i32
        %parallel_loop3A_547 = arith.select %parallel_loop3A_545, %parallel_loop3A_546, %parallel_loop3A_537 : i32
        %parallel_loop3A_548 = tpu.vector_load_idx %arg6[%add3A_3, %parallel_loop3A_507] : memref<128x65xf32, #tpu.memory_space<vmem>>[vector<16xi32>, vector<16xi32>], vector<16xf32>,
        %parallel_loop3A_549 = arith.index_cast %parallel_loop3A_531 : i32 to index
        %parallel_loop3A_550 = arith.index_cast %parallel_loop3A_547 : i32 to index
        %parallel_loop3A_551 = arith.constant 0 : index
        %parallel_loop3A_552 = tpu.vector_load %arg16[%parallel_loop3A_549, %parallel_loop3A_550, %parallel_loop3A_551] {strides = array<i32>} : memref<8x8x128xf32, #tpu.memory_space<vmem>>, vector<16xf32>,
        tpu.vector_store %arg16[%parallel_loop3A_549, %parallel_loop3A_550, %parallel_loop3A_551], %parallel_loop3A_548 {strides = array<i32>} : memref<8x8x128xf32, #tpu.memory_space<vmem>>, vector<16xf32>,
        %parallel_loop3A_553 = tpu.vector_load_idx %arg6[%add3A_6, %parallel_loop3A_507] : memref<128x65xf32, #tpu.memory_space<vmem>>[vector<16xi32>, vector<16xi32>], vector<16xf32>,
        %parallel_loop3A_554 = arith.index_cast %parallel_loop3A_531 : i32 to index
        %parallel_loop3A_555 = arith.index_cast %parallel_loop3A_547 : i32 to index
        %parallel_loop3A_556 = arith.constant 16 : index
        %parallel_loop3A_557 = tpu.vector_load %arg16[%parallel_loop3A_554, %parallel_loop3A_555, %parallel_loop3A_556] {strides = array<i32>} : memref<8x8x128xf32, #tpu.memory_space<vmem>>, vector<16xf32>,
        tpu.vector_store %arg16[%parallel_loop3A_554, %parallel_loop3A_555, %parallel_loop3A_556], %parallel_loop3A_553 {strides = array<i32>} : memref<8x8x128xf32, #tpu.memory_space<vmem>>, vector<16xf32>,
        %parallel_loop3A_558 = tpu.vector_load_idx %arg6[%add3A_9, %parallel_loop3A_507] : memref<128x65xf32, #tpu.memory_space<vmem>>[vector<16xi32>, vector<16xi32>], vector<16xf32>,
        %parallel_loop3A_559 = arith.index_cast %parallel_loop3A_531 : i32 to index
        %parallel_loop3A_560 = arith.index_cast %parallel_loop3A_547 : i32 to index
        %parallel_loop3A_561 = arith.constant 32 : index
        %parallel_loop3A_562 = tpu.vector_load %arg16[%parallel_loop3A_559, %parallel_loop3A_560, %parallel_loop3A_561] {strides = array<i32>} : memref<8x8x128xf32, #tpu.memory_space<vmem>>, vector<16xf32>,
        tpu.vector_store %arg16[%parallel_loop3A_559, %parallel_loop3A_560, %parallel_loop3A_561], %parallel_loop3A_558 {strides = array<i32>} : memref<8x8x128xf32, #tpu.memory_space<vmem>>, vector<16xf32>,
        %parallel_loop3A_563 = tpu.vector_load_idx %arg6[%add3A_12, %parallel_loop3A_507] : memref<128x65xf32, #tpu.memory_space<vmem>>[vector<16xi32>, vector<16xi32>], vector<16xf32>,
        %parallel_loop3A_564 = arith.index_cast %parallel_loop3A_531 : i32 to index
        %parallel_loop3A_565 = arith.index_cast %parallel_loop3A_547 : i32 to index
        %parallel_loop3A_566 = arith.constant 48 : index
        %parallel_loop3A_567 = tpu.vector_load %arg16[%parallel_loop3A_564, %parallel_loop3A_565, %parallel_loop3A_566] {strides = array<i32>} : memref<8x8x128xf32, #tpu.memory_space<vmem>>, vector<16xf32>,
        tpu.vector_store %arg16[%parallel_loop3A_564, %parallel_loop3A_565, %parallel_loop3A_566], %parallel_loop3A_563 {strides = array<i32>} : memref<8x8x128xf32, #tpu.memory_space<vmem>>, vector<16xf32>,
        %parallel_loop3A_568 = tpu.vector_load_idx %arg6[%add3A_15, %parallel_loop3A_507] : memref<128x65xf32, #tpu.memory_space<vmem>>[vector<16xi32>, vector<16xi32>], vector<16xf32>,
        %parallel_loop3A_569 = arith.index_cast %parallel_loop3A_531 : i32 to index
        %parallel_loop3A_570 = arith.index_cast %parallel_loop3A_547 : i32 to index
        %parallel_loop3A_571 = arith.constant 64 : index
        %parallel_loop3A_572 = tpu.vector_load %arg16[%parallel_loop3A_569, %parallel_loop3A_570, %parallel_loop3A_571] {strides = array<i32>} : memref<8x8x128xf32, #tpu.memory_space<vmem>>, vector<16xf32>,
        tpu.vector_store %arg16[%parallel_loop3A_569, %parallel_loop3A_570, %parallel_loop3A_571], %parallel_loop3A_568 {strides = array<i32>} : memref<8x8x128xf32, #tpu.memory_space<vmem>>, vector<16xf32>,
        %parallel_loop3A_573 = tpu.vector_load_idx %arg6[%add3A_18, %parallel_loop3A_507] : memref<128x65xf32, #tpu.memory_space<vmem>>[vector<16xi32>, vector<16xi32>], vector<16xf32>,
        %parallel_loop3A_574 = arith.index_cast %parallel_loop3A_531 : i32 to index
        %parallel_loop3A_575 = arith.index_cast %parallel_loop3A_547 : i32 to index
        %parallel_loop3A_576 = arith.constant 80 : index
        %parallel_loop3A_577 = tpu.vector_load %arg16[%parallel_loop3A_574, %parallel_loop3A_575, %parallel_loop3A_576] {strides = array<i32>} : memref<8x8x128xf32, #tpu.memory_space<vmem>>, vector<16xf32>,
        tpu.vector_store %arg16[%parallel_loop3A_574, %parallel_loop3A_575, %parallel_loop3A_576], %parallel_loop3A_573 {strides = array<i32>} : memref<8x8x128xf32, #tpu.memory_space<vmem>>, vector<16xf32>,
        %parallel_loop3A_578 = tpu.vector_load_idx %arg6[%add3A_21, %parallel_loop3A_507] : memref<128x65xf32, #tpu.memory_space<vmem>>[vector<16xi32>, vector<16xi32>], vector<16xf32>,
        %parallel_loop3A_579 = arith.index_cast %parallel_loop3A_531 : i32 to index
        %parallel_loop3A_580 = arith.index_cast %parallel_loop3A_547 : i32 to index
        %parallel_loop3A_581 = arith.constant 96 : index
        %parallel_loop3A_582 = tpu.vector_load %arg16[%parallel_loop3A_579, %parallel_loop3A_580, %parallel_loop3A_581] {strides = array<i32>} : memref<8x8x128xf32, #tpu.memory_space<vmem>>, vector<16xf32>,
        tpu.vector_store %arg16[%parallel_loop3A_579, %parallel_loop3A_580, %parallel_loop3A_581], %parallel_loop3A_578 {strides = array<i32>} : memref<8x8x128xf32, #tpu.memory_space<vmem>>, vector<16xf32>,
        %parallel_loop3A_583 = tpu.vector_load_idx %arg6[%add3A_24, %parallel_loop3A_507] : memref<128x65xf32, #tpu.memory_space<vmem>>[vector<16xi32>, vector<16xi32>], vector<16xf32>,
        %parallel_loop3A_584 = arith.index_cast %parallel_loop3A_531 : i32 to index
        %parallel_loop3A_585 = arith.index_cast %parallel_loop3A_547 : i32 to index
        %parallel_loop3A_586 = arith.constant 112 : index
        %parallel_loop3A_587 = tpu.vector_load %arg16[%parallel_loop3A_584, %parallel_loop3A_585, %parallel_loop3A_586] {strides = array<i32>} : memref<8x8x128xf32, #tpu.memory_space<vmem>>, vector<16xf32>,
        tpu.vector_store %arg16[%parallel_loop3A_584, %parallel_loop3A_585, %parallel_loop3A_586], %parallel_loop3A_583 {strides = array<i32>} : memref<8x8x128xf32, #tpu.memory_space<vmem>>, vector<16xf32>,
      } {sc.loop_unroll_factor = 2 : i64, sc.parallel_access}
      %add3A_485 = arith.constant 5 : i32
      %add3A_486 = arith.addi %add3A_427, %add3A_485 : i32
      %lt3A_487 = arith.constant 200 : i32
      %lt3A_488 = arith.cmpi slt, %add3A_486, %lt3A_487 : i32
      %convert_element_type3A_489 = arith.extui %lt3A_488 : i1 to i32
      %cond3A_490 = arith.constant 0 : i32
      %cond3A_491 = arith.cmpi ne, %convert_element_type3A_489, %cond3A_490 : i32
      scf.if %cond3A_491 {
        %add3A_503 = arith.constant 5 : i32
        %add3A_504 = arith.addi %add3A_427, %add3A_503 : i32
        %jit3A_505 = arith.constant 8 : i32
        %div3A_506 = arith.divsi %add3A_504, %jit3A_505 : i32
        %sign3A_507 = arith.constant 0 : i32
        %sign3A_508 = arith.cmpi sgt, %add3A_504, %sign3A_507 : i32
        %sign3A_509 = arith.extui %sign3A_508 : i1 to i32
        %sign3A_510 = arith.constant 0 : i32
        %sign3A_511 = arith.cmpi slt, %add3A_504, %sign3A_510 : i32
        %sign3A_512 = arith.extui %sign3A_511 : i1 to i32
        %sign3A_513 = arith.subi %sign3A_509, %sign3A_512 : i32
        %sign3A_514 = arith.constant 0 : i32
        %sign3A_515 = arith.cmpi sgt, %jit3A_505, %sign3A_514 : i32
        %sign3A_516 = arith.extui %sign3A_515 : i1 to i32
        %sign3A_517 = arith.constant 0 : i32
        %sign3A_518 = arith.cmpi slt, %jit3A_505, %sign3A_517 : i32
        %sign3A_519 = arith.extui %sign3A_518 : i1 to i32
        %sign3A_520 = arith.subi %sign3A_516, %sign3A_519 : i32
        %ne3A_521 = arith.cmpi ne, %sign3A_513, %sign3A_520 : i32
        %rem3A_522 = arith.remsi %add3A_504, %jit3A_505 : i32
        %ne3A_523 = arith.constant 0 : i32
        %ne3A_524 = arith.cmpi ne, %rem3A_522, %ne3A_523 : i32
        %and3A_525 = arith.andi %ne3A_521, %ne3A_524 : i1
        %sub3A_526 = arith.constant 1 : i32
        %sub3A_527 = arith.subi %div3A_506, %sub3A_526 : i32
        %select_n3A_528 = arith.select %and3A_525, %sub3A_527, %div3A_506 : i32
        %jit3A_529 = arith.constant 8 : i32
        %eq3A_530 = arith.constant 0 : i32
        %eq3A_531 = arith.cmpi eq, %jit3A_529, %eq3A_530 : i32
        %jit3A_532 = arith.constant 1 : i32
        %select_n3A_533 = arith.select %eq3A_531, %jit3A_532, %jit3A_529 : i32
        %rem3A_534 = arith.remsi %add3A_504, %select_n3A_533 : i32
        %ne3A_535 = arith.constant 0 : i32
        %ne3A_536 = arith.cmpi ne, %rem3A_534, %ne3A_535 : i32
        %lt3A_537 = arith.constant 0 : i32
        %lt3A_538 = arith.cmpi slt, %rem3A_534, %lt3A_537 : i32
        %lt3A_539 = arith.constant 0 : i32
        %lt3A_540 = arith.cmpi slt, %select_n3A_533, %lt3A_539 : i32
        %ne3A_541 = arith.xori %lt3A_538, %lt3A_540 : i1
        %and3A_542 = arith.andi %ne3A_541, %ne3A_536 : i1
        %add3A_543 = arith.addi %rem3A_534, %select_n3A_533 : i32
        %select_n3A_544 = arith.select %and3A_542, %add3A_543, %rem3A_534 : i32
        %dma_start3A_545 = arith.constant 0 : i32
        %dma_start3A_546 = tpu.memref_slice %arg5[%select_n3A_528, %select_n3A_544, %dma_start3A_545] : memref<25x8x128xi32, #tpu.memory_space<vmem>> -> memref<1x1x128xi32, #tpu.memory_space<vmem>>
        %dma_start3A_547 = tpu.memref_squeeze %dma_start3A_546 : memref<1x1x128xi32, #tpu.memory_space<vmem>> -> memref<128xi32, #tpu.memory_space<vmem>>
        %dma_start3A_548 = arith.constant 0 : i32
        %dma_start3A_549 = arith.constant 0 : i32
        %dma_start3A_550 = tpu.memref_slice %arg2[%dma_start3A_548, %dma_start3A_549] : memref<1000000x64xf32, #tpu.memory_space<hbm>> -> memref<1000000x64xf32, #tpu.memory_space<hbm>>
        tpu.enqueue_indirect_dma source(%dma_start3A_550 : memref<1000000x64xf32, #tpu.memory_space<hbm>>) target(%arg11 : memref<128x64xf32, #tpu.memory_space<vmem>>) offsets(%dma_start3A_547 : memref<128xi32, #tpu.memory_space<vmem>>) semaphore(%arg21 : memref<!tpu.dma_semaphore, #tpu.memory_space<semaphore_mem>>)
      } else {
      }
      %dma_start3A_492 = arith.constant 0 : i32
      %dma_start3A_493 = arith.constant 0 : i32
      %dma_start3A_494 = arith.constant 0 : i32
      %dma_start3A_495 = tpu.memref_slice %arg4[%add3A_427, %dma_start3A_492, %add3A, %dma_start3A_493, %dma_start3A_494] : memref<200x8x32x8x128xf32, #tpu.memory_space<hbm>> -> memref<1x8x1x8x128xf32, #tpu.memory_space<hbm>>
      %dma_start3A_496 = tpu.memref_squeeze %dma_start3A_495 : memref<1x8x1x8x128xf32, #tpu.memory_space<hbm>> -> memref<8x8x128xf32, #tpu.memory_space<hbm>>
      %dma_start3A_497 = arith.constant 0 : i32
      %dma_start3A_498 = arith.constant 0 : i32
      %dma_start3A_499 = arith.constant 0 : i32
      %dma_start3A_500 = tpu.memref_slice %arg4[%add3A_427, %dma_start3A_497, %add3A, %dma_start3A_498, %dma_start3A_499] : memref<200x8x32x8x128xf32, #tpu.memory_space<hbm>> -> memref<1x8x1x8x128xf32, #tpu.memory_space<hbm>>
      %dma_start3A_501 = tpu.memref_squeeze %dma_start3A_500 : memref<1x8x1x8x128xf32, #tpu.memory_space<hbm>> -> memref<8x8x128xf32, #tpu.memory_space<hbm>>
      tpu.enqueue_dma source(%arg16 : memref<8x8x128xf32, #tpu.memory_space<vmem>>) target(%dma_start3A_501 : memref<8x8x128xf32, #tpu.memory_space<hbm>>) target_semaphore(%arg26 : memref<!tpu.dma_semaphore, #tpu.memory_space<semaphore_mem>>)
      %scan3A_502 = arith.constant 0 : i32
      scf.yield %scan3A_502 : i32
    }
    %scan3A_69 = arith.constant 40 : i32
    %dma_wait3A = arith.constant 195 : i32
    %dma_wait3A_70 = arith.constant 0 : i32
    %dma_wait3A_71 = arith.constant 0 : i32
    %dma_wait3A_72 = arith.constant 0 : i32
    %dma_wait3A_73 = tpu.memref_slice %arg4[%dma_wait3A, %dma_wait3A_70, %add3A, %dma_wait3A_71, %dma_wait3A_72] : memref<200x8x32x8x128xf32, #tpu.memory_space<hbm>> -> memref<1x8x1x8x128xf32, #tpu.memory_space<hbm>>
    %dma_wait3A_74 = tpu.memref_squeeze %dma_wait3A_73 : memref<1x8x1x8x128xf32, #tpu.memory_space<hbm>> -> memref<8x8x128xf32, #tpu.memory_space<hbm>>
    %dma_wait3A_75 = arith.constant 0 : i32
    %dma_wait3A_76 = arith.constant 0 : i32
    %dma_wait3A_77 = arith.constant 0 : i32
    %dma_wait3A_78 = tpu.memref_slice %arg4[%dma_wait3A, %dma_wait3A_75, %add3A, %dma_wait3A_76, %dma_wait3A_77] : memref<200x8x32x8x128xf32, #tpu.memory_space<hbm>> -> memref<1x8x1x8x128xf32, #tpu.memory_space<hbm>>
    %dma_wait3A_79 = tpu.memref_squeeze %dma_wait3A_78 : memref<1x8x1x8x128xf32, #tpu.memory_space<hbm>> -> memref<8x8x128xf32, #tpu.memory_space<hbm>>
    tpu.wait_dma2 semaphore(%arg22 : memref<!tpu.dma_semaphore, #tpu.memory_space<semaphore_mem>>) src(%arg12 : memref<8x8x128xf32, #tpu.memory_space<vmem>>) dst(%dma_wait3A_79 : memref<8x8x128xf32, #tpu.memory_space<hbm>>)
    %dma_wait3A_80 = arith.constant 196 : i32
    %dma_wait3A_81 = arith.constant 0 : i32
    %dma_wait3A_82 = arith.constant 0 : i32
    %dma_wait3A_83 = arith.constant 0 : i32
    %dma_wait3A_84 = tpu.memref_slice %arg4[%dma_wait3A_80, %dma_wait3A_81, %add3A, %dma_wait3A_82, %dma_wait3A_83] : memref<200x8x32x8x128xf32, #tpu.memory_space<hbm>> -> memref<1x8x1x8x128xf32, #tpu.memory_space<hbm>>
    %dma_wait3A_85 = tpu.memref_squeeze %dma_wait3A_84 : memref<1x8x1x8x128xf32, #tpu.memory_space<hbm>> -> memref<8x8x128xf32, #tpu.memory_space<hbm>>
    %dma_wait3A_86 = arith.constant 0 : i32
    %dma_wait3A_87 = arith.constant 0 : i32
    %dma_wait3A_88 = arith.constant 0 : i32
    %dma_wait3A_89 = tpu.memref_slice %arg4[%dma_wait3A_80, %dma_wait3A_86, %add3A, %dma_wait3A_87, %dma_wait3A_88] : memref<200x8x32x8x128xf32, #tpu.memory_space<hbm>> -> memref<1x8x1x8x128xf32, #tpu.memory_space<hbm>>
    %dma_wait3A_90 = tpu.memref_squeeze %dma_wait3A_89 : memref<1x8x1x8x128xf32, #tpu.memory_space<hbm>> -> memref<8x8x128xf32, #tpu.memory_space<hbm>>
    tpu.wait_dma2 semaphore(%arg23 : memref<!tpu.dma_semaphore, #tpu.memory_space<semaphore_mem>>) src(%arg13 : memref<8x8x128xf32, #tpu.memory_space<vmem>>) dst(%dma_wait3A_90 : memref<8x8x128xf32, #tpu.memory_space<hbm>>)
    %dma_wait3A_91 = arith.constant 197 : i32
    %dma_wait3A_92 = arith.constant 0 : i32
    %dma_wait3A_93 = arith.constant 0 : i32
    %dma_wait3A_94 = arith.constant 0 : i32
    %dma_wait3A_95 = tpu.memref_slice %arg4[%dma_wait3A_91, %dma_wait3A_92, %add3A, %dma_wait3A_93, %dma_wait3A_94] : memref<200x8x32x8x128xf32, #tpu.memory_space<hbm>> -> memref<1x8x1x8x128xf32, #tpu.memory_space<hbm>>
    %dma_wait3A_96 = tpu.memref_squeeze %dma_wait3A_95 : memref<1x8x1x8x128xf32, #tpu.memory_space<hbm>> -> memref<8x8x128xf32, #tpu.memory_space<hbm>>
    %dma_wait3A_97 = arith.constant 0 : i32
    %dma_wait3A_98 = arith.constant 0 : i32
    %dma_wait3A_99 = arith.constant 0 : i32
    %dma_wait3A_100 = tpu.memref_slice %arg4[%dma_wait3A_91, %dma_wait3A_97, %add3A, %dma_wait3A_98, %dma_wait3A_99] : memref<200x8x32x8x128xf32, #tpu.memory_space<hbm>> -> memref<1x8x1x8x128xf32, #tpu.memory_space<hbm>>
    %dma_wait3A_101 = tpu.memref_squeeze %dma_wait3A_100 : memref<1x8x1x8x128xf32, #tpu.memory_space<hbm>> -> memref<8x8x128xf32, #tpu.memory_space<hbm>>
    tpu.wait_dma2 semaphore(%arg24 : memref<!tpu.dma_semaphore, #tpu.memory_space<semaphore_mem>>) src(%arg14 : memref<8x8x128xf32, #tpu.memory_space<vmem>>) dst(%dma_wait3A_101 : memref<8x8x128xf32, #tpu.memory_space<hbm>>)
    %dma_wait3A_102 = arith.constant 198 : i32
    %dma_wait3A_103 = arith.constant 0 : i32
    %dma_wait3A_104 = arith.constant 0 : i32
    %dma_wait3A_105 = arith.constant 0 : i32
    %dma_wait3A_106 = tpu.memref_slice %arg4[%dma_wait3A_102, %dma_wait3A_103, %add3A, %dma_wait3A_104, %dma_wait3A_105] : memref<200x8x32x8x128xf32, #tpu.memory_space<hbm>> -> memref<1x8x1x8x128xf32, #tpu.memory_space<hbm>>
    %dma_wait3A_107 = tpu.memref_squeeze %dma_wait3A_106 : memref<1x8x1x8x128xf32, #tpu.memory_space<hbm>> -> memref<8x8x128xf32, #tpu.memory_space<hbm>>
    %dma_wait3A_108 = arith.constant 0 : i32
    %dma_wait3A_109 = arith.constant 0 : i32
    %dma_wait3A_110 = arith.constant 0 : i32
    %dma_wait3A_111 = tpu.memref_slice %arg4[%dma_wait3A_102, %dma_wait3A_108, %add3A, %dma_wait3A_109, %dma_wait3A_110] : memref<200x8x32x8x128xf32, #tpu.memory_space<hbm>> -> memref<1x8x1x8x128xf32, #tpu.memory_space<hbm>>
    %dma_wait3A_112 = tpu.memref_squeeze %dma_wait3A_111 : memref<1x8x1x8x128xf32, #tpu.memory_space<hbm>> -> memref<8x8x128xf32, #tpu.memory_space<hbm>>
    tpu.wait_dma2 semaphore(%arg25 : memref<!tpu.dma_semaphore, #tpu.memory_space<semaphore_mem>>) src(%arg15 : memref<8x8x128xf32, #tpu.memory_space<vmem>>) dst(%dma_wait3A_112 : memref<8x8x128xf32, #tpu.memory_space<hbm>>)
    %dma_wait3A_113 = arith.constant 199 : i32
    %dma_wait3A_114 = arith.constant 0 : i32
    %dma_wait3A_115 = arith.constant 0 : i32
    %dma_wait3A_116 = arith.constant 0 : i32
    %dma_wait3A_117 = tpu.memref_slice %arg4[%dma_wait3A_113, %dma_wait3A_114, %add3A, %dma_wait3A_115, %dma_wait3A_116] : memref<200x8x32x8x128xf32, #tpu.memory_space<hbm>> -> memref<1x8x1x8x128xf32, #tpu.memory_space<hbm>>
    %dma_wait3A_118 = tpu.memref_squeeze %dma_wait3A_117 : memref<1x8x1x8x128xf32, #tpu.memory_space<hbm>> -> memref<8x8x128xf32, #tpu.memory_space<hbm>>
    %dma_wait3A_119 = arith.constant 0 : i32
    %dma_wait3A_120 = arith.constant 0 : i32
    %dma_wait3A_121 = arith.constant 0 : i32
    %dma_wait3A_122 = tpu.memref_slice %arg4[%dma_wait3A_113, %dma_wait3A_119, %add3A, %dma_wait3A_120, %dma_wait3A_121] : memref<200x8x32x8x128xf32, #tpu.memory_space<hbm>> -> memref<1x8x1x8x128xf32, #tpu.memory_space<hbm>>
    %dma_wait3A_123 = tpu.memref_squeeze %dma_wait3A_122 : memref<1x8x1x8x128xf32, #tpu.memory_space<hbm>> -> memref<8x8x128xf32, #tpu.memory_space<hbm>>
    tpu.wait_dma2 semaphore(%arg26 : memref<!tpu.dma_semaphore, #tpu.memory_space<semaphore_mem>>) src(%arg16 : memref<8x8x128xf32, #tpu.memory_space<vmem>>) dst(%dma_wait3A_123 : memref<8x8x128xf32, #tpu.memory_space<hbm>>)
    return
  }
}

</mosaic_0001>

<sc_bundles>
// kernel: kernel.3.cloned.1.call-start
scs
__scs_entry_jumppad:
0x0: {  	(pc) =	sbr.rel $0x88, $3  }
0x1: {  	(tag) =	ssettag $0x0;
	lr =	simm.s32 $0x1  }
0x2: {  	[smem:$0x3F9F] =	sst lr;
	_ =	strace $0xD0000000  }
0x3: {  	_ = 	snop  }
0x4: {  	_ = 	snop  }
0x5: {  	_ = 	snop  }
0x6: {  	_ = 	snop  }
0x7: {  	_ = 	snop  }
__scs_overlays_trampoline_lowered:
0x8: {  	[smem:$0x3FAE] =	sst s0  }
0x9: {  	[smem:$0x3FAF] =	sst s1  }
0xa: {  	[smem:$0x3FB0] =	sst s2  }
0xb: {  	[smem:$0x3FB1] =	sst s3  }
0xc: {  	[smem:$0x3FB2] =	sst s4  }
0xd: {  	[smem:$0x3FB3] =	sst s5  }
0xe: {  	[smem:$0x3FB4] =	sst s6  }
0xf: {  	[smem:$0x3FB5] =	sst s7  }
0x10: {  	[smem:$0x3FB6] =	sst s8  }
0x11: {  	[smem:$0x3FB7] =	sst s9;
	s0 =	simm.s32 @!p0 $0x0  }
0x12: {  	s1 =	sld [smem:$0x3F9D];
	s0 =	simm.s32 @p0 $0x1  }
0x13: {  	[smem:$0x3FB8] =	sst s0;
	s0 =	simm.s32 @!p1 $0x0  }
0x14: {  	s2 =	sld [smem:$0x3F9C];
	s0 =	simm.s32 @p1 $0x1  }
0x15: {  	[smem:$0x3FB9] =	sst s0;
	s0 =	simm.s32 @!p2 $0x0  }
0x16: {  	s3 =	sld [smem:$0x3FDB];
	s0 =	simm.s32 @p2 $0x1  }
0x17: {  	s4 =	simm.s32 $0x1BF5;
	[smem:$0x3FBB] =	sst s0  }
0x18: {  	s0 =	sld [smem:$0x3F9E];
	_ =	swait.ge [sflag:s4], $0x0  }
0x19: {  	s7 =	sld [smem:$0x3F9F]  }
0x1a: {  	s8 =	sadd.s32 $0xFFFFE003, lr  }
0x1b: {  	s9 =	sadd.s32 $0xFFFFFEF7, lr;
	s5 =	simm.s32 $0xFFFFFFFF;
	p2 =	slt.u32 s8, $0xFFFFF086  }
0x1c: {  	p1 =	slt.u32 s9, $0xF7A;
	s5 =	simm.s32 @!p2 $0x0  }
0x1d: {  	s5 =	simm.s32 @p1 $0x1;
	p0 =	seq.s32 s7, s2  }
0x1e: {  	s7 =	smul.u32 @!p0 $0xF7A, s2;
	p2 =	seq.s32 @!p0 s5, $0x0  }
0x1f: {  	s9 =	smul.u32 $0xF7A, s1;
	s8 =	simm.s32 @!p0 $0x1BF5;
	p2 =	por !p2, p0  }
0x20: {  	[sflag:s8] =	ssyncset.s32 @!p0 $0xFFFFF086;
	s6 =	sadd.s32 @!p0 s3, s7;
	s7 =	simm.s32 @!p0 $0x108  }
0x21: {  	s3 =	sadd.s32 s3, s9;
	s6 =	sadd.s32 @!p0 $0x88, s6;
	s7 =	simm.s32 @p2 $0x1082  }
0x22: {  	[simem:s7], [sflag:s8] =	dma.local @!p0 [hbm:s6], $0xF7A  }
0x23: {  	s9 =	sor.u32 $0xD0000000, s2;
	s6 =	simm.s32 $0x108;
	_ =	swait.ge @!p0 [sflag:s8], $0x0  }
0x24: {  	s3 =	sadd.s32 $0x88, s3;
	s6 =	simm.s32 @!p1 $0x1082;
	[sflag:s4] =	ssyncset.s32 $0xFFFFF086  }
0x25: {  	[simem:s6], [sflag:s4] =	dma.local [hbm:s3], $0xF7A  }
0x26: {  	[smem:$0x3F9F] =	sst s1;
	(tag) =	ssettag s2;
	_ =	strace s9  }
0x27: {  	s1 =	sld [smem:$0x3FAF]  }
0x28: {  	s2 =	sld [smem:$0x3FB0]  }
0x29: {  	s4 =	sld [smem:$0x3FB2]  }
0x2a: {  	p0 =	seq.s32 s5, $0x0;
	s5 =	sld [smem:$0x3FB3]  }
0x2b: {  	s6 =	sld [smem:$0x3FB4]  }
0x2c: {  	s7 =	sld [smem:$0x3FB5]  }
0x2d: {  	s3 =	simm.s32 $0x108;
	s8 =	sld [smem:$0x3FB6]  }
0x2e: {  	s3 =	simm.s32 @!p0 $0x1082;
	s9 =	sld [smem:$0x3FB7]  }
0x2f: {  	lr =	sadd.s32 s0, s3;
	s0 =	sld [smem:$0x3FAE]  }
0x30: {  	s3 =	sld [smem:$0x3FB1]  }
0x31: {  	[smem:$0x3FBA] =	sst s10  }
0x32: {  	s10 =	sld [smem:$0x3FB8];
	_ =	sdelay $0x3  }
0x33: {  	p0 =	seq.s32 s10, $0x1;
	s10 =	sld [smem:$0x3FBA];
	_ =	sdelay $0x3  }
0x34: {  	[smem:$0x3FBA] =	sst s10  }
0x35: {  	s10 =	sld [smem:$0x3FB9];
	_ =	sdelay $0x3  }
0x36: {  	p1 =	seq.s32 s10, $0x1;
	s10 =	sld [smem:$0x3FBA];
	_ =	sdelay $0x3  }
0x37: {  	[smem:$0x3FBA] =	sst s10  }
0x38: {  	s10 =	sld [smem:$0x3FBB]  }
0x39: {  	_ = 	snop;
	(pc) =	sbr.ind lr, $3  }
0x3a: {  	_ = 	snop  }
0x3b: {  	_ = 	snop  }
0x3c: {  	p2 =	seq.s32 s10, $0x1;
	s10 =	sld [smem:$0x3FBA]  }
0x3d: {  	_ =	shalt  }
0x3e: {  	_ =	shalt  }
0x3f: {  	_ =	shalt  }
0x40: {  	_ =	shalt  }
0x41: {  	_ =	shalt  }
0x42: {  	_ =	shalt  }
0x43: {  	_ =	shalt  }
0x44: {  	_ =	shalt  }
0x45: {  	_ =	shalt  }
0x46: {  	_ =	shalt  }
0x47: {  	_ =	shalt  }
0x48: {  	_ =	shalt  }
0x49: {  	_ =	shalt  }
0x4a: {  	_ =	shalt  }
0x4b: {  	_ =	shalt  }
0x4c: {  	_ =	shalt  }
0x4d: {  	_ =	shalt  }
0x4e: {  	_ =	shalt  }
0x4f: {  	_ =	shalt  }
0x50: {  	_ =	shalt  }
0x51: {  	_ =	shalt  }
0x52: {  	_ =	shalt  }
0x53: {  	_ =	shalt  }
0x54: {  	_ =	shalt  }
0x55: {  	_ =	shalt  }
0x56: {  	_ =	shalt  }
0x57: {  	_ =	shalt  }
0x58: {  	_ =	shalt  }
0x59: {  	_ =	shalt  }
0x5a: {  	_ =	shalt  }
0x5b: {  	_ =	shalt  }
0x5c: {  	_ =	shalt  }
0x5d: {  	_ =	shalt  }
0x5e: {  	_ =	shalt  }
0x5f: {  	_ =	shalt  }
0x60: {  	_ =	shalt  }
0x61: {  	_ =	shalt  }
0x62: {  	_ =	shalt  }
0x63: {  	_ =	shalt  }
0x64: {  	_ =	shalt  }
0x65: {  	_ =	shalt  }
0x66: {  	_ =	shalt  }
0x67: {  	_ =	shalt  }
0x68: {  	_ =	shalt  }
0x69: {  	_ =	shalt  }
0x6a: {  	_ =	shalt  }
0x6b: {  	_ =	shalt  }
0x6c: {  	_ =	shalt  }
0x6d: {  	_ =	shalt  }
0x6e: {  	_ =	shalt  }
0x6f: {  	_ =	shalt  }
0x70: {  	_ =	shalt  }
0x71: {  	_ =	shalt  }
0x72: {  	_ =	shalt  }
0x73: {  	_ =	shalt  }
0x74: {  	_ =	shalt  }
0x75: {  	_ =	shalt  }
0x76: {  	_ =	shalt  }
0x77: {  	_ =	shalt  }
0x78: {  	_ =	shalt  }
0x79: {  	_ =	shalt  }
0x7a: {  	_ =	shalt  }
0x7b: {  	_ =	shalt  }
0x7c: {  	_ =	shalt  }
0x7d: {  	_ =	shalt  }
0x7e: {  	_ =	shalt  }
0x7f: {  	_ =	shalt  }
0x80: {  	_ =	shalt  }
0x81: {  	_ =	shalt  }
0x82: {  	_ =	shalt  }
0x83: {  	_ =	shalt  }
0x84: {  	_ =	shalt  }
0x85: {  	_ =	shalt  }
0x86: {  	_ =	shalt  }
0x87: {  	_ =	shalt  }
.Lfunc_end0:
.L_simem_size_0:
called_computation_lowered:
.L_overlay_start_0:
0x88: {  	s2 =	sld [smem:$0x3FD9]  }
0x89: {  	s3 =	sld [smem:$0x3FFE];
	_ =	sdelay $0x1  }
0x8a: {  	s1 =	srdreg.scid  }
0x8b: {  	s0 =	sand.u32 $0x1, s1  }
0x8c: {  	s17 =	sshll.u32 s0, $0xA;
	s2 =	sadd.s32 s3, s2  }
0x8d: {  	s2 =	sadd.s32 s2, s17  }
0x8e: {  	[smem:$0x3FC6] =	sst s2  }
0x8f: {  	_ = 	snop  }
0x90: {  	s2 =	sld [smem:$0x3FC9]  }
0x91: {  	s18 =	sld [smem:$0x3FD0];
	(tm) =	ssettm $0x1  }
0x92: {  	s4 =	sld [smem:$0x3FFB];
	_ =	sdelay $0x3  }
0x93: {  	_ =	strace s4  }
0x94: {  	s4 =	sld [smem:$0x3FFC];
	_ =	sdelay $0x3  }
0x95: {  	_ =	strace s4  }
0x96: {  	s4 =	sld [smem:$0x3FFD];
	_ =	sdelay $0x3  }
0x97: {  	_ =	strace s4  }
0x98: {  	_ =	strace $0x8FFFFFFF  }
0x99: {  	s19 =	sld [smem:$0x3FDB];
	_ =	sdelay $0x1  }
0x9a: {  	s5 =	simm.s32 $_scs_section_size  }
0x9b: {  	s6 =	simm.s32 $_size__tile_overlayer_lowered;
	s7 =	simm.s32 $_tile_overlayer_lowered  }
0x9c: {  	s22 =	simm.s32 $0x1BFF;
	s21 =	sshll.u32 s7, $0x1;
	s4 =	sadd.s32 s5, s19  }
0x9d: {  	s8 =	simm.s32 $0x0;
	s20 =	sshll.u32 s6, $0x1;
	s6 =	sadd.s32 s21, s4  }
0x9e: {  	[timem:s8], [sflag:s22] =	dma.local [hbm:s6], s20  }
0x9f: {  	_ =	swait.ge [sflag:s22], s20  }
0xa0: {  	s5 =	ssub.s32 $0x0, s20;
	[sflag:s22] =	ssyncset.done $0x0  }
0xa1: {  	[sflag:s22] =	ssyncadd.s32 s5;
	_ =	sdelay $0x1  }
0xa2: {  	s23 =	simm.s32 $0x1B8B  }
0xa3: {  	_ =	swait.ge [sflag:s23], $0x1  }
0xa4: {  	[sflag:s23] =	ssyncset.done $0x0  }
0xa5: {  	s25 =	simm.s32 $0x1B8E;
	s24 =	sld [smem:$0x3FFE];
	[sflag:s23] =	ssyncadd.s32 $0xFFFFFFFF  }
0xa6: {  	s26 =	simm.s32 $execute0_lowered;
	[smem:$0x3FD2] =	sst s25  }
0xa7: {  	s6 =	sshll.u32 s26, $0x1;
	_ =	strace $0x80000046;
	[dreg:$0x1] =	wrdreg $0xFFFFFFFF  }
0xa8: {  	s28 =	simm.s32 $_size_execute0_lowered;
	s4 =	sadd.s32 s4, s6;
	[dreg:$0x0] =	wrdreg $0x0  }
0xa9: {  	s6 =	sshll.u32 s28, $0x1;
	[dreg:$0x2] =	wrdreg s4  }
0xaa: {  	[dreg:$0x3] =	wrdreg s6  }
0xab: {  	[dreg:$0x4] =	wrdreg $0xC0  }
0xac: {  	_ =	task [dreg:s8], $0x5FFFF  }
0xad: {  	[dreg:$0x1] =	wrdreg $0xFFFFFFFF  }
0xae: {  	[dreg:$0x0] =	wrdreg $0x60  }
0xaf: {  	[dreg:$0x2] =	wrdreg s24  }
0xb0: {  	[dreg:$0x3] =	wrdreg s2  }
0xb1: {  	[dreg:$0x4] =	wrdreg s18  }
0xb2: {  	[dreg:$0x5] =	wrdreg $0x9  }
0xb3: {  	_ =	task.clear_ibuf [dreg:s8], $0x6FFFF;
	_ =	strace $0x90000046  }
0xb4: {  	s29 =	simm.s32 $0x9;
	_ =	strace $0x80000048  }
0xb5: {  	_ =	swait.ge [sflag:s29], $0x1  }
0xb6: {  	[sflag:s29] =	ssyncadd.s32 $0xFFFFFFFF  }
0xb7: {  	_ =	strace $0x90000048  }
0xb8: {  	_ =	sfence  }
0xb9: {  	s30 =	sld [smem:$0x0];
	_ =	sdelay $0x2  }
0xba: {  	s31 =	sshll.u32 s1, $0xD;
	s1 =	sshrl.u32 s1, $0x2  }
0xbb: {  	s3 =	sand.u32 $0x4000, s31;
	s1 =	sadd.s32 s1, s30  }
0xbc: {  	s0 =	sor.u32 s3, s0;
	s1 =	sshll.u32 s1, $0x11  }
0xbd: {  	s0 =	sor.u32 s1, s0  }
0xbe: {  	s0 =	sadd.s32 $0x8F2B, s0  }
0xbf: {  	[sflag:s0] =	ssyncadd.remote.s32 $0x1  }
0xc0: {  	_ =	sfence.sel $0xFFFF  }
0xc1: {  	[dreg:$0x0] =	wrdreg $0xFFFFFFFF;
	(pc) =	sbr.abs _section_cstart, $3  }
0xc2: {  	[dreg:$0x1] =	wrdreg $0xFFFFFFFF  }
0xc3: {  	_ =	task.clear_ibuf [dreg:s8], $0x2FFFF;
	_ =	strace $0x9FFFFFFF  }
0xc4: {  	(tm) =	ssettm $0x7FFFFFFF  }
0xc5: {  	_ =	shalt  }
tec
execute0_lowered:
.L_overlay_start_1:
0x0: {  	(tag) =	ssettag $0x1  }
0x1: {  	s0 =	rddreg [dreg:$0x0]  }
0x2: {  	s1 =	rddreg [dreg:$0x1]  }
0x3: {  	s2 =	rddreg [dreg:$0x2];
	s3 =	srdreg.scid;
	s5 =	simm.s32 $0x0  }
0x4: {  	s4 =	stileid.u32;
	s12 =	simm.s32 $0x400;
	s13 =	simm.s32 $0x8000  }
0x5: {  	s24 =	simm.s32 $0x1;
	s25 =	simm.s32 $0x6400;
	s28 =	simm.s32 $0x2  }
0x6: {  	s30 =	simm.s32 $0x3;
	s16 =	simm.s32 $0x5;
	s17 =	simm.s32 $0x1A800  }
0x7: {  	s3 =	sand.u32 $0x1, s3;
	[smem:$0x7FF] =	sst s5;
	s4 =	sshll.u32 s4, $0xB  }
0x8: {  	v0 =	vlaneseq.u32;
	s5 =	sadd.s32 $0xF42800, s0;
	s29 =	sshll.u32 s3, $0xA;
	s3 =	ssub.s32 $0x2, s3  }
0x9: {  	v0 =	vmul.u32 $0x48, v0;
	_ =	strace $0x80000047;
	s4 =	sor.u32 s29, s4;
	s31 =	sshrl.u32 s3, $0x1  }
0xa: {  	s6 =	sshrl.u32 s4, $0x3;
	s0 =	ssub.s32 s3, s31;
	s7 =	sor.u32 $0x40000, s4  }
0xb: {  	v1 =	vadd.s32 $0x480, v0;
	s8 =	sor.u32 $0x80000, s4;
	s9 =	sor.u32 $0xC0000, s4;
	s1 =	sadd.s32 s1, s6  }
0xc: {  	v2 =	vadd.s32 $0x900, v0;
	v3 =	vadd.s32 $0xD80, v0;
	v4 =	vadd.s32 $0x1200, v0;
	s10 =	sor.u32 $0x100000, s4;
	s0 =	smax.u32 s0, $0x1;
	[dreg:$0x4] =	wrdreg s1  }
0xd: {  	v5 =	vadd.s32 $0x1680, v0;
	v6 =	vadd.s32 $0x1B00, v0;
	v7 =	vadd.s32 $0x1F80, v0;
	s6 =	simm.s32 $0x0;
	[dreg:$0x5] =	wrdreg s0;
	s0 =	simm.s32 $0x4  }
.LBB2_1:
0xe: {  	[dreg:$0x6] =	wrdreg s6  }
0xf: {  	s1 =	simm.s32 $0x0;
	s3 =	rddreg [dreg:$0x4];
	s15 =	simm.s32 $0xB  }
0x10: {  	[tilespmem:s1], [sflag:$0xB] =	stream.strided.gather [hbm4b:s3+s12], $0x6400, s13, s12, $0x38;
	[tilespmem:$0x1C800] =	vst v63  }
0x11: {  	_ =	swait.ge [sflag:s15], $0x6400  }
0x12: {  	[sflag:s15] =	ssyncset.done $0x0  }
0x13: {  	s18 =	simm.s32 $0x80;
	s19 =	simm.s32 $0x8800;
	[sflag:s15] =	ssyncadd.s32 $0xFFFF9C00  }
0x14: {  	[tilespmem:s19], [sflag:$0x1] =	stream.indirect.gather [hbm4b:s5+s18], $0x40, s1, s18, $0xb8;
	[tilespmem:$0x1C800] =	vst v63  }
0x15: {  	s20 =	simm.s32 $0xA800  }
0x16: {  	[tilespmem:s20], [sflag:$0x2] =	stream.indirect.gather [hbm4b:s5+s18], $0x40, s18, s18, $0xb8;
	[tilespmem:$0x1C800] =	vst v63  }
0x17: {  	s21 =	simm.s32 $0x100;
	s22 =	simm.s32 $0xC800  }
0x18: {  	[tilespmem:s22], [sflag:$0x3] =	stream.indirect.gather [hbm4b:s5+s18], $0x40, s21, s18, $0xb8;
	[tilespmem:$0x1C800] =	vst v63  }
0x19: {  	s23 =	simm.s32 $0x180;
	s26 =	simm.s32 $0xE800  }
0x1a: {  	[tilespmem:s26], [sflag:$0x4] =	stream.indirect.gather [hbm4b:s5+s18], $0x40, s23, s18, $0xb8;
	[tilespmem:$0x1C800] =	vst v63  }
0x1b: {  	s29 =	simm.s32 $0x200;
	s31 =	simm.s32 $0x10800;
	s3 =	simm.s32 $0x0  }
0x1c: {  	[tilespmem:s31], [sflag:$0x5] =	stream.indirect.gather [hbm4b:s5+s18], $0x40, s29, s18, $0xb8;
	[tilespmem:$0x1C800] =	vst v63  }
.LBB2_2:
0x1d: {  	p1 =	seq.s32 s3, $0x0  }
0x1e: {  	s6 =	simm.s32 @!p1 $0x6  }
0x1f: {  	_ =	swait.ge @!p1 [sflag:s6], $0x2000  }
0x20: {  	[sflag:s6] =	ssyncset.done @!p1 $0x0  }
0x21: {  	[sflag:s6] =	ssyncadd.s32 @!p1 $0xFFFFE000  }
0x22: {  	_ =	swait.ge [sflag:s24], $0x2000  }
0x23: {  	[sflag:s24] =	ssyncset.done $0x0  }
0x24: {  	s11 =	simm.s32 $0x8840;
	[sflag:s24] =	ssyncadd.s32 $0xFFFFE000  }
0x25: {  	v8 =	vld [tilespmem:s11+$0x0];
	_ =	sdelay $0x3  }
0x26: {  	v9 =	vld [tilespmem:s11+$0xFFFFFFC0]  }
0x27: {  	v8 =	vmul.f32 $8.000000000e+00, v8  }
0x28: {  	s14 =	simm.s32 $0x6448;
	s19 =	simm.s32 $0x88C0  }
0x29: {  	[tilespmem:s14+$0x0] =	vst v8;
	v8 =	vld [tilespmem:s19+$0x0]  }
0x2a: {  	v10 =	vld [tilespmem:s11+$0x10]  }
0x2b: {  	v9 =	vmul.f32 $8.000000000e+00, v9;
	_ =	sdelay $0x1  }
0x2c: {  	[tilespmem:s14+$0xFFFFFFB8] =	vst v9;
	v9 =	vld [tilespmem:s19+$0xFFFFFFC0]  }
0x2d: {  	v11 =	vld [tilespmem:s11+$0xFFFFFFD0];
	v8 =	vmul.f32 $8.000000000e+00, v8  }
0x2e: {  	s18 =	simm.s32 $0x64D8;
	s15 =	simm.s32 $0x8940;
	v10 =	vmul.f32 $8.000000000e+00, v10  }
0x2f: {  	[tilespmem:s18+$0x0] =	vst v8;
	v8 =	vld [tilespmem:s15+$0x0]  }
0x30: {  	[tilespmem:s14+$0x10] =	vst v10;
	v10 =	vld [tilespmem:s19+$0x10]  }
0x31: {  	v9 =	vmul.f32 $8.000000000e+00, v9;
	v12 =	vld [tilespmem:s11+$0x20]  }
0x32: {  	v11 =	vmul.f32 $8.000000000e+00, v11  }
0x33: {  	[tilespmem:s18+$0xFFFFFFB8] =	vst v9;
	v9 =	vld [tilespmem:s15+$0xFFFFFFC0]  }
0x34: {  	[tilespmem:s14+$0xFFFFFFC8] =	vst v11;
	v11 =	vld [tilespmem:s19+$0xFFFFFFD0];
	v8 =	vmul.f32 $8.000000000e+00, v8  }
0x35: {  	s20 =	simm.s32 $0x6568;
	s21 =	simm.s32 $0x89C0;
	v13 =	vld [tilespmem:s11+$0xFFFFFFE0];
	v10 =	vmul.f32 $8.000000000e+00, v10  }
0x36: {  	[tilespmem:s20+$0x0] =	vst v8;
	v8 =	vmul.f32 $8.000000000e+00, v12;
	v12 =	vld [tilespmem:s21+$0x0]  }
0x37: {  	[tilespmem:s18+$0x10] =	vst v10;
	v14 =	vld [tilespmem:s15+$0x10]  }
0x38: {  	v9 =	vmul.f32 $8.000000000e+00, v9;
	[tilespmem:s14+$0x20] =	vst v8;
	v15 =	vld [tilespmem:s19+$0x20]  }
0x39: {  	v10 =	vmul.f32 $8.000000000e+00, v11;
	v8 =	vld [tilespmem:s11+$0x30]  }
0x3a: {  	[tilespmem:s20+$0xFFFFFFB8] =	vst v9;
	v9 =	vmul.f32 $8.000000000e+00, v13;
	v11 =	vld [tilespmem:s21+$0xFFFFFFC0]  }
0x3b: {  	[tilespmem:s18+$0xFFFFFFC8] =	vst v10;
	v13 =	vmul.f32 $8.000000000e+00, v12;
	v12 =	vld [tilespmem:s15+$0xFFFFFFD0]  }
0x3c: {  	s23 =	simm.s32 $0x65F8;
	s26 =	simm.s32 $0x6;
	[tilespmem:s14+$0xFFFFFFD8] =	vst v9;
	v10 =	vld [tilespmem:s19+$0xFFFFFFE0];
	v14 =	vmul.f32 $8.000000000e+00, v14  }
0x3d: {  	s29 =	simm.s32 $0x8A40;
	s22 =	simm.s32 $0x65F8;
	s6 =	smul.u32 $0x5, s3;
	v9 =	vld [tilespmem:s11+$0xFFFFFFF0];
	[tilespmem:s23+$0x0] =	vst v13;
	v13 =	vmul.f32 $8.000000000e+00, v15  }
.LBB2_3:
0x3e: {  	v15 =	vld [tilespmem:s29+$0x0];
	[tilespmem:s20+$0x10] =	vst v14;
	v8 =	vmul.f32 $8.000000000e+00, v8;
	s31 =	smov.u32 s19;
	s19 =	smov.u32 s15;
	s15 =	smov.u32 s21  }
0x3f: {  	s21 =	smov.u32 s29;
	s26 =	sadd.s32 $0x2, s26;
	v11 =	vmul.f32 $8.000000000e+00, v11;
	v14 =	vld [tilespmem:s15+$0x10];
	[tilespmem:s18+$0x20] =	vst v13  }
0x40: {  	s11 =	simm.s32 $0x12840;
	p0 =	slt.u32 s26, $0x7E;
	v12 =	vmul.f32 $8.000000000e+00, v12;
	v13 =	vld [tilespmem:s19+$0x20];
	[tilespmem:s14+$0x30] =	vst v8  }
.Ltmp0:
0x41: {  	[tilespmem:s23+$0xFFFFFFB8] =	vst v11;
	v10 =	vmul.f32 $8.000000000e+00, v10;
	v8 =	vld [tilespmem:s31+$0x30];
	(pc) =	sbr.rel @p0 .LBB2_3-.Ltmp0, $4  }
0x42: {  	v11 =	vld [tilespmem:s29+$0xFFFFFFC0];
	[tilespmem:s20+$0xFFFFFFC8] =	vst v12;
	v9 =	vmul.f32 $8.000000000e+00, v9  }
0x43: {  	v15 =	vmul.f32 $8.000000000e+00, v15;
	v12 =	vld [tilespmem:s15+$0xFFFFFFD0];
	[tilespmem:s18+$0xFFFFFFD8] =	vst v10  }
0x44: {  	s23 =	sadd.s32 $0x90, s23;
	v14 =	vmul.f32 $8.000000000e+00, v14;
	v10 =	vld [tilespmem:s19+$0xFFFFFFE0];
	[tilespmem:s14+$0xFFFFFFE8] =	vst v9;
	s14 =	smov.u32 s18;
	s18 =	smov.u32 s20  }
0x45: {  	s29 =	sadd.s32 $0x80, s29;
	s20 =	smov.u32 s22;
	s22 =	smov.u32 s23;
	[tilespmem:s23+$0x0] =	vst v15;
	v13 =	vmul.f32 $8.000000000e+00, v13;
	v9 =	vld [tilespmem:s31+$0xFFFFFFF0]  }
0x46: {  	_ = 	snop  }
0x47: {  	v11 =	vmul.f32 $8.000000000e+00, v11;
	_ =	sdelay $0x1  }
0x48: {  	v15 =	vld [tilespmem:s21+$0x10];
	[tilespmem:s23+$0xFFFFFFB8] =	vst v11  }
0x49: {  	v11 =	vld [tilespmem:s21+$0xFFFFFFD0];
	_ =	sdelay $0x2  }
0x4a: {  	v12 =	vmul.f32 $8.000000000e+00, v12  }
0x4b: {  	[tilespmem:s20+$0x10] =	vst v14;
	v14 =	vmul.f32 $8.000000000e+00, v15  }
0x4c: {  	[tilespmem:s20+$0xFFFFFFC8] =	vst v12;
	v15 =	vld [tilespmem:s15+$0x20];
	v11 =	vmul.f32 $8.000000000e+00, v11  }
0x4d: {  	v12 =	vld [tilespmem:s15+$0xFFFFFFE0];
	[tilespmem:s22+$0x10] =	vst v14  }
0x4e: {  	v14 =	vld [tilespmem:s21+$0x20];
	[tilespmem:s22+$0xFFFFFFC8] =	vst v11  }
0x4f: {  	v11 =	vld [tilespmem:s21+$0xFFFFFFE0]  }
0x50: {  	v10 =	vmul.f32 $8.000000000e+00, v10  }
0x51: {  	[tilespmem:s18+$0x20] =	vst v13;
	v13 =	vmul.f32 $8.000000000e+00, v15  }
0x52: {  	[tilespmem:s18+$0xFFFFFFD8] =	vst v10;
	v15 =	vld [tilespmem:s19+$0x30];
	v10 =	vmul.f32 $8.000000000e+00, v12  }
0x53: {  	v12 =	vld [tilespmem:s19+$0xFFFFFFF0];
	[tilespmem:s20+$0x20] =	vst v13;
	v13 =	vmul.f32 $8.000000000e+00, v14  }
0x54: {  	[tilespmem:s20+$0xFFFFFFD8] =	vst v10;
	v14 =	vld [tilespmem:s15+$0x30];
	v10 =	vmul.f32 $8.000000000e+00, v11  }
0x55: {  	v8 =	vmul.f32 $8.000000000e+00, v8;
	[tilespmem:s22+$0x20] =	vst v13;
	v11 =	vld [tilespmem:s15+$0xFFFFFFF0]  }
0x56: {  	v9 =	vmul.f32 $8.000000000e+00, v9;
	v13 =	vld [tilespmem:s21+$0x30];
	[tilespmem:s22+$0xFFFFFFD8] =	vst v10  }
0x57: {  	s26 =	simm.s32 $0x0;
	[tilespmem:s14+$0x30] =	vst v8;
	v8 =	vmul.f32 $8.000000000e+00, v15;
	v10 =	vld [tilespmem:s21+$0xFFFFFFF0]  }
0x58: {  	[tilespmem:s14+$0xFFFFFFE8] =	vst v9;
	v9 =	vmul.f32 $8.000000000e+00, v12;
	v12 =	vmov s26  }
0x59: {  	v12 =	vand.u32 $0x3E, v12;
	[tilespmem:s18+$0x30] =	vst v8;
	v8 =	vmul.f32 $8.000000000e+00, v14  }
0x5a: {  	s29 =	simm.s32 $0x1;
	[tilespmem:s18+$0xFFFFFFE8] =	vst v9;
	v14 =	vadd.s32 v0, v12;
	v9 =	vmul.f32 $8.000000000e+00, v11  }
0x5b: {  	[tilespmem:s20+$0x30] =	vst v8;
	v8 =	vmul.f32 $8.000000000e+00, v13;
	v11 =	vmov s29  }
0x5c: {  	v11 =	vand.u32 $0x3F, v11;
	[tilespmem:s20+$0xFFFFFFE8] =	vst v9;
	v9 =	vmul.f32 $8.000000000e+00, v10  }
0x5d: {  	[tilespmem:s22+$0x30] =	vst v8;
	v8 =	vadd.s32 v0, v11  }
0x5e: {  	[tilespmem:s22+$0xFFFFFFE8] =	vst v9  }
0x5f: {  	v9 =	vld.idx.msk [tilespmem:v14+s25+$0x0], $0xffff  }
0x60: {  	v10 =	vadd.s32 v1, v12  }
0x61: {  	s31 =	simm.s32 $0x2  }
0x62: {  	v13 =	vmov s31;
	v14 =	vld.idx.msk [tilespmem:v8+s25+$0x0], $0xffff  }
0x63: {  	v8 =	vand.u32 $0x3E, v13;
	v13 =	vadd.s32 v1, v11  }
0x64: {  	s1 =	simm.s32 $0x80;
	s18 =	simm.s32 $0x0;
	[tilespmem:s11+$0xFFFFFFC0] =	vst v9;
	v9 =	vadd.s32 v0, v8  }
0x65: {  	s14 =	sand.u32 $0x380, s1;
	s15 =	sand.u32 $0x1C00, s18;
	v10 =	vld.idx.msk [tilespmem:v10+s25+$0x0], $0xffff  }
0x66: {  	v15 =	vadd.s32 v2, v12;
	s14 =	sor.u32 s14, s15  }
0x67: {  	[tilespmem:s14+$0x12800] =	vst v14  }
0x68: {  	s19 =	simm.s32 $0x3;
	v13 =	vld.idx.msk [tilespmem:v13+s25+$0x0], $0xffff  }
0x69: {  	v16 =	vadd.s32 v2, v11;
	v14 =	vld.idx.msk [tilespmem:v9+s25+$0x0], $0xffff;
	v9 =	vmov s19  }
0x6a: {  	v17 =	vadd.s32 v1, v8;
	[tilespmem:s11+$0xFFFFFFD0] =	vst v10;
	v9 =	vand.u32 $0x3F, v9  }
0x6b: {  	s20 =	simm.s32 $0x4;
	v15 =	vld.idx.msk [tilespmem:v15+s25+$0x0], $0xffff;
	v18 =	vadd.s32 v0, v9  }
0x6c: {  	v19 =	vadd.s32 v3, v12;
	s18 =	sadd.s32 $0x12800, s14;
	v10 =	vmov s20  }
0x6d: {  	s14 =	simm.s32 $0x12940;
	v10 =	vand.u32 $0x3E, v10;
	[tilespmem:s18+$0x10] =	vst v13  }
0x6e: {  	v13 =	vadd.s32 v0, v10;
	[tilespmem:s14+$0xFFFFFFC0] =	vst v14;
	v14 =	vld.idx.msk [tilespmem:v16+s25+$0x0], $0xffff  }
0x6f: {  	v16 =	vld.idx.msk [tilespmem:v17+s25+$0x0], $0xffff;
	v17 =	vadd.s32 v3, v11  }
0x70: {  	[tilespmem:s11+$0xFFFFFFE0] =	vst v15;
	v15 =	vadd.s32 v2, v8;
	v18 =	vld.idx.msk [tilespmem:v18+s25+$0x0], $0xffff  }
0x71: {  	v20 =	vadd.s32 v1, v9;
	v19 =	vld.idx.msk [tilespmem:v19+s25+$0x0], $0xffff  }
0x72: {  	s21 =	simm.s32 $0x180;
	s22 =	simm.s32 $0x100  }
0x73: {  	v21 =	vadd.s32 v4, v12;
	s15 =	sand.u32 $0x380, s21;
	s19 =	sand.u32 $0x1C00, s22;
	v13 =	vld.idx.msk [tilespmem:v13+s25+$0x0], $0xffff;
	[tilespmem:s18+$0x20] =	vst v14  }
0x74: {  	s15 =	sor.u32 s15, s19;
	[tilespmem:s14+$0xFFFFFFD0] =	vst v16;
	v16 =	vadd.s32 v1, v10;
	v17 =	vld.idx.msk [tilespmem:v17+s25+$0x0], $0xffff  }
0x75: {  	v15 =	vld.idx.msk [tilespmem:v15+s25+$0x0], $0xffff;
	[tilespmem:s15+$0x12800] =	vst v18;
	v18 =	vadd.s32 v4, v11  }
0x76: {  	[tilespmem:s11+$0xFFFFFFF0] =	vst v19;
	v19 =	vadd.s32 v3, v8;
	v20 =	vld.idx.msk [tilespmem:v20+s25+$0x0], $0xffff  }
0x77: {  	s23 =	simm.s32 $0x5;
	s19 =	simm.s32 $0x12A40;
	v22 =	vadd.s32 v2, v9  }
0x78: {  	s26 =	simm.s32 $0x6;
	v14 =	vmov s23;
	[tilespmem:s19+$0xFFFFFFC0] =	vst v13;
	v21 =	vld.idx.msk [tilespmem:v21+s25+$0x0], $0xffff  }
0x79: {  	v23 =	vadd.s32 v5, v12;
	v14 =	vand.u32 $0x3F, v14;
	v13 =	vmov s26;
	v16 =	vld.idx.msk [tilespmem:v16+s25+$0x0], $0xffff;
	[tilespmem:s18+$0x30] =	vst v17  }
0x7a: {  	s20 =	sadd.s32 $0x12800, s15;
	v24 =	vadd.s32 v0, v14;
	v13 =	vand.u32 $0x3E, v13;
	[tilespmem:s14+$0xFFFFFFE0] =	vst v15;
	v15 =	vld.idx.msk [tilespmem:v18+s25+$0x0], $0xffff  }
0x7b: {  	v17 =	vadd.s32 v0, v13;
	v18 =	vld.idx.msk [tilespmem:v19+s25+$0x0], $0xffff;
	[tilespmem:s20+$0x10] =	vst v20  }
0x7c: {  	v19 =	vadd.s32 v5, v11;
	v22 =	vld.idx.msk [tilespmem:v22+s25+$0x0], $0xffff  }
0x7d: {  	v25 =	vadd.s32 v3, v9;
	[tilespmem:s11+$0x0] =	vst v21  }
0x7e: {  	v21 =	vadd.s32 v2, v10;
	v23 =	vld.idx.msk [tilespmem:v23+s25+$0x0], $0xffff  }
0x7f: {  	[tilespmem:s19+$0xFFFFFFD0] =	vst v16;
	v16 =	vld.idx.msk [tilespmem:v24+s25+$0x0], $0xffff;
	v24 =	vadd.s32 v4, v8  }
0x80: {  	v28 =	vadd.s32 v6, v12;
	v26 =	vld.idx.msk [tilespmem:v17+s25+$0x0], $0xffff;
	[tilespmem:s18+$0x40] =	vst v15  }
0x81: {  	v27 =	vadd.s32 v1, v14;
	v20 =	vld.idx.msk [tilespmem:v19+s25+$0x0], $0xffff;
	[tilespmem:s20+$0x20] =	vst v22  }
0x82: {  	s29 =	simm.s32 $0x200;
	s22 =	simm.s32 $0x280;
	v15 =	vld.idx.msk [tilespmem:v25+s25+$0x0], $0xffff;
	v25 =	vadd.s32 v1, v13  }
0x83: {  	s31 =	sand.u32 $0x380, s22;
	s15 =	sand.u32 $0x1C00, s29;
	[tilespmem:s14+$0xFFFFFFF0] =	vst v18;
	v21 =	vld.idx.msk [tilespmem:v21+s25+$0x0], $0xffff;
	v22 =	vadd.s32 v6, v11  }
0x84: {  	s23 =	sor.u32 s31, s15;
	v18 =	vadd.s32 v3, v10;
	[tilespmem:s11+$0x10] =	vst v23;
	v17 =	vld.idx.msk [tilespmem:v24+s25+$0x0], $0xffff  }
0x85: {  	s21 =	simm.s32 $0x12B40;
	v19 =	vadd.s32 v4, v9;
	[tilespmem:s23+$0x12800] =	vst v16;
	v23 =	vld.idx.msk [tilespmem:v28+s25+$0x0], $0xffff  }
0x86: {  	s26 =	simm.s32 $0x7;
	s15 =	simm.s32 $0x8;
	[tilespmem:s21+$0xFFFFFFC0] =	vst v26;
	v16 =	vadd.s32 v5, v8;
	v24 =	vld.idx.msk [tilespmem:v27+s25+$0x0], $0xffff  }
.LBB2_5:
0x87: {  	p0 =	slt.u32 s15, $0x3E;
	v25 =	vld.idx.msk [tilespmem:v25+s25+$0x0], $0xffff;
	v26 =	vmov s26;
	v27 =	vadd.s32 v2, v14;
	[tilespmem:s18+$0x50] =	vst v20  }
0x88: {  	v20 =	vand.u32 $0x3F, v26;
	[tilespmem:s19+$0xFFFFFFE0] =	vst v21;
	v21 =	vadd.s32 v7, v12;
	v22 =	vld.idx.msk [tilespmem:v22+s25+$0x0], $0xffff;
	v12 =	vmovc v8;
	v8 =	vmov v10  }
0x89: {  	v26 =	vmov s15;
	v10 =	vmov v13;
	v28 =	vadd.s32 v0, v20;
	v18 =	vld.idx.msk [tilespmem:v18+s25+$0x0], $0xffff;
	[tilespmem:s20+$0x30] =	vst v15  }
0x8a: {  	s26 =	sadd.s32 $0x12800, s23;
	v13 =	vand.u32 $0x3E, v26;
	[tilespmem:s14+$0x0] =	vst v17;
	v15 =	vld.idx.msk [tilespmem:v19+s25+$0x0], $0xffff;
	v17 =	vadd.s32 v7, v11;
	v11 =	vmovc v9;
	v9 =	vmov v14  }
0x8b: {  	v19 =	vadd.s32 v0, v13;
	v14 =	vmov v20;
	[tilespmem:s26+$0x10] =	vst v24;
	v16 =	vld.idx.msk [tilespmem:v16+s25+$0x0], $0xffff  }
0x8c: {  	v20 =	vadd.s32 v5, v11;
	v24 =	vld.idx.msk [tilespmem:v27+s25+$0x0], $0xffff;
	[tilespmem:s11+$0x20] =	vst v23  }
0x8d: {  	v23 =	vadd.s32 v2, v10;
	[tilespmem:s21+$0xFFFFFFD0] =	vst v25;
	v26 =	vld.idx.msk [tilespmem:v21+s25+$0x0], $0xffff  }
0x8e: {  	v27 =	vld.idx.msk [tilespmem:v28+s25+$0x0], $0xffff;
	v28 =	vadd.s32 v3, v9;
	[tilespmem:s18+$0x60] =	vst v22  }
0x8f: {  	v29 =	vadd.s32 v4, v8;
	[tilespmem:s19+$0xFFFFFFF0] =	vst v18;
	v30 =	vld.idx.msk [tilespmem:v17+s25+$0x0], $0xffff  }
0x90: {  	s22 =	sadd.s32 $0x100, s22;
	v31 =	vld.idx.msk [tilespmem:v19+s25+$0x0], $0xffff;
	v19 =	vadd.s32 v1, v14;
	[tilespmem:s20+$0x40] =	vst v15  }
0x91: {  	s23 =	sadd.s32 $0xFFFFFF80, s22;
	v32 =	vadd.s32 v6, v12;
	[tilespmem:s14+$0x10] =	vst v16;
	v20 =	vld.idx.msk [tilespmem:v20+s25+$0x0], $0xffff  }
.Ltmp1:
0x92: {  	s29 =	sand.u32 $0x380, s22;
	s23 =	sand.u32 $0x1C00, s23;
	v25 =	vadd.s32 v1, v13;
	v21 =	vld.idx.msk [tilespmem:v23+s25+$0x0], $0xffff;
	[tilespmem:s26+$0x20] =	vst v24;
	(pc) =	sbr.rel @p0 .LBB2_5-.Ltmp1, $4  }
0x93: {  	s23 =	sor.u32 s29, s23;
	v22 =	vadd.s32 v6, v11;
	v15 =	vld.idx.msk [tilespmem:v28+s25+$0x0], $0xffff;
	[tilespmem:s11+$0x30] =	vst v26;
	s11 =	smov.u32 s14;
	s14 =	smov.u32 s19  }
0x94: {  	v18 =	vadd.s32 v3, v10;
	s19 =	smov.u32 s21;
	[tilespmem:s23+$0x12800] =	vst v27;
	v17 =	vld.idx.msk [tilespmem:v29+s25+$0x0], $0xffff  }
0x95: {  	s21 =	sadd.s32 $0x100, s21;
	v24 =	vld.idx.msk [tilespmem:v19+s25+$0x0], $0xffff;
	v19 =	vadd.s32 v4, v9;
	[tilespmem:s18+$0x70] =	vst v30;
	s18 =	smov.u32 s20;
	s20 =	smov.u32 s26  }
0x96: {  	v16 =	vadd.s32 v5, v8;
	s26 =	sadd.s32 $0x1, s15;
	s15 =	sadd.s32 $0x2, s15;
	[tilespmem:s21+$0xFFFFFFC0] =	vst v31;
	v23 =	vld.idx.msk [tilespmem:v32+s25+$0x0], $0xffff  }
0x97: {  	v26 =	vmov s26  }
0x98: {  	v26 =	vand.u32 $0x3F, v26  }
0x99: {  	v27 =	vadd.s32 v0, v26;
	_ =	sdelay $0x4  }
0x9a: {  	v27 =	vld.idx.msk [tilespmem:v27+s25+$0x0], $0xffff  }
0x9b: {  	s15 =	sadd.s32 $0x100, s22;
	v28 =	vadd.s32 v1, v26  }
0x9c: {  	s22 =	sadd.s32 $0xFFFFFF80, s15  }
0x9d: {  	s15 =	sand.u32 $0x380, s15;
	s22 =	sand.u32 $0x1C00, s22  }
0x9e: {  	s15 =	sor.u32 s15, s22  }
0x9f: {  	v25 =	vld.idx.msk [tilespmem:v25+s25+$0x0], $0xffff;
	v29 =	vadd.s32 v2, v14;
	[tilespmem:s15+$0x12800] =	vst v27  }
0xa0: {  	v43 =	vadd.s32 v2, v13;
	v28 =	vld.idx.msk [tilespmem:v28+s25+$0x0], $0xffff  }
0xa1: {  	[tilespmem:s18+$0x50] =	vst v20;
	v44 =	vadd.s32 v2, v26  }
0xa2: {  	[tilespmem:s19+$0xFFFFFFE0] =	vst v21;
	s1 =	sadd.s32 $0x12800, s23  }
0xa3: {  	[tilespmem:s1+$0x10] =	vst v24  }
0xa4: {  	v45 =	vld.idx.msk [tilespmem:v29+s25+$0x0], $0xffff;
	[tilespmem:s21+$0xFFFFFFD0] =	vst v25;
	s15 =	sadd.s32 $0x12800, s15  }
0xa5: {  	v46 =	vadd.s32 v3, v14;
	v25 =	vld.idx.msk [tilespmem:v43+s25+$0x0], $0xffff;
	[tilespmem:s15+$0x10] =	vst v28  }
0xa6: {  	[tilespmem:s20+$0x30] =	vst v15;
	v15 =	vadd.s32 v3, v13;
	v20 =	vld.idx.msk [tilespmem:v44+s25+$0x0], $0xffff  }
0xa7: {  	v22 =	vld.idx.msk [tilespmem:v22+s25+$0x0], $0xffff;
	[tilespmem:s14+$0x0] =	vst v17;
	v47 =	vadd.s32 v3, v26  }
0xa8: {  	v18 =	vld.idx.msk [tilespmem:v18+s25+$0x0], $0xffff;
	[tilespmem:s11+$0x20] =	vst v23  }
0xa9: {  	v12 =	vadd.s32 v7, v12;
	v19 =	vld.idx.msk [tilespmem:v19+s25+$0x0], $0xffff;
	[tilespmem:s1+$0x20] =	vst v45  }
0xaa: {  	v48 =	vadd.s32 v4, v10;
	v49 =	vld.idx.msk [tilespmem:v46+s25+$0x0], $0xffff;
	[tilespmem:s21+$0xFFFFFFE0] =	vst v25  }
0xab: {  	v50 =	vadd.s32 v4, v14;
	v15 =	vld.idx.msk [tilespmem:v15+s25+$0x0], $0xffff;
	[tilespmem:s15+$0x20] =	vst v20  }
0xac: {  	v51 =	vadd.s32 v4, v13;
	[tilespmem:s18+$0x60] =	vst v22;
	v17 =	vld.idx.msk [tilespmem:v47+s25+$0x0], $0xffff  }
0xad: {  	v52 =	vadd.s32 v4, v26;
	v16 =	vld.idx.msk [tilespmem:v16+s25+$0x0], $0xffff;
	[tilespmem:s19+$0xFFFFFFF0] =	vst v18  }
0xae: {  	v11 =	vadd.s32 v7, v11;
	v12 =	vld.idx.msk [tilespmem:v12+s25+$0x0], $0xffff;
	[tilespmem:s20+$0x40] =	vst v19  }
0xaf: {  	v53 =	vadd.s32 v5, v9;
	v21 =	vld.idx.msk [tilespmem:v48+s25+$0x0], $0xffff;
	[tilespmem:s1+$0x30] =	vst v49  }
0xb0: {  	v54 =	vadd.s32 v5, v10;
	v23 =	vld.idx.msk [tilespmem:v50+s25+$0x0], $0xffff;
	[tilespmem:s21+$0xFFFFFFF0] =	vst v15  }
0xb1: {  	v15 =	vadd.s32 v5, v14;
	v20 =	vld.idx.msk [tilespmem:v51+s25+$0x0], $0xffff;
	[tilespmem:s15+$0x30] =	vst v17  }
0xb2: {  	v55 =	vadd.s32 v5, v13;
	[tilespmem:s14+$0x10] =	vst v16;
	v17 =	vld.idx.msk [tilespmem:v52+s25+$0x0], $0xffff  }
0xb3: {  	v11 =	vld.idx.msk [tilespmem:v11+s25+$0x0], $0xffff;
	[tilespmem:s11+$0x30] =	vst v12;
	v12 =	vadd.s32 v5, v26  }
0xb4: {  	v56 =	vadd.s32 v6, v8;
	v19 =	vld.idx.msk [tilespmem:v53+s25+$0x0], $0xffff;
	[tilespmem:s19+$0x0] =	vst v21  }
0xb5: {  	v57 =	vadd.s32 v6, v9;
	v22 =	vld.idx.msk [tilespmem:v54+s25+$0x0], $0xffff;
	[tilespmem:s1+$0x40] =	vst v23  }
0xb6: {  	v58 =	vadd.s32 v6, v10;
	v15 =	vld.idx.msk [tilespmem:v15+s25+$0x0], $0xffff;
	[tilespmem:s21+$0x0] =	vst v20  }
0xb7: {  	v59 =	vadd.s32 v6, v14;
	v16 =	vld.idx.msk [tilespmem:v55+s25+$0x0], $0xffff;
	[tilespmem:s15+$0x40] =	vst v17  }
0xb8: {  	[tilespmem:s18+$0x70] =	vst v11;
	v11 =	vadd.s32 v6, v13;
	v12 =	vld.idx.msk [tilespmem:v12+s25+$0x0], $0xffff  }
0xb9: {  	v61 =	vadd.s32 v6, v26;
	v60 =	vld.idx.msk [tilespmem:v56+s25+$0x0], $0xffff;
	[tilespmem:s20+$0x50] =	vst v19  }
0xba: {  	v8 =	vadd.s32 v7, v8;
	v19 =	vld.idx.msk [tilespmem:v57+s25+$0x0], $0xffff;
	[tilespmem:s19+$0x10] =	vst v22  }
0xbb: {  	v9 =	vadd.s32 v7, v9;
	v62 =	vld.idx.msk [tilespmem:v58+s25+$0x0], $0xffff;
	[tilespmem:s1+$0x50] =	vst v15  }
0xbc: {  	v10 =	vadd.s32 v7, v10;
	v15 =	vld.idx.msk [tilespmem:v59+s25+$0x0], $0xffff;
	[tilespmem:s21+$0x10] =	vst v16  }
0xbd: {  	v14 =	vadd.s32 v7, v14;
	v11 =	vld.idx.msk [tilespmem:v11+s25+$0x0], $0xffff;
	[tilespmem:s15+$0x50] =	vst v12  }
0xbe: {  	[tilespmem:s14+$0x20] =	vst v60;
	v12 =	vadd.s32 v7, v13;
	v13 =	vld.idx.msk [tilespmem:v61+s25+$0x0], $0xffff  }
0xbf: {  	v63 =	vadd.s32 v7, v26;
	v8 =	vld.idx.msk [tilespmem:v8+s25+$0x0], $0xffff;
	[tilespmem:s20+$0x60] =	vst v19  }
0xc0: {  	v9 =	vld.idx.msk [tilespmem:v9+s25+$0x0], $0xffff;
	[tilespmem:s19+$0x20] =	vst v62  }
0xc1: {  	v10 =	vld.idx.msk [tilespmem:v10+s25+$0x0], $0xffff;
	[tilespmem:s1+$0x60] =	vst v15  }
0xc2: {  	v14 =	vld.idx.msk [tilespmem:v14+s25+$0x0], $0xffff;
	[tilespmem:s21+$0x20] =	vst v11  }
0xc3: {  	v11 =	vld.idx.msk [tilespmem:v12+s25+$0x0], $0xffff;
	[tilespmem:s15+$0x60] =	vst v13  }
0xc4: {  	p0 =	seq.s32 s3, $0x27;
	[tilespmem:s14+$0x30] =	vst v8;
	v8 =	vld.idx.msk [tilespmem:v63+s25+$0x0], $0xffff  }
0xc5: {  	s6 =	sshll.u32 @!p0 s6, $0x7;
	[tilespmem:s20+$0x70] =	vst v9  }
0xc6: {  	s11 =	sadd.s32 @!p0 $0x280, s6;
	[tilespmem:s19+$0x30] =	vst v10  }
0xc7: {  	s14 =	sand.u32 @!p0 $0x1FF80, s11;
	s11 =	smul.u32 $0x140000, s3;
	[tilespmem:s1+$0x70] =	vst v14  }
0xc8: {  	[tilespmem:s21+$0x30] =	vst v11  }
0xc9: {  	s18 =	simm.s32 @!p0 $0x8800;
	s22 =	sor.u32 s4, s11;
	[tilespmem:s15+$0x70] =	vst v8;
	s15 =	simm.s32 @!p0 $0x80  }
0xca: {  	[tilespmem:s18], [sflag:$0x1] =	stream.indirect.gather @!p0 [hbm4b:s5+s15], $0x40, s14, s15, $0xb8;
	[tilespmem:$0x1C800] =	vst v63  }
0xcb: {  	s14 =	sshrl.u32 s22, $0x3  }
0xcc: {  	s1 =	simm.s32 $0x12800;
	s14 =	sadd.s32 s2, s14  }
0xcd: {  	[hbm4b:s14+s12] =	stream.strided.scatter [tilespmem:s1], [sflag:$0x6], $0x2000, s13, s12, $0x38;
	[tilespmem:$0x1C800] =	vst v63  }
0xce: {  	s14 =	simm.s32 @!p1 $0x7  }
0xcf: {  	_ =	swait.ge @!p1 [sflag:s14], $0x2000  }
0xd0: {  	[sflag:s14] =	ssyncset.done @!p1 $0x0  }
0xd1: {  	[sflag:s14] =	ssyncadd.s32 @!p1 $0xFFFFE000  }
0xd2: {  	_ =	swait.ge [sflag:s28], $0x2000  }
0xd3: {  	[sflag:s28] =	ssyncset.done $0x0  }
0xd4: {  	s23 =	simm.s32 $0xA840;
	[sflag:s28] =	ssyncadd.s32 $0xFFFFE000  }
0xd5: {  	v8 =	vld [tilespmem:s23+$0x0];
	_ =	sdelay $0x3  }
0xd6: {  	v9 =	vld [tilespmem:s23+$0xFFFFFFC0]  }
0xd7: {  	v8 =	vmul.f32 $8.000000000e+00, v8  }
0xd8: {  	s20 =	simm.s32 $0xA8C0;
	s18 =	simm.s32 $0x6448  }
0xd9: {  	[tilespmem:s18+$0x0] =	vst v8;
	v8 =	vld [tilespmem:s20+$0x0]  }
0xda: {  	v10 =	vld [tilespmem:s23+$0x10]  }
0xdb: {  	v9 =	vmul.f32 $8.000000000e+00, v9;
	_ =	sdelay $0x1  }
0xdc: {  	[tilespmem:s18+$0xFFFFFFB8] =	vst v9;
	v9 =	vld [tilespmem:s20+$0xFFFFFFC0]  }
0xdd: {  	v11 =	vld [tilespmem:s23+$0xFFFFFFD0];
	v8 =	vmul.f32 $8.000000000e+00, v8  }
0xde: {  	s19 =	simm.s32 $0x64D8;
	s15 =	simm.s32 $0xA940;
	v10 =	vmul.f32 $8.000000000e+00, v10  }
0xdf: {  	[tilespmem:s19+$0x0] =	vst v8;
	v8 =	vld [tilespmem:s15+$0x0]  }
0xe0: {  	[tilespmem:s18+$0x10] =	vst v10;
	v10 =	vld [tilespmem:s20+$0x10]  }
0xe1: {  	v9 =	vmul.f32 $8.000000000e+00, v9;
	v12 =	vld [tilespmem:s23+$0x20]  }
0xe2: {  	v11 =	vmul.f32 $8.000000000e+00, v11  }
0xe3: {  	[tilespmem:s19+$0xFFFFFFB8] =	vst v9;
	v9 =	vld [tilespmem:s15+$0xFFFFFFC0]  }
0xe4: {  	[tilespmem:s18+$0xFFFFFFC8] =	vst v11;
	v11 =	vld [tilespmem:s20+$0xFFFFFFD0];
	v8 =	vmul.f32 $8.000000000e+00, v8  }
0xe5: {  	s21 =	simm.s32 $0x6568;
	s22 =	simm.s32 $0xA9C0;
	v13 =	vld [tilespmem:s23+$0xFFFFFFE0];
	v10 =	vmul.f32 $8.000000000e+00, v10  }
0xe6: {  	[tilespmem:s21+$0x0] =	vst v8;
	v8 =	vmul.f32 $8.000000000e+00, v12;
	v12 =	vld [tilespmem:s22+$0x0]  }
0xe7: {  	[tilespmem:s19+$0x10] =	vst v10;
	v14 =	vld [tilespmem:s15+$0x10]  }
0xe8: {  	v9 =	vmul.f32 $8.000000000e+00, v9;
	[tilespmem:s18+$0x20] =	vst v8;
	v15 =	vld [tilespmem:s20+$0x20]  }
0xe9: {  	v10 =	vmul.f32 $8.000000000e+00, v11;
	v8 =	vld [tilespmem:s23+$0x30]  }
0xea: {  	[tilespmem:s21+$0xFFFFFFB8] =	vst v9;
	v9 =	vmul.f32 $8.000000000e+00, v13;
	v11 =	vld [tilespmem:s22+$0xFFFFFFC0]  }
0xeb: {  	[tilespmem:s19+$0xFFFFFFC8] =	vst v10;
	v13 =	vmul.f32 $8.000000000e+00, v12;
	v12 =	vld [tilespmem:s15+$0xFFFFFFD0]  }
0xec: {  	s26 =	simm.s32 $0x65F8;
	[tilespmem:s18+$0xFFFFFFD8] =	vst v9;
	v10 =	vld [tilespmem:s20+$0xFFFFFFE0];
	v14 =	vmul.f32 $8.000000000e+00, v14  }
0xed: {  	s29 =	simm.s32 $0x6;
	s31 =	simm.s32 $0xAA40;
	v9 =	vld [tilespmem:s23+$0xFFFFFFF0];
	s23 =	simm.s32 $0x65F8;
	[tilespmem:s26+$0x0] =	vst v13;
	v13 =	vmul.f32 $8.000000000e+00, v15  }
.LBB2_7:
0xee: {  	v15 =	vld [tilespmem:s31+$0x0];
	[tilespmem:s21+$0x10] =	vst v14;
	v8 =	vmul.f32 $8.000000000e+00, v8;
	s1 =	smov.u32 s20;
	s20 =	smov.u32 s15;
	s15 =	smov.u32 s22  }
0xef: {  	s22 =	smov.u32 s31;
	s29 =	sadd.s32 $0x2, s29;
	v11 =	vmul.f32 $8.000000000e+00, v11;
	v14 =	vld [tilespmem:s15+$0x10];
	[tilespmem:s19+$0x20] =	vst v13  }
0xf0: {  	s14 =	simm.s32 $0x14840;
	p2 =	slt.u32 s29, $0x7E;
	v12 =	vmul.f32 $8.000000000e+00, v12;
	v13 =	vld [tilespmem:s20+$0x20];
	[tilespmem:s18+$0x30] =	vst v8  }
.Ltmp2:
0xf1: {  	[tilespmem:s26+$0xFFFFFFB8] =	vst v11;
	v10 =	vmul.f32 $8.000000000e+00, v10;
	v8 =	vld [tilespmem:s1+$0x30];
	(pc) =	sbr.rel @p2 .LBB2_7-.Ltmp2, $4  }
0xf2: {  	v11 =	vld [tilespmem:s31+$0xFFFFFFC0];
	[tilespmem:s21+$0xFFFFFFC8] =	vst v12;
	v9 =	vmul.f32 $8.000000000e+00, v9  }
0xf3: {  	v15 =	vmul.f32 $8.000000000e+00, v15;
	v12 =	vld [tilespmem:s15+$0xFFFFFFD0];
	[tilespmem:s19+$0xFFFFFFD8] =	vst v10  }
0xf4: {  	s26 =	sadd.s32 $0x90, s26;
	v14 =	vmul.f32 $8.000000000e+00, v14;
	v10 =	vld [tilespmem:s20+$0xFFFFFFE0];
	[tilespmem:s18+$0xFFFFFFE8] =	vst v9;
	s18 =	smov.u32 s19;
	s19 =	smov.u32 s21  }
0xf5: {  	s31 =	sadd.s32 $0x80, s31;
	s21 =	smov.u32 s23;
	s23 =	smov.u32 s26;
	[tilespmem:s26+$0x0] =	vst v15;
	v13 =	vmul.f32 $8.000000000e+00, v13;
	v9 =	vld [tilespmem:s1+$0xFFFFFFF0]  }
0xf6: {  	_ = 	snop  }
0xf7: {  	v11 =	vmul.f32 $8.000000000e+00, v11;
	_ =	sdelay $0x1  }
0xf8: {  	v15 =	vld [tilespmem:s22+$0x10];
	[tilespmem:s26+$0xFFFFFFB8] =	vst v11  }
0xf9: {  	v11 =	vld [tilespmem:s22+$0xFFFFFFD0];
	_ =	sdelay $0x2  }
0xfa: {  	v12 =	vmul.f32 $8.000000000e+00, v12  }
0xfb: {  	[tilespmem:s21+$0x10] =	vst v14;
	v14 =	vmul.f32 $8.000000000e+00, v15  }
0xfc: {  	[tilespmem:s21+$0xFFFFFFC8] =	vst v12;
	v15 =	vld [tilespmem:s15+$0x20];
	v11 =	vmul.f32 $8.000000000e+00, v11  }
0xfd: {  	v12 =	vld [tilespmem:s15+$0xFFFFFFE0];
	[tilespmem:s23+$0x10] =	vst v14  }
0xfe: {  	v14 =	vld [tilespmem:s22+$0x20];
	[tilespmem:s23+$0xFFFFFFC8] =	vst v11  }
0xff: {  	v11 =	vld [tilespmem:s22+$0xFFFFFFE0]  }
0x100: {  	v10 =	vmul.f32 $8.000000000e+00, v10  }
0x101: {  	[tilespmem:s19+$0x20] =	vst v13;
	v13 =	vmul.f32 $8.000000000e+00, v15  }
0x102: {  	[tilespmem:s19+$0xFFFFFFD8] =	vst v10;
	v15 =	vld [tilespmem:s20+$0x30];
	v10 =	vmul.f32 $8.000000000e+00, v12  }
0x103: {  	v12 =	vld [tilespmem:s20+$0xFFFFFFF0];
	[tilespmem:s21+$0x20] =	vst v13;
	v13 =	vmul.f32 $8.000000000e+00, v14  }
0x104: {  	[tilespmem:s21+$0xFFFFFFD8] =	vst v10;
	v14 =	vld [tilespmem:s15+$0x30];
	v10 =	vmul.f32 $8.000000000e+00, v11  }
0x105: {  	v8 =	vmul.f32 $8.000000000e+00, v8;
	[tilespmem:s23+$0x20] =	vst v13;
	v11 =	vld [tilespmem:s15+$0xFFFFFFF0]  }
0x106: {  	v9 =	vmul.f32 $8.000000000e+00, v9;
	v13 =	vld [tilespmem:s22+$0x30];
	[tilespmem:s23+$0xFFFFFFD8] =	vst v10  }
0x107: {  	s1 =	simm.s32 $0x0;
	[tilespmem:s18+$0x30] =	vst v8;
	v8 =	vmul.f32 $8.000000000e+00, v15;
	v10 =	vld [tilespmem:s22+$0xFFFFFFF0]  }
0x108: {  	[tilespmem:s18+$0xFFFFFFE8] =	vst v9;
	v9 =	vmul.f32 $8.000000000e+00, v12;
	v12 =	vmov s1  }
0x109: {  	v12 =	vand.u32 $0x3E, v12;
	[tilespmem:s19+$0x30] =	vst v8;
	v8 =	vmul.f32 $8.000000000e+00, v14  }
0x10a: {  	[tilespmem:s19+$0xFFFFFFE8] =	vst v9;
	v14 =	vadd.s32 v0, v12;
	s22 =	simm.s32 $0x1;
	v9 =	vmul.f32 $8.000000000e+00, v11  }
0x10b: {  	[tilespmem:s21+$0x30] =	vst v8;
	v8 =	vmul.f32 $8.000000000e+00, v13;
	v11 =	vmov s22  }
0x10c: {  	v11 =	vand.u32 $0x3F, v11;
	[tilespmem:s21+$0xFFFFFFE8] =	vst v9;
	v9 =	vmul.f32 $8.000000000e+00, v10  }
0x10d: {  	[tilespmem:s23+$0x30] =	vst v8;
	v8 =	vadd.s32 v0, v11  }
0x10e: {  	[tilespmem:s23+$0xFFFFFFE8] =	vst v9  }
0x10f: {  	v9 =	vld.idx.msk [tilespmem:v14+s25+$0x0], $0xffff  }
0x110: {  	v10 =	vadd.s32 v1, v12  }
0x111: {  	s23 =	simm.s32 $0x2  }
0x112: {  	v13 =	vmov s23;
	v14 =	vld.idx.msk [tilespmem:v8+s25+$0x0], $0xffff  }
0x113: {  	v8 =	vand.u32 $0x3E, v13;
	v13 =	vadd.s32 v1, v11  }
0x114: {  	s31 =	simm.s32 $0x0;
	s26 =	simm.s32 $0x80;
	[tilespmem:s14+$0xFFFFFFC0] =	vst v9;
	v9 =	vadd.s32 v0, v8  }
0x115: {  	s1 =	sand.u32 $0x380, s26;
	s15 =	sand.u32 $0x1C00, s31;
	v10 =	vld.idx.msk [tilespmem:v10+s25+$0x0], $0xffff  }
0x116: {  	v15 =	vadd.s32 v2, v12;
	s1 =	sor.u32 s1, s15  }
0x117: {  	[tilespmem:s1+$0x14800] =	vst v14  }
0x118: {  	s18 =	simm.s32 $0x3;
	v13 =	vld.idx.msk [tilespmem:v13+s25+$0x0], $0xffff  }
0x119: {  	v16 =	vadd.s32 v2, v11;
	v14 =	vld.idx.msk [tilespmem:v9+s25+$0x0], $0xffff;
	v9 =	vmov s18  }
0x11a: {  	v17 =	vadd.s32 v1, v8;
	[tilespmem:s14+$0xFFFFFFD0] =	vst v10;
	v9 =	vand.u32 $0x3F, v9  }
0x11b: {  	s19 =	simm.s32 $0x4;
	v15 =	vld.idx.msk [tilespmem:v15+s25+$0x0], $0xffff;
	v18 =	vadd.s32 v0, v9  }
0x11c: {  	v19 =	vadd.s32 v3, v12;
	v10 =	vmov s19;
	s19 =	sadd.s32 $0x14800, s1  }
0x11d: {  	s18 =	simm.s32 $0x14940;
	v10 =	vand.u32 $0x3E, v10;
	[tilespmem:s19+$0x10] =	vst v13  }
0x11e: {  	v13 =	vadd.s32 v0, v10;
	[tilespmem:s18+$0xFFFFFFC0] =	vst v14;
	v14 =	vld.idx.msk [tilespmem:v16+s25+$0x0], $0xffff  }
0x11f: {  	v16 =	vld.idx.msk [tilespmem:v17+s25+$0x0], $0xffff;
	v17 =	vadd.s32 v3, v11  }
0x120: {  	[tilespmem:s14+$0xFFFFFFE0] =	vst v15;
	v15 =	vadd.s32 v2, v8;
	v18 =	vld.idx.msk [tilespmem:v18+s25+$0x0], $0xffff  }
0x121: {  	v20 =	vadd.s32 v1, v9;
	v19 =	vld.idx.msk [tilespmem:v19+s25+$0x0], $0xffff  }
0x122: {  	s20 =	simm.s32 $0x180;
	s21 =	simm.s32 $0x100  }
0x123: {  	v21 =	vadd.s32 v4, v12;
	s15 =	sand.u32 $0x1C00, s21;
	s1 =	sand.u32 $0x380, s20;
	v13 =	vld.idx.msk [tilespmem:v13+s25+$0x0], $0xffff;
	[tilespmem:s19+$0x20] =	vst v14  }
0x124: {  	s1 =	sor.u32 s1, s15;
	[tilespmem:s18+$0xFFFFFFD0] =	vst v16;
	v16 =	vadd.s32 v1, v10;
	v17 =	vld.idx.msk [tilespmem:v17+s25+$0x0], $0xffff  }
0x125: {  	v15 =	vld.idx.msk [tilespmem:v15+s25+$0x0], $0xffff;
	[tilespmem:s1+$0x14800] =	vst v18;
	v18 =	vadd.s32 v4, v11  }
0x126: {  	[tilespmem:s14+$0xFFFFFFF0] =	vst v19;
	v19 =	vadd.s32 v3, v8;
	v20 =	vld.idx.msk [tilespmem:v20+s25+$0x0], $0xffff  }
0x127: {  	s22 =	simm.s32 $0x5;
	s20 =	simm.s32 $0x14A40;
	v22 =	vadd.s32 v2, v9  }
0x128: {  	s23 =	simm.s32 $0x6;
	v14 =	vmov s22;
	[tilespmem:s20+$0xFFFFFFC0] =	vst v13;
	v21 =	vld.idx.msk [tilespmem:v21+s25+$0x0], $0xffff  }
0x129: {  	v23 =	vadd.s32 v5, v12;
	v14 =	vand.u32 $0x3F, v14;
	v13 =	vmov s23;
	v16 =	vld.idx.msk [tilespmem:v16+s25+$0x0], $0xffff;
	[tilespmem:s19+$0x30] =	vst v17  }
0x12a: {  	s21 =	sadd.s32 $0x14800, s1;
	v24 =	vadd.s32 v0, v14;
	v13 =	vand.u32 $0x3E, v13;
	[tilespmem:s18+$0xFFFFFFE0] =	vst v15;
	v15 =	vld.idx.msk [tilespmem:v18+s25+$0x0], $0xffff  }
0x12b: {  	v17 =	vadd.s32 v0, v13;
	v18 =	vld.idx.msk [tilespmem:v19+s25+$0x0], $0xffff;
	[tilespmem:s21+$0x10] =	vst v20  }
0x12c: {  	v19 =	vadd.s32 v5, v11;
	v22 =	vld.idx.msk [tilespmem:v22+s25+$0x0], $0xffff  }
0x12d: {  	v25 =	vadd.s32 v3, v9;
	[tilespmem:s14+$0x0] =	vst v21  }
0x12e: {  	v21 =	vadd.s32 v2, v10;
	v23 =	vld.idx.msk [tilespmem:v23+s25+$0x0], $0xffff  }
0x12f: {  	[tilespmem:s20+$0xFFFFFFD0] =	vst v16;
	v16 =	vld.idx.msk [tilespmem:v24+s25+$0x0], $0xffff;
	v24 =	vadd.s32 v4, v8  }
0x130: {  	v28 =	vadd.s32 v6, v12;
	v26 =	vld.idx.msk [tilespmem:v17+s25+$0x0], $0xffff;
	[tilespmem:s19+$0x40] =	vst v15  }
0x131: {  	v27 =	vadd.s32 v1, v14;
	v20 =	vld.idx.msk [tilespmem:v19+s25+$0x0], $0xffff;
	[tilespmem:s21+$0x20] =	vst v22  }
0x132: {  	s26 =	simm.s32 $0x200;
	s15 =	simm.s32 $0x280;
	v15 =	vld.idx.msk [tilespmem:v25+s25+$0x0], $0xffff;
	v25 =	vadd.s32 v1, v13  }
0x133: {  	s31 =	sand.u32 $0x380, s15;
	s1 =	sand.u32 $0x1C00, s26;
	[tilespmem:s18+$0xFFFFFFF0] =	vst v18;
	v21 =	vld.idx.msk [tilespmem:v21+s25+$0x0], $0xffff;
	v22 =	vadd.s32 v6, v11  }
0x134: {  	s26 =	sor.u32 s31, s1;
	v18 =	vadd.s32 v3, v10;
	[tilespmem:s14+$0x10] =	vst v23;
	v17 =	vld.idx.msk [tilespmem:v24+s25+$0x0], $0xffff  }
0x135: {  	s22 =	simm.s32 $0x14B40;
	v19 =	vadd.s32 v4, v9;
	[tilespmem:s26+$0x14800] =	vst v16;
	v23 =	vld.idx.msk [tilespmem:v28+s25+$0x0], $0xffff  }
0x136: {  	s29 =	simm.s32 $0x7;
	s23 =	simm.s32 $0x8;
	[tilespmem:s22+$0xFFFFFFC0] =	vst v26;
	v16 =	vadd.s32 v5, v8;
	v24 =	vld.idx.msk [tilespmem:v27+s25+$0x0], $0xffff  }
.LBB2_9:
0x137: {  	p2 =	slt.u32 s23, $0x3E;
	v25 =	vld.idx.msk [tilespmem:v25+s25+$0x0], $0xffff;
	v26 =	vmov s29;
	v27 =	vadd.s32 v2, v14;
	[tilespmem:s19+$0x50] =	vst v20  }
0x138: {  	v20 =	vand.u32 $0x3F, v26;
	[tilespmem:s20+$0xFFFFFFE0] =	vst v21;
	v21 =	vadd.s32 v7, v12;
	v22 =	vld.idx.msk [tilespmem:v22+s25+$0x0], $0xffff;
	v12 =	vmovc v8;
	v8 =	vmov v10  }
0x139: {  	v26 =	vmov s23;
	v10 =	vmov v13;
	v28 =	vadd.s32 v0, v20;
	v18 =	vld.idx.msk [tilespmem:v18+s25+$0x0], $0xffff;
	[tilespmem:s21+$0x30] =	vst v15  }
0x13a: {  	s1 =	sadd.s32 $0x14800, s26;
	v13 =	vand.u32 $0x3E, v26;
	[tilespmem:s18+$0x0] =	vst v17;
	v15 =	vld.idx.msk [tilespmem:v19+s25+$0x0], $0xffff;
	v17 =	vadd.s32 v7, v11;
	v11 =	vmovc v9;
	v9 =	vmov v14  }
0x13b: {  	v19 =	vadd.s32 v0, v13;
	v14 =	vmov v20;
	[tilespmem:s1+$0x10] =	vst v24;
	v16 =	vld.idx.msk [tilespmem:v16+s25+$0x0], $0xffff  }
0x13c: {  	v20 =	vadd.s32 v5, v11;
	v24 =	vld.idx.msk [tilespmem:v27+s25+$0x0], $0xffff;
	[tilespmem:s14+$0x20] =	vst v23  }
0x13d: {  	v23 =	vadd.s32 v2, v10;
	[tilespmem:s22+$0xFFFFFFD0] =	vst v25;
	v26 =	vld.idx.msk [tilespmem:v21+s25+$0x0], $0xffff  }
0x13e: {  	v27 =	vld.idx.msk [tilespmem:v28+s25+$0x0], $0xffff;
	v28 =	vadd.s32 v3, v9;
	[tilespmem:s19+$0x60] =	vst v22  }
0x13f: {  	v29 =	vadd.s32 v4, v8;
	[tilespmem:s20+$0xFFFFFFF0] =	vst v18;
	v30 =	vld.idx.msk [tilespmem:v17+s25+$0x0], $0xffff  }
0x140: {  	s15 =	sadd.s32 $0x100, s15;
	v31 =	vld.idx.msk [tilespmem:v19+s25+$0x0], $0xffff;
	v19 =	vadd.s32 v1, v14;
	[tilespmem:s21+$0x40] =	vst v15  }
0x141: {  	s26 =	sadd.s32 $0xFFFFFF80, s15;
	v32 =	vadd.s32 v6, v12;
	[tilespmem:s18+$0x10] =	vst v16;
	v20 =	vld.idx.msk [tilespmem:v20+s25+$0x0], $0xffff  }
.Ltmp3:
0x142: {  	s29 =	sand.u32 $0x380, s15;
	s26 =	sand.u32 $0x1C00, s26;
	v25 =	vadd.s32 v1, v13;
	v21 =	vld.idx.msk [tilespmem:v23+s25+$0x0], $0xffff;
	[tilespmem:s1+$0x20] =	vst v24;
	(pc) =	sbr.rel @p2 .LBB2_9-.Ltmp3, $4  }
0x143: {  	s26 =	sor.u32 s29, s26;
	v22 =	vadd.s32 v6, v11;
	v15 =	vld.idx.msk [tilespmem:v28+s25+$0x0], $0xffff;
	[tilespmem:s14+$0x30] =	vst v26;
	s14 =	smov.u32 s18;
	s18 =	smov.u32 s20  }
0x144: {  	v18 =	vadd.s32 v3, v10;
	s20 =	smov.u32 s22;
	[tilespmem:s26+$0x14800] =	vst v27;
	v17 =	vld.idx.msk [tilespmem:v29+s25+$0x0], $0xffff  }
0x145: {  	s22 =	sadd.s32 $0x100, s22;
	v24 =	vld.idx.msk [tilespmem:v19+s25+$0x0], $0xffff;
	v19 =	vadd.s32 v4, v9;
	[tilespmem:s19+$0x70] =	vst v30;
	s19 =	smov.u32 s21;
	s21 =	smov.u32 s1  }
0x146: {  	s29 =	sadd.s32 $0x1, s23;
	s23 =	sadd.s32 $0x2, s23;
	v16 =	vadd.s32 v5, v8;
	[tilespmem:s22+$0xFFFFFFC0] =	vst v31;
	v23 =	vld.idx.msk [tilespmem:v32+s25+$0x0], $0xffff  }
0x147: {  	v26 =	vmov s29  }
0x148: {  	v26 =	vand.u32 $0x3F, v26  }
0x149: {  	v27 =	vadd.s32 v0, v26;
	_ =	sdelay $0x4  }
0x14a: {  	v27 =	vld.idx.msk [tilespmem:v27+s25+$0x0], $0xffff  }
0x14b: {  	s1 =	sadd.s32 $0x100, s15;
	v28 =	vadd.s32 v1, v26  }
0x14c: {  	s15 =	sadd.s32 $0xFFFFFF80, s1  }
0x14d: {  	s1 =	sand.u32 $0x380, s1;
	s15 =	sand.u32 $0x1C00, s15  }
0x14e: {  	s1 =	sor.u32 s1, s15  }
0x14f: {  	v25 =	vld.idx.msk [tilespmem:v25+s25+$0x0], $0xffff;
	v29 =	vadd.s32 v2, v14;
	[tilespmem:s1+$0x14800] =	vst v27  }
0x150: {  	v43 =	vadd.s32 v2, v13;
	v28 =	vld.idx.msk [tilespmem:v28+s25+$0x0], $0xffff  }
0x151: {  	[tilespmem:s19+$0x50] =	vst v20;
	v44 =	vadd.s32 v2, v26  }
0x152: {  	[tilespmem:s20+$0xFFFFFFE0] =	vst v21;
	s26 =	sadd.s32 $0x14800, s26  }
0x153: {  	[tilespmem:s26+$0x10] =	vst v24  }
0x154: {  	s23 =	sadd.s32 $0x14800, s1;
	v45 =	vld.idx.msk [tilespmem:v29+s25+$0x0], $0xffff;
	[tilespmem:s22+$0xFFFFFFD0] =	vst v25  }
0x155: {  	v46 =	vadd.s32 v3, v14;
	v25 =	vld.idx.msk [tilespmem:v43+s25+$0x0], $0xffff;
	[tilespmem:s23+$0x10] =	vst v28  }
0x156: {  	[tilespmem:s21+$0x30] =	vst v15;
	v15 =	vadd.s32 v3, v13;
	v20 =	vld.idx.msk [tilespmem:v44+s25+$0x0], $0xffff  }
0x157: {  	v22 =	vld.idx.msk [tilespmem:v22+s25+$0x0], $0xffff;
	[tilespmem:s18+$0x0] =	vst v17;
	v47 =	vadd.s32 v3, v26  }
0x158: {  	v18 =	vld.idx.msk [tilespmem:v18+s25+$0x0], $0xffff;
	[tilespmem:s14+$0x20] =	vst v23  }
0x159: {  	v12 =	vadd.s32 v7, v12;
	v19 =	vld.idx.msk [tilespmem:v19+s25+$0x0], $0xffff;
	[tilespmem:s26+$0x20] =	vst v45  }
0x15a: {  	v48 =	vadd.s32 v4, v10;
	v49 =	vld.idx.msk [tilespmem:v46+s25+$0x0], $0xffff;
	[tilespmem:s22+$0xFFFFFFE0] =	vst v25  }
0x15b: {  	v50 =	vadd.s32 v4, v14;
	v15 =	vld.idx.msk [tilespmem:v15+s25+$0x0], $0xffff;
	[tilespmem:s23+$0x20] =	vst v20  }
0x15c: {  	v51 =	vadd.s32 v4, v13;
	[tilespmem:s19+$0x60] =	vst v22;
	v17 =	vld.idx.msk [tilespmem:v47+s25+$0x0], $0xffff  }
0x15d: {  	v52 =	vadd.s32 v4, v26;
	v16 =	vld.idx.msk [tilespmem:v16+s25+$0x0], $0xffff;
	[tilespmem:s20+$0xFFFFFFF0] =	vst v18  }
0x15e: {  	v11 =	vadd.s32 v7, v11;
	v12 =	vld.idx.msk [tilespmem:v12+s25+$0x0], $0xffff;
	[tilespmem:s21+$0x40] =	vst v19  }
0x15f: {  	v53 =	vadd.s32 v5, v9;
	v21 =	vld.idx.msk [tilespmem:v48+s25+$0x0], $0xffff;
	[tilespmem:s26+$0x30] =	vst v49  }
0x160: {  	v54 =	vadd.s32 v5, v10;
	v23 =	vld.idx.msk [tilespmem:v50+s25+$0x0], $0xffff;
	[tilespmem:s22+$0xFFFFFFF0] =	vst v15  }
0x161: {  	v15 =	vadd.s32 v5, v14;
	v20 =	vld.idx.msk [tilespmem:v51+s25+$0x0], $0xffff;
	[tilespmem:s23+$0x30] =	vst v17  }
0x162: {  	v55 =	vadd.s32 v5, v13;
	[tilespmem:s18+$0x10] =	vst v16;
	v17 =	vld.idx.msk [tilespmem:v52+s25+$0x0], $0xffff  }
0x163: {  	v11 =	vld.idx.msk [tilespmem:v11+s25+$0x0], $0xffff;
	[tilespmem:s14+$0x30] =	vst v12;
	v12 =	vadd.s32 v5, v26  }
0x164: {  	v56 =	vadd.s32 v6, v8;
	v19 =	vld.idx.msk [tilespmem:v53+s25+$0x0], $0xffff;
	[tilespmem:s20+$0x0] =	vst v21  }
0x165: {  	v57 =	vadd.s32 v6, v9;
	v22 =	vld.idx.msk [tilespmem:v54+s25+$0x0], $0xffff;
	[tilespmem:s26+$0x40] =	vst v23  }
0x166: {  	v58 =	vadd.s32 v6, v10;
	v15 =	vld.idx.msk [tilespmem:v15+s25+$0x0], $0xffff;
	[tilespmem:s22+$0x0] =	vst v20  }
0x167: {  	v59 =	vadd.s32 v6, v14;
	v16 =	vld.idx.msk [tilespmem:v55+s25+$0x0], $0xffff;
	[tilespmem:s23+$0x40] =	vst v17  }
0x168: {  	[tilespmem:s19+$0x70] =	vst v11;
	v11 =	vadd.s32 v6, v13;
	v12 =	vld.idx.msk [tilespmem:v12+s25+$0x0], $0xffff  }
0x169: {  	v61 =	vadd.s32 v6, v26;
	v60 =	vld.idx.msk [tilespmem:v56+s25+$0x0], $0xffff;
	[tilespmem:s21+$0x50] =	vst v19  }
0x16a: {  	v8 =	vadd.s32 v7, v8;
	v19 =	vld.idx.msk [tilespmem:v57+s25+$0x0], $0xffff;
	[tilespmem:s20+$0x10] =	vst v22  }
0x16b: {  	v9 =	vadd.s32 v7, v9;
	v62 =	vld.idx.msk [tilespmem:v58+s25+$0x0], $0xffff;
	[tilespmem:s26+$0x50] =	vst v15  }
0x16c: {  	v10 =	vadd.s32 v7, v10;
	v15 =	vld.idx.msk [tilespmem:v59+s25+$0x0], $0xffff;
	[tilespmem:s22+$0x10] =	vst v16  }
0x16d: {  	v14 =	vadd.s32 v7, v14;
	v11 =	vld.idx.msk [tilespmem:v11+s25+$0x0], $0xffff;
	[tilespmem:s23+$0x50] =	vst v12  }
0x16e: {  	[tilespmem:s18+$0x20] =	vst v60;
	v12 =	vadd.s32 v7, v13;
	v13 =	vld.idx.msk [tilespmem:v61+s25+$0x0], $0xffff  }
0x16f: {  	v63 =	vadd.s32 v7, v26;
	v8 =	vld.idx.msk [tilespmem:v8+s25+$0x0], $0xffff;
	[tilespmem:s21+$0x60] =	vst v19  }
0x170: {  	v9 =	vld.idx.msk [tilespmem:v9+s25+$0x0], $0xffff;
	[tilespmem:s20+$0x20] =	vst v62  }
0x171: {  	v10 =	vld.idx.msk [tilespmem:v10+s25+$0x0], $0xffff;
	[tilespmem:s26+$0x60] =	vst v15  }
0x172: {  	v14 =	vld.idx.msk [tilespmem:v14+s25+$0x0], $0xffff;
	[tilespmem:s22+$0x20] =	vst v11  }
0x173: {  	v11 =	vld.idx.msk [tilespmem:v12+s25+$0x0], $0xffff;
	[tilespmem:s23+$0x60] =	vst v13  }
0x174: {  	[tilespmem:s18+$0x30] =	vst v8;
	v8 =	vld.idx.msk [tilespmem:v63+s25+$0x0], $0xffff  }
0x175: {  	[tilespmem:s21+$0x70] =	vst v9  }
0x176: {  	[tilespmem:s20+$0x30] =	vst v10  }
0x177: {  	[tilespmem:s26+$0x70] =	vst v14  }
0x178: {  	s15 =	simm.s32 @!p0 $0xA800;
	s1 =	sadd.s32 @!p0 $0x300, s6;
	[tilespmem:s22+$0x30] =	vst v11  }
0x179: {  	s14 =	simm.s32 @!p0 $0x80;
	s1 =	sand.u32 @!p0 $0x1FF80, s1;
	s21 =	sadd.s32 s7, s11;
	[tilespmem:s23+$0x70] =	vst v8  }
0x17a: {  	[tilespmem:s15], [sflag:$0x2] =	stream.indirect.gather @!p0 [hbm4b:s5+s14], $0x40, s1, s14, $0xb8;
	[tilespmem:$0x1C800] =	vst v63  }
0x17b: {  	s1 =	sshrl.u32 s21, $0x3  }
0x17c: {  	s22 =	simm.s32 $0x14800;
	s1 =	sadd.s32 s2, s1  }
0x17d: {  	[hbm4b:s1+s12] =	stream.strided.scatter [tilespmem:s22], [sflag:$0x7], $0x2000, s13, s12, $0x38;
	[tilespmem:$0x1C800] =	vst v63  }
0x17e: {  	s1 =	simm.s32 @!p1 $0x8  }
0x17f: {  	_ =	swait.ge @!p1 [sflag:s1], $0x2000  }
0x180: {  	[sflag:s1] =	ssyncset.done @!p1 $0x0  }
0x181: {  	[sflag:s1] =	ssyncadd.s32 @!p1 $0xFFFFE000  }
0x182: {  	_ =	swait.ge [sflag:s30], $0x2000  }
0x183: {  	[sflag:s30] =	ssyncset.done $0x0  }
0x184: {  	s23 =	simm.s32 $0xC840;
	[sflag:s30] =	ssyncadd.s32 $0xFFFFE000  }
0x185: {  	v8 =	vld [tilespmem:s23+$0x0];
	_ =	sdelay $0x3  }
0x186: {  	v9 =	vld [tilespmem:s23+$0xFFFFFFC0]  }
0x187: {  	v8 =	vmul.f32 $8.000000000e+00, v8  }
0x188: {  	s18 =	simm.s32 $0x6448;
	s20 =	simm.s32 $0xC8C0  }
0x189: {  	[tilespmem:s18+$0x0] =	vst v8;
	v8 =	vld [tilespmem:s20+$0x0]  }
0x18a: {  	v10 =	vld [tilespmem:s23+$0x10]  }
0x18b: {  	v9 =	vmul.f32 $8.000000000e+00, v9;
	_ =	sdelay $0x1  }
0x18c: {  	[tilespmem:s18+$0xFFFFFFB8] =	vst v9;
	v9 =	vld [tilespmem:s20+$0xFFFFFFC0]  }
0x18d: {  	v11 =	vld [tilespmem:s23+$0xFFFFFFD0];
	v8 =	vmul.f32 $8.000000000e+00, v8  }
0x18e: {  	s19 =	simm.s32 $0x64D8;
	s15 =	simm.s32 $0xC940;
	v10 =	vmul.f32 $8.000000000e+00, v10  }
0x18f: {  	[tilespmem:s19+$0x0] =	vst v8;
	v8 =	vld [tilespmem:s15+$0x0]  }
0x190: {  	[tilespmem:s18+$0x10] =	vst v10;
	v10 =	vld [tilespmem:s20+$0x10]  }
0x191: {  	v9 =	vmul.f32 $8.000000000e+00, v9;
	v12 =	vld [tilespmem:s23+$0x20]  }
0x192: {  	v11 =	vmul.f32 $8.000000000e+00, v11  }
0x193: {  	[tilespmem:s19+$0xFFFFFFB8] =	vst v9;
	v9 =	vld [tilespmem:s15+$0xFFFFFFC0]  }
0x194: {  	[tilespmem:s18+$0xFFFFFFC8] =	vst v11;
	v11 =	vld [tilespmem:s20+$0xFFFFFFD0];
	v8 =	vmul.f32 $8.000000000e+00, v8  }
0x195: {  	s21 =	simm.s32 $0x6568;
	s22 =	simm.s32 $0xC9C0;
	v13 =	vld [tilespmem:s23+$0xFFFFFFE0];
	v10 =	vmul.f32 $8.000000000e+00, v10  }
0x196: {  	[tilespmem:s21+$0x0] =	vst v8;
	v8 =	vmul.f32 $8.000000000e+00, v12;
	v12 =	vld [tilespmem:s22+$0x0]  }
0x197: {  	[tilespmem:s19+$0x10] =	vst v10;
	v14 =	vld [tilespmem:s15+$0x10]  }
0x198: {  	v9 =	vmul.f32 $8.000000000e+00, v9;
	[tilespmem:s18+$0x20] =	vst v8;
	v15 =	vld [tilespmem:s20+$0x20]  }
0x199: {  	v10 =	vmul.f32 $8.000000000e+00, v11;
	v8 =	vld [tilespmem:s23+$0x30]  }
0x19a: {  	[tilespmem:s21+$0xFFFFFFB8] =	vst v9;
	v9 =	vmul.f32 $8.000000000e+00, v13;
	v11 =	vld [tilespmem:s22+$0xFFFFFFC0]  }
0x19b: {  	[tilespmem:s19+$0xFFFFFFC8] =	vst v10;
	v13 =	vmul.f32 $8.000000000e+00, v12;
	v12 =	vld [tilespmem:s15+$0xFFFFFFD0]  }
0x19c: {  	s26 =	simm.s32 $0x65F8;
	[tilespmem:s18+$0xFFFFFFD8] =	vst v9;
	v10 =	vld [tilespmem:s20+$0xFFFFFFE0];
	v14 =	vmul.f32 $8.000000000e+00, v14  }
0x19d: {  	s29 =	simm.s32 $0x6;
	s31 =	simm.s32 $0xCA40;
	v9 =	vld [tilespmem:s23+$0xFFFFFFF0];
	s23 =	simm.s32 $0x65F8;
	[tilespmem:s26+$0x0] =	vst v13;
	v13 =	vmul.f32 $8.000000000e+00, v15  }
.LBB2_11:
0x19e: {  	v15 =	vld [tilespmem:s31+$0x0];
	[tilespmem:s21+$0x10] =	vst v14;
	v8 =	vmul.f32 $8.000000000e+00, v8;
	s1 =	smov.u32 s20;
	s20 =	smov.u32 s15;
	s15 =	smov.u32 s22  }
0x19f: {  	s22 =	smov.u32 s31;
	s29 =	sadd.s32 $0x2, s29;
	v11 =	vmul.f32 $8.000000000e+00, v11;
	v14 =	vld [tilespmem:s15+$0x10];
	[tilespmem:s19+$0x20] =	vst v13  }
0x1a0: {  	s14 =	simm.s32 $0x16840;
	p2 =	slt.u32 s29, $0x7E;
	v12 =	vmul.f32 $8.000000000e+00, v12;
	v13 =	vld [tilespmem:s20+$0x20];
	[tilespmem:s18+$0x30] =	vst v8  }
.Ltmp4:
0x1a1: {  	[tilespmem:s26+$0xFFFFFFB8] =	vst v11;
	v10 =	vmul.f32 $8.000000000e+00, v10;
	v8 =	vld [tilespmem:s1+$0x30];
	(pc) =	sbr.rel @p2 .LBB2_11-.Ltmp4, $4  }
0x1a2: {  	v11 =	vld [tilespmem:s31+$0xFFFFFFC0];
	[tilespmem:s21+$0xFFFFFFC8] =	vst v12;
	v9 =	vmul.f32 $8.000000000e+00, v9  }
0x1a3: {  	v15 =	vmul.f32 $8.000000000e+00, v15;
	v12 =	vld [tilespmem:s15+$0xFFFFFFD0];
	[tilespmem:s19+$0xFFFFFFD8] =	vst v10  }
0x1a4: {  	s26 =	sadd.s32 $0x90, s26;
	v14 =	vmul.f32 $8.000000000e+00, v14;
	v10 =	vld [tilespmem:s20+$0xFFFFFFE0];
	[tilespmem:s18+$0xFFFFFFE8] =	vst v9;
	s18 =	smov.u32 s19;
	s19 =	smov.u32 s21  }
0x1a5: {  	s31 =	sadd.s32 $0x80, s31;
	s21 =	smov.u32 s23;
	s23 =	smov.u32 s26;
	[tilespmem:s26+$0x0] =	vst v15;
	v13 =	vmul.f32 $8.000000000e+00, v13;
	v9 =	vld [tilespmem:s1+$0xFFFFFFF0]  }
0x1a6: {  	_ = 	snop  }
0x1a7: {  	v11 =	vmul.f32 $8.000000000e+00, v11;
	_ =	sdelay $0x1  }
0x1a8: {  	v15 =	vld [tilespmem:s22+$0x10];
	[tilespmem:s26+$0xFFFFFFB8] =	vst v11  }
0x1a9: {  	v11 =	vld [tilespmem:s22+$0xFFFFFFD0];
	_ =	sdelay $0x2  }
0x1aa: {  	v12 =	vmul.f32 $8.000000000e+00, v12  }
0x1ab: {  	[tilespmem:s21+$0x10] =	vst v14;
	v14 =	vmul.f32 $8.000000000e+00, v15  }
0x1ac: {  	[tilespmem:s21+$0xFFFFFFC8] =	vst v12;
	v15 =	vld [tilespmem:s15+$0x20];
	v11 =	vmul.f32 $8.000000000e+00, v11  }
0x1ad: {  	v12 =	vld [tilespmem:s15+$0xFFFFFFE0];
	[tilespmem:s23+$0x10] =	vst v14  }
0x1ae: {  	v14 =	vld [tilespmem:s22+$0x20];
	[tilespmem:s23+$0xFFFFFFC8] =	vst v11  }
0x1af: {  	v11 =	vld [tilespmem:s22+$0xFFFFFFE0]  }
0x1b0: {  	v10 =	vmul.f32 $8.000000000e+00, v10  }
0x1b1: {  	[tilespmem:s19+$0x20] =	vst v13;
	v13 =	vmul.f32 $8.000000000e+00, v15  }
0x1b2: {  	[tilespmem:s19+$0xFFFFFFD8] =	vst v10;
	v15 =	vld [tilespmem:s20+$0x30];
	v10 =	vmul.f32 $8.000000000e+00, v12  }
0x1b3: {  	v12 =	vld [tilespmem:s20+$0xFFFFFFF0];
	[tilespmem:s21+$0x20] =	vst v13;
	v13 =	vmul.f32 $8.000000000e+00, v14  }
0x1b4: {  	[tilespmem:s21+$0xFFFFFFD8] =	vst v10;
	v14 =	vld [tilespmem:s15+$0x30];
	v10 =	vmul.f32 $8.000000000e+00, v11  }
0x1b5: {  	v8 =	vmul.f32 $8.000000000e+00, v8;
	[tilespmem:s23+$0x20] =	vst v13;
	v11 =	vld [tilespmem:s15+$0xFFFFFFF0]  }
0x1b6: {  	v9 =	vmul.f32 $8.000000000e+00, v9;
	v13 =	vld [tilespmem:s22+$0x30];
	[tilespmem:s23+$0xFFFFFFD8] =	vst v10  }
0x1b7: {  	s1 =	simm.s32 $0x0;
	[tilespmem:s18+$0x30] =	vst v8;
	v8 =	vmul.f32 $8.000000000e+00, v15;
	v10 =	vld [tilespmem:s22+$0xFFFFFFF0]  }
0x1b8: {  	[tilespmem:s18+$0xFFFFFFE8] =	vst v9;
	v9 =	vmul.f32 $8.000000000e+00, v12;
	v12 =	vmov s1  }
0x1b9: {  	v12 =	vand.u32 $0x3E, v12;
	[tilespmem:s19+$0x30] =	vst v8;
	v8 =	vmul.f32 $8.000000000e+00, v14  }
0x1ba: {  	[tilespmem:s19+$0xFFFFFFE8] =	vst v9;
	v14 =	vadd.s32 v0, v12;
	s22 =	simm.s32 $0x1;
	v9 =	vmul.f32 $8.000000000e+00, v11  }
0x1bb: {  	[tilespmem:s21+$0x30] =	vst v8;
	v8 =	vmul.f32 $8.000000000e+00, v13;
	v11 =	vmov s22  }
0x1bc: {  	v11 =	vand.u32 $0x3F, v11;
	[tilespmem:s21+$0xFFFFFFE8] =	vst v9;
	v9 =	vmul.f32 $8.000000000e+00, v10  }
0x1bd: {  	[tilespmem:s23+$0x30] =	vst v8;
	v8 =	vadd.s32 v0, v11  }
0x1be: {  	[tilespmem:s23+$0xFFFFFFE8] =	vst v9  }
0x1bf: {  	v9 =	vld.idx.msk [tilespmem:v14+s25+$0x0], $0xffff  }
0x1c0: {  	v10 =	vadd.s32 v1, v12  }
0x1c1: {  	s23 =	simm.s32 $0x2  }
0x1c2: {  	v13 =	vmov s23;
	v14 =	vld.idx.msk [tilespmem:v8+s25+$0x0], $0xffff  }
0x1c3: {  	v8 =	vand.u32 $0x3E, v13;
	v13 =	vadd.s32 v1, v11  }
0x1c4: {  	s31 =	simm.s32 $0x0;
	s26 =	simm.s32 $0x80;
	[tilespmem:s14+$0xFFFFFFC0] =	vst v9;
	v9 =	vadd.s32 v0, v8  }
0x1c5: {  	s1 =	sand.u32 $0x380, s26;
	s15 =	sand.u32 $0x1C00, s31;
	v10 =	vld.idx.msk [tilespmem:v10+s25+$0x0], $0xffff  }
0x1c6: {  	v15 =	vadd.s32 v2, v12;
	s1 =	sor.u32 s1, s15  }
0x1c7: {  	[tilespmem:s1+$0x16800] =	vst v14  }
0x1c8: {  	s18 =	simm.s32 $0x3;
	v13 =	vld.idx.msk [tilespmem:v13+s25+$0x0], $0xffff  }
0x1c9: {  	v16 =	vadd.s32 v2, v11;
	v14 =	vld.idx.msk [tilespmem:v9+s25+$0x0], $0xffff;
	v9 =	vmov s18  }
0x1ca: {  	v17 =	vadd.s32 v1, v8;
	[tilespmem:s14+$0xFFFFFFD0] =	vst v10;
	v9 =	vand.u32 $0x3F, v9  }
0x1cb: {  	s19 =	simm.s32 $0x4;
	v15 =	vld.idx.msk [tilespmem:v15+s25+$0x0], $0xffff;
	v18 =	vadd.s32 v0, v9  }
0x1cc: {  	v19 =	vadd.s32 v3, v12;
	v10 =	vmov s19;
	s19 =	sadd.s32 $0x16800, s1  }
0x1cd: {  	s18 =	simm.s32 $0x16940;
	v10 =	vand.u32 $0x3E, v10;
	[tilespmem:s19+$0x10] =	vst v13  }
0x1ce: {  	v13 =	vadd.s32 v0, v10;
	[tilespmem:s18+$0xFFFFFFC0] =	vst v14;
	v14 =	vld.idx.msk [tilespmem:v16+s25+$0x0], $0xffff  }
0x1cf: {  	v16 =	vld.idx.msk [tilespmem:v17+s25+$0x0], $0xffff;
	v17 =	vadd.s32 v3, v11  }
0x1d0: {  	[tilespmem:s14+$0xFFFFFFE0] =	vst v15;
	v15 =	vadd.s32 v2, v8;
	v18 =	vld.idx.msk [tilespmem:v18+s25+$0x0], $0xffff  }
0x1d1: {  	v20 =	vadd.s32 v1, v9;
	v19 =	vld.idx.msk [tilespmem:v19+s25+$0x0], $0xffff  }
0x1d2: {  	s20 =	simm.s32 $0x180;
	s21 =	simm.s32 $0x100  }
0x1d3: {  	v21 =	vadd.s32 v4, v12;
	s15 =	sand.u32 $0x1C00, s21;
	s1 =	sand.u32 $0x380, s20;
	v13 =	vld.idx.msk [tilespmem:v13+s25+$0x0], $0xffff;
	[tilespmem:s19+$0x20] =	vst v14  }
0x1d4: {  	s1 =	sor.u32 s1, s15;
	[tilespmem:s18+$0xFFFFFFD0] =	vst v16;
	v16 =	vadd.s32 v1, v10;
	v17 =	vld.idx.msk [tilespmem:v17+s25+$0x0], $0xffff  }
0x1d5: {  	v15 =	vld.idx.msk [tilespmem:v15+s25+$0x0], $0xffff;
	[tilespmem:s1+$0x16800] =	vst v18;
	v18 =	vadd.s32 v4, v11  }
0x1d6: {  	[tilespmem:s14+$0xFFFFFFF0] =	vst v19;
	v19 =	vadd.s32 v3, v8;
	v20 =	vld.idx.msk [tilespmem:v20+s25+$0x0], $0xffff  }
0x1d7: {  	s22 =	simm.s32 $0x5;
	s20 =	simm.s32 $0x16A40;
	v22 =	vadd.s32 v2, v9  }
0x1d8: {  	s23 =	simm.s32 $0x6;
	v14 =	vmov s22;
	[tilespmem:s20+$0xFFFFFFC0] =	vst v13;
	v21 =	vld.idx.msk [tilespmem:v21+s25+$0x0], $0xffff  }
0x1d9: {  	v23 =	vadd.s32 v5, v12;
	v14 =	vand.u32 $0x3F, v14;
	v13 =	vmov s23;
	v16 =	vld.idx.msk [tilespmem:v16+s25+$0x0], $0xffff;
	[tilespmem:s19+$0x30] =	vst v17  }
0x1da: {  	s21 =	sadd.s32 $0x16800, s1;
	v24 =	vadd.s32 v0, v14;
	v13 =	vand.u32 $0x3E, v13;
	[tilespmem:s18+$0xFFFFFFE0] =	vst v15;
	v15 =	vld.idx.msk [tilespmem:v18+s25+$0x0], $0xffff  }
0x1db: {  	v17 =	vadd.s32 v0, v13;
	v18 =	vld.idx.msk [tilespmem:v19+s25+$0x0], $0xffff;
	[tilespmem:s21+$0x10] =	vst v20  }
0x1dc: {  	v19 =	vadd.s32 v5, v11;
	v22 =	vld.idx.msk [tilespmem:v22+s25+$0x0], $0xffff  }
0x1dd: {  	v25 =	vadd.s32 v3, v9;
	[tilespmem:s14+$0x0] =	vst v21  }
0x1de: {  	v21 =	vadd.s32 v2, v10;
	v23 =	vld.idx.msk [tilespmem:v23+s25+$0x0], $0xffff  }
0x1df: {  	[tilespmem:s20+$0xFFFFFFD0] =	vst v16;
	v16 =	vld.idx.msk [tilespmem:v24+s25+$0x0], $0xffff;
	v24 =	vadd.s32 v4, v8  }
0x1e0: {  	v28 =	vadd.s32 v6, v12;
	v26 =	vld.idx.msk [tilespmem:v17+s25+$0x0], $0xffff;
	[tilespmem:s19+$0x40] =	vst v15  }
0x1e1: {  	v27 =	vadd.s32 v1, v14;
	v20 =	vld.idx.msk [tilespmem:v19+s25+$0x0], $0xffff;
	[tilespmem:s21+$0x20] =	vst v22  }
0x1e2: {  	s26 =	simm.s32 $0x200;
	s15 =	simm.s32 $0x280;
	v15 =	vld.idx.msk [tilespmem:v25+s25+$0x0], $0xffff;
	v25 =	vadd.s32 v1, v13  }
0x1e3: {  	s31 =	sand.u32 $0x380, s15;
	s1 =	sand.u32 $0x1C00, s26;
	[tilespmem:s18+$0xFFFFFFF0] =	vst v18;
	v21 =	vld.idx.msk [tilespmem:v21+s25+$0x0], $0xffff;
	v22 =	vadd.s32 v6, v11  }
0x1e4: {  	s26 =	sor.u32 s31, s1;
	v18 =	vadd.s32 v3, v10;
	[tilespmem:s14+$0x10] =	vst v23;
	v17 =	vld.idx.msk [tilespmem:v24+s25+$0x0], $0xffff  }
0x1e5: {  	s22 =	simm.s32 $0x16B40;
	v19 =	vadd.s32 v4, v9;
	[tilespmem:s26+$0x16800] =	vst v16;
	v23 =	vld.idx.msk [tilespmem:v28+s25+$0x0], $0xffff  }
0x1e6: {  	s29 =	simm.s32 $0x7;
	s23 =	simm.s32 $0x8;
	[tilespmem:s22+$0xFFFFFFC0] =	vst v26;
	v16 =	vadd.s32 v5, v8;
	v24 =	vld.idx.msk [tilespmem:v27+s25+$0x0], $0xffff  }
.LBB2_13:
0x1e7: {  	p2 =	slt.u32 s23, $0x3E;
	v25 =	vld.idx.msk [tilespmem:v25+s25+$0x0], $0xffff;
	v26 =	vmov s29;
	v27 =	vadd.s32 v2, v14;
	[tilespmem:s19+$0x50] =	vst v20  }
0x1e8: {  	v20 =	vand.u32 $0x3F, v26;
	[tilespmem:s20+$0xFFFFFFE0] =	vst v21;
	v21 =	vadd.s32 v7, v12;
	v22 =	vld.idx.msk [tilespmem:v22+s25+$0x0], $0xffff;
	v12 =	vmovc v8;
	v8 =	vmov v10  }
0x1e9: {  	v26 =	vmov s23;
	v10 =	vmov v13;
	v28 =	vadd.s32 v0, v20;
	v18 =	vld.idx.msk [tilespmem:v18+s25+$0x0], $0xffff;
	[tilespmem:s21+$0x30] =	vst v15  }
0x1ea: {  	s1 =	sadd.s32 $0x16800, s26;
	v13 =	vand.u32 $0x3E, v26;
	[tilespmem:s18+$0x0] =	vst v17;
	v15 =	vld.idx.msk [tilespmem:v19+s25+$0x0], $0xffff;
	v17 =	vadd.s32 v7, v11;
	v11 =	vmovc v9;
	v9 =	vmov v14  }
0x1eb: {  	v19 =	vadd.s32 v0, v13;
	v14 =	vmov v20;
	[tilespmem:s1+$0x10] =	vst v24;
	v16 =	vld.idx.msk [tilespmem:v16+s25+$0x0], $0xffff  }
0x1ec: {  	v20 =	vadd.s32 v5, v11;
	v24 =	vld.idx.msk [tilespmem:v27+s25+$0x0], $0xffff;
	[tilespmem:s14+$0x20] =	vst v23  }
0x1ed: {  	v23 =	vadd.s32 v2, v10;
	[tilespmem:s22+$0xFFFFFFD0] =	vst v25;
	v26 =	vld.idx.msk [tilespmem:v21+s25+$0x0], $0xffff  }
0x1ee: {  	v27 =	vld.idx.msk [tilespmem:v28+s25+$0x0], $0xffff;
	v28 =	vadd.s32 v3, v9;
	[tilespmem:s19+$0x60] =	vst v22  }
0x1ef: {  	v29 =	vadd.s32 v4, v8;
	[tilespmem:s20+$0xFFFFFFF0] =	vst v18;
	v30 =	vld.idx.msk [tilespmem:v17+s25+$0x0], $0xffff  }
0x1f0: {  	s15 =	sadd.s32 $0x100, s15;
	v31 =	vld.idx.msk [tilespmem:v19+s25+$0x0], $0xffff;
	v19 =	vadd.s32 v1, v14;
	[tilespmem:s21+$0x40] =	vst v15  }
0x1f1: {  	s26 =	sadd.s32 $0xFFFFFF80, s15;
	v32 =	vadd.s32 v6, v12;
	[tilespmem:s18+$0x10] =	vst v16;
	v20 =	vld.idx.msk [tilespmem:v20+s25+$0x0], $0xffff  }
.Ltmp5:
0x1f2: {  	s29 =	sand.u32 $0x380, s15;
	s26 =	sand.u32 $0x1C00, s26;
	v25 =	vadd.s32 v1, v13;
	v21 =	vld.idx.msk [tilespmem:v23+s25+$0x0], $0xffff;
	[tilespmem:s1+$0x20] =	vst v24;
	(pc) =	sbr.rel @p2 .LBB2_13-.Ltmp5, $4  }
0x1f3: {  	s26 =	sor.u32 s29, s26;
	v22 =	vadd.s32 v6, v11;
	v15 =	vld.idx.msk [tilespmem:v28+s25+$0x0], $0xffff;
	[tilespmem:s14+$0x30] =	vst v26;
	s14 =	smov.u32 s18;
	s18 =	smov.u32 s20  }
0x1f4: {  	v18 =	vadd.s32 v3, v10;
	s20 =	smov.u32 s22;
	[tilespmem:s26+$0x16800] =	vst v27;
	v17 =	vld.idx.msk [tilespmem:v29+s25+$0x0], $0xffff  }
0x1f5: {  	s22 =	sadd.s32 $0x100, s22;
	v24 =	vld.idx.msk [tilespmem:v19+s25+$0x0], $0xffff;
	v19 =	vadd.s32 v4, v9;
	[tilespmem:s19+$0x70] =	vst v30;
	s19 =	smov.u32 s21;
	s21 =	smov.u32 s1  }
0x1f6: {  	s29 =	sadd.s32 $0x1, s23;
	s23 =	sadd.s32 $0x2, s23;
	v16 =	vadd.s32 v5, v8;
	[tilespmem:s22+$0xFFFFFFC0] =	vst v31;
	v23 =	vld.idx.msk [tilespmem:v32+s25+$0x0], $0xffff  }
0x1f7: {  	v26 =	vmov s29  }
0x1f8: {  	v26 =	vand.u32 $0x3F, v26  }
0x1f9: {  	v27 =	vadd.s32 v0, v26;
	_ =	sdelay $0x4  }
0x1fa: {  	v27 =	vld.idx.msk [tilespmem:v27+s25+$0x0], $0xffff  }
0x1fb: {  	s1 =	sadd.s32 $0x100, s15;
	v28 =	vadd.s32 v1, v26  }
0x1fc: {  	s15 =	sadd.s32 $0xFFFFFF80, s1  }
0x1fd: {  	s1 =	sand.u32 $0x380, s1;
	s15 =	sand.u32 $0x1C00, s15  }
0x1fe: {  	s1 =	sor.u32 s1, s15  }
0x1ff: {  	v25 =	vld.idx.msk [tilespmem:v25+s25+$0x0], $0xffff;
	v29 =	vadd.s32 v2, v14;
	[tilespmem:s1+$0x16800] =	vst v27  }
0x200: {  	v43 =	vadd.s32 v2, v13;
	v28 =	vld.idx.msk [tilespmem:v28+s25+$0x0], $0xffff  }
0x201: {  	[tilespmem:s19+$0x50] =	vst v20;
	v44 =	vadd.s32 v2, v26  }
0x202: {  	[tilespmem:s20+$0xFFFFFFE0] =	vst v21;
	s26 =	sadd.s32 $0x16800, s26  }
0x203: {  	[tilespmem:s26+$0x10] =	vst v24  }
0x204: {  	s23 =	sadd.s32 $0x16800, s1;
	v45 =	vld.idx.msk [tilespmem:v29+s25+$0x0], $0xffff;
	[tilespmem:s22+$0xFFFFFFD0] =	vst v25  }
0x205: {  	v46 =	vadd.s32 v3, v14;
	v25 =	vld.idx.msk [tilespmem:v43+s25+$0x0], $0xffff;
	[tilespmem:s23+$0x10] =	vst v28  }
0x206: {  	[tilespmem:s21+$0x30] =	vst v15;
	v15 =	vadd.s32 v3, v13;
	v20 =	vld.idx.msk [tilespmem:v44+s25+$0x0], $0xffff  }
0x207: {  	v22 =	vld.idx.msk [tilespmem:v22+s25+$0x0], $0xffff;
	[tilespmem:s18+$0x0] =	vst v17;
	v47 =	vadd.s32 v3, v26  }
0x208: {  	v18 =	vld.idx.msk [tilespmem:v18+s25+$0x0], $0xffff;
	[tilespmem:s14+$0x20] =	vst v23  }
0x209: {  	v12 =	vadd.s32 v7, v12;
	v19 =	vld.idx.msk [tilespmem:v19+s25+$0x0], $0xffff;
	[tilespmem:s26+$0x20] =	vst v45  }
0x20a: {  	v48 =	vadd.s32 v4, v10;
	v49 =	vld.idx.msk [tilespmem:v46+s25+$0x0], $0xffff;
	[tilespmem:s22+$0xFFFFFFE0] =	vst v25  }
0x20b: {  	v50 =	vadd.s32 v4, v14;
	v15 =	vld.idx.msk [tilespmem:v15+s25+$0x0], $0xffff;
	[tilespmem:s23+$0x20] =	vst v20  }
0x20c: {  	v51 =	vadd.s32 v4, v13;
	[tilespmem:s19+$0x60] =	vst v22;
	v17 =	vld.idx.msk [tilespmem:v47+s25+$0x0], $0xffff  }
0x20d: {  	v52 =	vadd.s32 v4, v26;
	v16 =	vld.idx.msk [tilespmem:v16+s25+$0x0], $0xffff;
	[tilespmem:s20+$0xFFFFFFF0] =	vst v18  }
0x20e: {  	v11 =	vadd.s32 v7, v11;
	v12 =	vld.idx.msk [tilespmem:v12+s25+$0x0], $0xffff;
	[tilespmem:s21+$0x40] =	vst v19  }
0x20f: {  	v53 =	vadd.s32 v5, v9;
	v21 =	vld.idx.msk [tilespmem:v48+s25+$0x0], $0xffff;
	[tilespmem:s26+$0x30] =	vst v49  }
0x210: {  	v54 =	vadd.s32 v5, v10;
	v23 =	vld.idx.msk [tilespmem:v50+s25+$0x0], $0xffff;
	[tilespmem:s22+$0xFFFFFFF0] =	vst v15  }
0x211: {  	v15 =	vadd.s32 v5, v14;
	v20 =	vld.idx.msk [tilespmem:v51+s25+$0x0], $0xffff;
	[tilespmem:s23+$0x30] =	vst v17  }
0x212: {  	v55 =	vadd.s32 v5, v13;
	[tilespmem:s18+$0x10] =	vst v16;
	v17 =	vld.idx.msk [tilespmem:v52+s25+$0x0], $0xffff  }
0x213: {  	v11 =	vld.idx.msk [tilespmem:v11+s25+$0x0], $0xffff;
	[tilespmem:s14+$0x30] =	vst v12;
	v12 =	vadd.s32 v5, v26  }
0x214: {  	v56 =	vadd.s32 v6, v8;
	v19 =	vld.idx.msk [tilespmem:v53+s25+$0x0], $0xffff;
	[tilespmem:s20+$0x0] =	vst v21  }
0x215: {  	v57 =	vadd.s32 v6, v9;
	v22 =	vld.idx.msk [tilespmem:v54+s25+$0x0], $0xffff;
	[tilespmem:s26+$0x40] =	vst v23  }
0x216: {  	v58 =	vadd.s32 v6, v10;
	v15 =	vld.idx.msk [tilespmem:v15+s25+$0x0], $0xffff;
	[tilespmem:s22+$0x0] =	vst v20  }
0x217: {  	v59 =	vadd.s32 v6, v14;
	v16 =	vld.idx.msk [tilespmem:v55+s25+$0x0], $0xffff;
	[tilespmem:s23+$0x40] =	vst v17  }
0x218: {  	[tilespmem:s19+$0x70] =	vst v11;
	v11 =	vadd.s32 v6, v13;
	v12 =	vld.idx.msk [tilespmem:v12+s25+$0x0], $0xffff  }
0x219: {  	v61 =	vadd.s32 v6, v26;
	v60 =	vld.idx.msk [tilespmem:v56+s25+$0x0], $0xffff;
	[tilespmem:s21+$0x50] =	vst v19  }
0x21a: {  	v8 =	vadd.s32 v7, v8;
	v19 =	vld.idx.msk [tilespmem:v57+s25+$0x0], $0xffff;
	[tilespmem:s20+$0x10] =	vst v22  }
0x21b: {  	v9 =	vadd.s32 v7, v9;
	v62 =	vld.idx.msk [tilespmem:v58+s25+$0x0], $0xffff;
	[tilespmem:s26+$0x50] =	vst v15  }
0x21c: {  	v10 =	vadd.s32 v7, v10;
	v15 =	vld.idx.msk [tilespmem:v59+s25+$0x0], $0xffff;
	[tilespmem:s22+$0x10] =	vst v16  }
0x21d: {  	v14 =	vadd.s32 v7, v14;
	v11 =	vld.idx.msk [tilespmem:v11+s25+$0x0], $0xffff;
	[tilespmem:s23+$0x50] =	vst v12  }
0x21e: {  	[tilespmem:s18+$0x20] =	vst v60;
	v12 =	vadd.s32 v7, v13;
	v13 =	vld.idx.msk [tilespmem:v61+s25+$0x0], $0xffff  }
0x21f: {  	v63 =	vadd.s32 v7, v26;
	v8 =	vld.idx.msk [tilespmem:v8+s25+$0x0], $0xffff;
	[tilespmem:s21+$0x60] =	vst v19  }
0x220: {  	v9 =	vld.idx.msk [tilespmem:v9+s25+$0x0], $0xffff;
	[tilespmem:s20+$0x20] =	vst v62  }
0x221: {  	v10 =	vld.idx.msk [tilespmem:v10+s25+$0x0], $0xffff;
	[tilespmem:s26+$0x60] =	vst v15  }
0x222: {  	v14 =	vld.idx.msk [tilespmem:v14+s25+$0x0], $0xffff;
	[tilespmem:s22+$0x20] =	vst v11  }
0x223: {  	v11 =	vld.idx.msk [tilespmem:v12+s25+$0x0], $0xffff;
	[tilespmem:s23+$0x60] =	vst v13  }
0x224: {  	[tilespmem:s18+$0x30] =	vst v8;
	v8 =	vld.idx.msk [tilespmem:v63+s25+$0x0], $0xffff  }
0x225: {  	[tilespmem:s21+$0x70] =	vst v9  }
0x226: {  	[tilespmem:s20+$0x30] =	vst v10  }
0x227: {  	[tilespmem:s26+$0x70] =	vst v14  }
0x228: {  	s15 =	simm.s32 @!p0 $0xC800;
	s1 =	sadd.s32 @!p0 $0x380, s6;
	[tilespmem:s22+$0x30] =	vst v11  }
0x229: {  	s14 =	simm.s32 @!p0 $0x80;
	s1 =	sand.u32 @!p0 $0x1FF80, s1;
	s21 =	sadd.s32 s8, s11;
	[tilespmem:s23+$0x70] =	vst v8  }
0x22a: {  	[tilespmem:s15], [sflag:$0x3] =	stream.indirect.gather @!p0 [hbm4b:s5+s14], $0x40, s1, s14, $0xb8;
	[tilespmem:$0x1C800] =	vst v63  }
0x22b: {  	s1 =	sshrl.u32 s21, $0x3  }
0x22c: {  	s22 =	simm.s32 $0x16800;
	s1 =	sadd.s32 s2, s1  }
0x22d: {  	[hbm4b:s1+s12] =	stream.strided.scatter [tilespmem:s22], [sflag:$0x8], $0x2000, s13, s12, $0x38;
	[tilespmem:$0x1C800] =	vst v63  }
0x22e: {  	s1 =	simm.s32 @!p1 $0x9  }
0x22f: {  	_ =	swait.ge @!p1 [sflag:s1], $0x2000  }
0x230: {  	[sflag:s1] =	ssyncset.done @!p1 $0x0  }
0x231: {  	[sflag:s1] =	ssyncadd.s32 @!p1 $0xFFFFE000  }
0x232: {  	_ =	swait.ge [sflag:s0], $0x2000  }
0x233: {  	[sflag:s0] =	ssyncset.done $0x0  }
0x234: {  	s23 =	simm.s32 $0xE840;
	[sflag:s0] =	ssyncadd.s32 $0xFFFFE000  }
0x235: {  	v8 =	vld [tilespmem:s23+$0x0];
	_ =	sdelay $0x3  }
0x236: {  	v9 =	vld [tilespmem:s23+$0xFFFFFFC0]  }
0x237: {  	v8 =	vmul.f32 $8.000000000e+00, v8  }
0x238: {  	s18 =	simm.s32 $0x6448;
	s20 =	simm.s32 $0xE8C0  }
0x239: {  	[tilespmem:s18+$0x0] =	vst v8;
	v8 =	vld [tilespmem:s20+$0x0]  }
0x23a: {  	v10 =	vld [tilespmem:s23+$0x10]  }
0x23b: {  	v9 =	vmul.f32 $8.000000000e+00, v9;
	_ =	sdelay $0x1  }
0x23c: {  	[tilespmem:s18+$0xFFFFFFB8] =	vst v9;
	v9 =	vld [tilespmem:s20+$0xFFFFFFC0]  }
0x23d: {  	v11 =	vld [tilespmem:s23+$0xFFFFFFD0];
	v8 =	vmul.f32 $8.000000000e+00, v8  }
0x23e: {  	s19 =	simm.s32 $0x64D8;
	s15 =	simm.s32 $0xE940;
	v10 =	vmul.f32 $8.000000000e+00, v10  }
0x23f: {  	[tilespmem:s19+$0x0] =	vst v8;
	v8 =	vld [tilespmem:s15+$0x0]  }
0x240: {  	[tilespmem:s18+$0x10] =	vst v10;
	v10 =	vld [tilespmem:s20+$0x10]  }
0x241: {  	v9 =	vmul.f32 $8.000000000e+00, v9;
	v12 =	vld [tilespmem:s23+$0x20]  }
0x242: {  	v11 =	vmul.f32 $8.000000000e+00, v11  }
0x243: {  	[tilespmem:s19+$0xFFFFFFB8] =	vst v9;
	v9 =	vld [tilespmem:s15+$0xFFFFFFC0]  }
0x244: {  	[tilespmem:s18+$0xFFFFFFC8] =	vst v11;
	v11 =	vld [tilespmem:s20+$0xFFFFFFD0];
	v8 =	vmul.f32 $8.000000000e+00, v8  }
0x245: {  	s21 =	simm.s32 $0x6568;
	s22 =	simm.s32 $0xE9C0;
	v13 =	vld [tilespmem:s23+$0xFFFFFFE0];
	v10 =	vmul.f32 $8.000000000e+00, v10  }
0x246: {  	[tilespmem:s21+$0x0] =	vst v8;
	v8 =	vmul.f32 $8.000000000e+00, v12;
	v12 =	vld [tilespmem:s22+$0x0]  }
0x247: {  	[tilespmem:s19+$0x10] =	vst v10;
	v14 =	vld [tilespmem:s15+$0x10]  }
0x248: {  	v9 =	vmul.f32 $8.000000000e+00, v9;
	[tilespmem:s18+$0x20] =	vst v8;
	v15 =	vld [tilespmem:s20+$0x20]  }
0x249: {  	v10 =	vmul.f32 $8.000000000e+00, v11;
	v8 =	vld [tilespmem:s23+$0x30]  }
0x24a: {  	[tilespmem:s21+$0xFFFFFFB8] =	vst v9;
	v9 =	vmul.f32 $8.000000000e+00, v13;
	v11 =	vld [tilespmem:s22+$0xFFFFFFC0]  }
0x24b: {  	[tilespmem:s19+$0xFFFFFFC8] =	vst v10;
	v13 =	vmul.f32 $8.000000000e+00, v12;
	v12 =	vld [tilespmem:s15+$0xFFFFFFD0]  }
0x24c: {  	s26 =	simm.s32 $0x65F8;
	[tilespmem:s18+$0xFFFFFFD8] =	vst v9;
	v10 =	vld [tilespmem:s20+$0xFFFFFFE0];
	v14 =	vmul.f32 $8.000000000e+00, v14  }
0x24d: {  	s29 =	simm.s32 $0x6;
	s31 =	simm.s32 $0xEA40;
	v9 =	vld [tilespmem:s23+$0xFFFFFFF0];
	s23 =	simm.s32 $0x65F8;
	[tilespmem:s26+$0x0] =	vst v13;
	v13 =	vmul.f32 $8.000000000e+00, v15  }
.LBB2_15:
0x24e: {  	v15 =	vld [tilespmem:s31+$0x0];
	[tilespmem:s21+$0x10] =	vst v14;
	v8 =	vmul.f32 $8.000000000e+00, v8;
	s1 =	smov.u32 s20;
	s20 =	smov.u32 s15;
	s15 =	smov.u32 s22  }
0x24f: {  	s22 =	smov.u32 s31;
	s29 =	sadd.s32 $0x2, s29;
	v11 =	vmul.f32 $8.000000000e+00, v11;
	v14 =	vld [tilespmem:s15+$0x10];
	[tilespmem:s19+$0x20] =	vst v13  }
0x250: {  	s14 =	simm.s32 $0x18840;
	p2 =	slt.u32 s29, $0x7E;
	v12 =	vmul.f32 $8.000000000e+00, v12;
	v13 =	vld [tilespmem:s20+$0x20];
	[tilespmem:s18+$0x30] =	vst v8  }
.Ltmp6:
0x251: {  	[tilespmem:s26+$0xFFFFFFB8] =	vst v11;
	v10 =	vmul.f32 $8.000000000e+00, v10;
	v8 =	vld [tilespmem:s1+$0x30];
	(pc) =	sbr.rel @p2 .LBB2_15-.Ltmp6, $4  }
0x252: {  	v11 =	vld [tilespmem:s31+$0xFFFFFFC0];
	[tilespmem:s21+$0xFFFFFFC8] =	vst v12;
	v9 =	vmul.f32 $8.000000000e+00, v9  }
0x253: {  	v15 =	vmul.f32 $8.000000000e+00, v15;
	v12 =	vld [tilespmem:s15+$0xFFFFFFD0];
	[tilespmem:s19+$0xFFFFFFD8] =	vst v10  }
0x254: {  	s26 =	sadd.s32 $0x90, s26;
	v14 =	vmul.f32 $8.000000000e+00, v14;
	v10 =	vld [tilespmem:s20+$0xFFFFFFE0];
	[tilespmem:s18+$0xFFFFFFE8] =	vst v9;
	s18 =	smov.u32 s19;
	s19 =	smov.u32 s21  }
0x255: {  	s31 =	sadd.s32 $0x80, s31;
	s21 =	smov.u32 s23;
	s23 =	smov.u32 s26;
	[tilespmem:s26+$0x0] =	vst v15;
	v13 =	vmul.f32 $8.000000000e+00, v13;
	v9 =	vld [tilespmem:s1+$0xFFFFFFF0]  }
0x256: {  	_ = 	snop  }
0x257: {  	v11 =	vmul.f32 $8.000000000e+00, v11;
	_ =	sdelay $0x1  }
0x258: {  	v15 =	vld [tilespmem:s22+$0x10];
	[tilespmem:s26+$0xFFFFFFB8] =	vst v11  }
0x259: {  	v11 =	vld [tilespmem:s22+$0xFFFFFFD0];
	_ =	sdelay $0x2  }
0x25a: {  	v12 =	vmul.f32 $8.000000000e+00, v12  }
0x25b: {  	[tilespmem:s21+$0x10] =	vst v14;
	v14 =	vmul.f32 $8.000000000e+00, v15  }
0x25c: {  	[tilespmem:s21+$0xFFFFFFC8] =	vst v12;
	v15 =	vld [tilespmem:s15+$0x20];
	v11 =	vmul.f32 $8.000000000e+00, v11  }
0x25d: {  	v12 =	vld [tilespmem:s15+$0xFFFFFFE0];
	[tilespmem:s23+$0x10] =	vst v14  }
0x25e: {  	v14 =	vld [tilespmem:s22+$0x20];
	[tilespmem:s23+$0xFFFFFFC8] =	vst v11  }
0x25f: {  	v11 =	vld [tilespmem:s22+$0xFFFFFFE0]  }
0x260: {  	v10 =	vmul.f32 $8.000000000e+00, v10  }
0x261: {  	[tilespmem:s19+$0x20] =	vst v13;
	v13 =	vmul.f32 $8.000000000e+00, v15  }
0x262: {  	[tilespmem:s19+$0xFFFFFFD8] =	vst v10;
	v15 =	vld [tilespmem:s20+$0x30];
	v10 =	vmul.f32 $8.000000000e+00, v12  }
0x263: {  	v12 =	vld [tilespmem:s20+$0xFFFFFFF0];
	[tilespmem:s21+$0x20] =	vst v13;
	v13 =	vmul.f32 $8.000000000e+00, v14  }
0x264: {  	[tilespmem:s21+$0xFFFFFFD8] =	vst v10;
	v14 =	vld [tilespmem:s15+$0x30];
	v10 =	vmul.f32 $8.000000000e+00, v11  }
0x265: {  	v8 =	vmul.f32 $8.000000000e+00, v8;
	[tilespmem:s23+$0x20] =	vst v13;
	v11 =	vld [tilespmem:s15+$0xFFFFFFF0]  }
0x266: {  	v9 =	vmul.f32 $8.000000000e+00, v9;
	v13 =	vld [tilespmem:s22+$0x30];
	[tilespmem:s23+$0xFFFFFFD8] =	vst v10  }
0x267: {  	s1 =	simm.s32 $0x0;
	[tilespmem:s18+$0x30] =	vst v8;
	v8 =	vmul.f32 $8.000000000e+00, v15;
	v10 =	vld [tilespmem:s22+$0xFFFFFFF0]  }
0x268: {  	[tilespmem:s18+$0xFFFFFFE8] =	vst v9;
	v9 =	vmul.f32 $8.000000000e+00, v12;
	v12 =	vmov s1  }
0x269: {  	v12 =	vand.u32 $0x3E, v12;
	[tilespmem:s19+$0x30] =	vst v8;
	v8 =	vmul.f32 $8.000000000e+00, v14  }
0x26a: {  	[tilespmem:s19+$0xFFFFFFE8] =	vst v9;
	v14 =	vadd.s32 v0, v12;
	s22 =	simm.s32 $0x1;
	v9 =	vmul.f32 $8.000000000e+00, v11  }
0x26b: {  	[tilespmem:s21+$0x30] =	vst v8;
	v8 =	vmul.f32 $8.000000000e+00, v13;
	v11 =	vmov s22  }
0x26c: {  	v11 =	vand.u32 $0x3F, v11;
	[tilespmem:s21+$0xFFFFFFE8] =	vst v9;
	v9 =	vmul.f32 $8.000000000e+00, v10  }
0x26d: {  	[tilespmem:s23+$0x30] =	vst v8;
	v8 =	vadd.s32 v0, v11  }
0x26e: {  	[tilespmem:s23+$0xFFFFFFE8] =	vst v9  }
0x26f: {  	v9 =	vld.idx.msk [tilespmem:v14+s25+$0x0], $0xffff  }
0x270: {  	v10 =	vadd.s32 v1, v12  }
0x271: {  	s23 =	simm.s32 $0x2  }
0x272: {  	v13 =	vmov s23;
	v14 =	vld.idx.msk [tilespmem:v8+s25+$0x0], $0xffff  }
0x273: {  	v8 =	vand.u32 $0x3E, v13;
	v13 =	vadd.s32 v1, v11  }
0x274: {  	s31 =	simm.s32 $0x0;
	s26 =	simm.s32 $0x80;
	[tilespmem:s14+$0xFFFFFFC0] =	vst v9;
	v9 =	vadd.s32 v0, v8  }
0x275: {  	s1 =	sand.u32 $0x380, s26;
	s15 =	sand.u32 $0x1C00, s31;
	v10 =	vld.idx.msk [tilespmem:v10+s25+$0x0], $0xffff  }
0x276: {  	v15 =	vadd.s32 v2, v12;
	s1 =	sor.u32 s1, s15  }
0x277: {  	[tilespmem:s1+$0x18800] =	vst v14  }
0x278: {  	s18 =	simm.s32 $0x3;
	v13 =	vld.idx.msk [tilespmem:v13+s25+$0x0], $0xffff  }
0x279: {  	v16 =	vadd.s32 v2, v11;
	v14 =	vld.idx.msk [tilespmem:v9+s25+$0x0], $0xffff;
	v9 =	vmov s18  }
0x27a: {  	v17 =	vadd.s32 v1, v8;
	[tilespmem:s14+$0xFFFFFFD0] =	vst v10;
	v9 =	vand.u32 $0x3F, v9  }
0x27b: {  	s19 =	simm.s32 $0x4;
	v15 =	vld.idx.msk [tilespmem:v15+s25+$0x0], $0xffff;
	v18 =	vadd.s32 v0, v9  }
0x27c: {  	v19 =	vadd.s32 v3, v12;
	v10 =	vmov s19;
	s19 =	sadd.s32 $0x18800, s1  }
0x27d: {  	s18 =	simm.s32 $0x18940;
	v10 =	vand.u32 $0x3E, v10;
	[tilespmem:s19+$0x10] =	vst v13  }
0x27e: {  	v13 =	vadd.s32 v0, v10;
	[tilespmem:s18+$0xFFFFFFC0] =	vst v14;
	v14 =	vld.idx.msk [tilespmem:v16+s25+$0x0], $0xffff  }
0x27f: {  	v16 =	vld.idx.msk [tilespmem:v17+s25+$0x0], $0xffff;
	v17 =	vadd.s32 v3, v11  }
0x280: {  	[tilespmem:s14+$0xFFFFFFE0] =	vst v15;
	v15 =	vadd.s32 v2, v8;
	v18 =	vld.idx.msk [tilespmem:v18+s25+$0x0], $0xffff  }
0x281: {  	v20 =	vadd.s32 v1, v9;
	v19 =	vld.idx.msk [tilespmem:v19+s25+$0x0], $0xffff  }
0x282: {  	s20 =	simm.s32 $0x180;
	s21 =	simm.s32 $0x100  }
0x283: {  	v21 =	vadd.s32 v4, v12;
	s15 =	sand.u32 $0x1C00, s21;
	s1 =	sand.u32 $0x380, s20;
	v13 =	vld.idx.msk [tilespmem:v13+s25+$0x0], $0xffff;
	[tilespmem:s19+$0x20] =	vst v14  }
0x284: {  	s1 =	sor.u32 s1, s15;
	[tilespmem:s18+$0xFFFFFFD0] =	vst v16;
	v16 =	vadd.s32 v1, v10;
	v17 =	vld.idx.msk [tilespmem:v17+s25+$0x0], $0xffff  }
0x285: {  	v15 =	vld.idx.msk [tilespmem:v15+s25+$0x0], $0xffff;
	[tilespmem:s1+$0x18800] =	vst v18;
	v18 =	vadd.s32 v4, v11  }
0x286: {  	[tilespmem:s14+$0xFFFFFFF0] =	vst v19;
	v19 =	vadd.s32 v3, v8;
	v20 =	vld.idx.msk [tilespmem:v20+s25+$0x0], $0xffff  }
0x287: {  	s22 =	simm.s32 $0x5;
	s20 =	simm.s32 $0x18A40;
	v22 =	vadd.s32 v2, v9  }
0x288: {  	s23 =	simm.s32 $0x6;
	v14 =	vmov s22;
	[tilespmem:s20+$0xFFFFFFC0] =	vst v13;
	v21 =	vld.idx.msk [tilespmem:v21+s25+$0x0], $0xffff  }
0x289: {  	v23 =	vadd.s32 v5, v12;
	v14 =	vand.u32 $0x3F, v14;
	v13 =	vmov s23;
	v16 =	vld.idx.msk [tilespmem:v16+s25+$0x0], $0xffff;
	[tilespmem:s19+$0x30] =	vst v17  }
0x28a: {  	s21 =	sadd.s32 $0x18800, s1;
	v24 =	vadd.s32 v0, v14;
	v13 =	vand.u32 $0x3E, v13;
	[tilespmem:s18+$0xFFFFFFE0] =	vst v15;
	v15 =	vld.idx.msk [tilespmem:v18+s25+$0x0], $0xffff  }
0x28b: {  	v17 =	vadd.s32 v0, v13;
	v18 =	vld.idx.msk [tilespmem:v19+s25+$0x0], $0xffff;
	[tilespmem:s21+$0x10] =	vst v20  }
0x28c: {  	v19 =	vadd.s32 v5, v11;
	v22 =	vld.idx.msk [tilespmem:v22+s25+$0x0], $0xffff  }
0x28d: {  	v25 =	vadd.s32 v3, v9;
	[tilespmem:s14+$0x0] =	vst v21  }
0x28e: {  	v21 =	vadd.s32 v2, v10;
	v23 =	vld.idx.msk [tilespmem:v23+s25+$0x0], $0xffff  }
0x28f: {  	[tilespmem:s20+$0xFFFFFFD0] =	vst v16;
	v16 =	vld.idx.msk [tilespmem:v24+s25+$0x0], $0xffff;
	v24 =	vadd.s32 v4, v8  }
0x290: {  	v28 =	vadd.s32 v6, v12;
	v26 =	vld.idx.msk [tilespmem:v17+s25+$0x0], $0xffff;
	[tilespmem:s19+$0x40] =	vst v15  }
0x291: {  	v27 =	vadd.s32 v1, v14;
	v20 =	vld.idx.msk [tilespmem:v19+s25+$0x0], $0xffff;
	[tilespmem:s21+$0x20] =	vst v22  }
0x292: {  	s26 =	simm.s32 $0x200;
	s15 =	simm.s32 $0x280;
	v15 =	vld.idx.msk [tilespmem:v25+s25+$0x0], $0xffff;
	v25 =	vadd.s32 v1, v13  }
0x293: {  	s31 =	sand.u32 $0x380, s15;
	s1 =	sand.u32 $0x1C00, s26;
	[tilespmem:s18+$0xFFFFFFF0] =	vst v18;
	v21 =	vld.idx.msk [tilespmem:v21+s25+$0x0], $0xffff;
	v22 =	vadd.s32 v6, v11  }
0x294: {  	s26 =	sor.u32 s31, s1;
	v18 =	vadd.s32 v3, v10;
	[tilespmem:s14+$0x10] =	vst v23;
	v17 =	vld.idx.msk [tilespmem:v24+s25+$0x0], $0xffff  }
0x295: {  	s22 =	simm.s32 $0x18B40;
	v19 =	vadd.s32 v4, v9;
	[tilespmem:s26+$0x18800] =	vst v16;
	v23 =	vld.idx.msk [tilespmem:v28+s25+$0x0], $0xffff  }
0x296: {  	s29 =	simm.s32 $0x7;
	s23 =	simm.s32 $0x8;
	[tilespmem:s22+$0xFFFFFFC0] =	vst v26;
	v16 =	vadd.s32 v5, v8;
	v24 =	vld.idx.msk [tilespmem:v27+s25+$0x0], $0xffff  }
.LBB2_17:
0x297: {  	p2 =	slt.u32 s23, $0x3E;
	v25 =	vld.idx.msk [tilespmem:v25+s25+$0x0], $0xffff;
	v26 =	vmov s29;
	v27 =	vadd.s32 v2, v14;
	[tilespmem:s19+$0x50] =	vst v20  }
0x298: {  	v20 =	vand.u32 $0x3F, v26;
	[tilespmem:s20+$0xFFFFFFE0] =	vst v21;
	v21 =	vadd.s32 v7, v12;
	v22 =	vld.idx.msk [tilespmem:v22+s25+$0x0], $0xffff;
	v12 =	vmovc v8;
	v8 =	vmov v10  }
0x299: {  	v26 =	vmov s23;
	v10 =	vmov v13;
	v28 =	vadd.s32 v0, v20;
	v18 =	vld.idx.msk [tilespmem:v18+s25+$0x0], $0xffff;
	[tilespmem:s21+$0x30] =	vst v15  }
0x29a: {  	s1 =	sadd.s32 $0x18800, s26;
	v13 =	vand.u32 $0x3E, v26;
	[tilespmem:s18+$0x0] =	vst v17;
	v15 =	vld.idx.msk [tilespmem:v19+s25+$0x0], $0xffff;
	v17 =	vadd.s32 v7, v11;
	v11 =	vmovc v9;
	v9 =	vmov v14  }
0x29b: {  	v19 =	vadd.s32 v0, v13;
	v14 =	vmov v20;
	[tilespmem:s1+$0x10] =	vst v24;
	v16 =	vld.idx.msk [tilespmem:v16+s25+$0x0], $0xffff  }
0x29c: {  	v20 =	vadd.s32 v5, v11;
	v24 =	vld.idx.msk [tilespmem:v27+s25+$0x0], $0xffff;
	[tilespmem:s14+$0x20] =	vst v23  }
0x29d: {  	v23 =	vadd.s32 v2, v10;
	[tilespmem:s22+$0xFFFFFFD0] =	vst v25;
	v26 =	vld.idx.msk [tilespmem:v21+s25+$0x0], $0xffff  }
0x29e: {  	v27 =	vld.idx.msk [tilespmem:v28+s25+$0x0], $0xffff;
	v28 =	vadd.s32 v3, v9;
	[tilespmem:s19+$0x60] =	vst v22  }
0x29f: {  	v29 =	vadd.s32 v4, v8;
	[tilespmem:s20+$0xFFFFFFF0] =	vst v18;
	v30 =	vld.idx.msk [tilespmem:v17+s25+$0x0], $0xffff  }
0x2a0: {  	s15 =	sadd.s32 $0x100, s15;
	v31 =	vld.idx.msk [tilespmem:v19+s25+$0x0], $0xffff;
	v19 =	vadd.s32 v1, v14;
	[tilespmem:s21+$0x40] =	vst v15  }
0x2a1: {  	s26 =	sadd.s32 $0xFFFFFF80, s15;
	v32 =	vadd.s32 v6, v12;
	[tilespmem:s18+$0x10] =	vst v16;
	v20 =	vld.idx.msk [tilespmem:v20+s25+$0x0], $0xffff  }
.Ltmp7:
0x2a2: {  	s29 =	sand.u32 $0x380, s15;
	s26 =	sand.u32 $0x1C00, s26;
	v25 =	vadd.s32 v1, v13;
	v21 =	vld.idx.msk [tilespmem:v23+s25+$0x0], $0xffff;
	[tilespmem:s1+$0x20] =	vst v24;
	(pc) =	sbr.rel @p2 .LBB2_17-.Ltmp7, $4  }
0x2a3: {  	s26 =	sor.u32 s29, s26;
	v22 =	vadd.s32 v6, v11;
	v15 =	vld.idx.msk [tilespmem:v28+s25+$0x0], $0xffff;
	[tilespmem:s14+$0x30] =	vst v26;
	s14 =	smov.u32 s18;
	s18 =	smov.u32 s20  }
0x2a4: {  	v18 =	vadd.s32 v3, v10;
	s20 =	smov.u32 s22;
	[tilespmem:s26+$0x18800] =	vst v27;
	v17 =	vld.idx.msk [tilespmem:v29+s25+$0x0], $0xffff  }
0x2a5: {  	s22 =	sadd.s32 $0x100, s22;
	v24 =	vld.idx.msk [tilespmem:v19+s25+$0x0], $0xffff;
	v19 =	vadd.s32 v4, v9;
	[tilespmem:s19+$0x70] =	vst v30;
	s19 =	smov.u32 s21;
	s21 =	smov.u32 s1  }
0x2a6: {  	s29 =	sadd.s32 $0x1, s23;
	s23 =	sadd.s32 $0x2, s23;
	v16 =	vadd.s32 v5, v8;
	[tilespmem:s22+$0xFFFFFFC0] =	vst v31;
	v23 =	vld.idx.msk [tilespmem:v32+s25+$0x0], $0xffff  }
0x2a7: {  	v26 =	vmov s29  }
0x2a8: {  	v26 =	vand.u32 $0x3F, v26  }
0x2a9: {  	v27 =	vadd.s32 v0, v26;
	_ =	sdelay $0x4  }
0x2aa: {  	v27 =	vld.idx.msk [tilespmem:v27+s25+$0x0], $0xffff  }
0x2ab: {  	s1 =	sadd.s32 $0x100, s15;
	v28 =	vadd.s32 v1, v26  }
0x2ac: {  	s15 =	sadd.s32 $0xFFFFFF80, s1  }
0x2ad: {  	s1 =	sand.u32 $0x380, s1;
	s15 =	sand.u32 $0x1C00, s15  }
0x2ae: {  	s1 =	sor.u32 s1, s15  }
0x2af: {  	v25 =	vld.idx.msk [tilespmem:v25+s25+$0x0], $0xffff;
	v29 =	vadd.s32 v2, v14;
	[tilespmem:s1+$0x18800] =	vst v27  }
0x2b0: {  	v43 =	vadd.s32 v2, v13;
	v28 =	vld.idx.msk [tilespmem:v28+s25+$0x0], $0xffff  }
0x2b1: {  	[tilespmem:s19+$0x50] =	vst v20;
	v44 =	vadd.s32 v2, v26  }
0x2b2: {  	[tilespmem:s20+$0xFFFFFFE0] =	vst v21;
	s23 =	sadd.s32 $0x18800, s26  }
0x2b3: {  	[tilespmem:s23+$0x10] =	vst v24  }
0x2b4: {  	s15 =	sadd.s32 $0x18800, s1;
	v45 =	vld.idx.msk [tilespmem:v29+s25+$0x0], $0xffff;
	[tilespmem:s22+$0xFFFFFFD0] =	vst v25  }
0x2b5: {  	v46 =	vadd.s32 v3, v14;
	v25 =	vld.idx.msk [tilespmem:v43+s25+$0x0], $0xffff;
	[tilespmem:s15+$0x10] =	vst v28  }
0x2b6: {  	[tilespmem:s21+$0x30] =	vst v15;
	v15 =	vadd.s32 v3, v13;
	v20 =	vld.idx.msk [tilespmem:v44+s25+$0x0], $0xffff  }
0x2b7: {  	v22 =	vld.idx.msk [tilespmem:v22+s25+$0x0], $0xffff;
	[tilespmem:s18+$0x0] =	vst v17;
	v47 =	vadd.s32 v3, v26  }
0x2b8: {  	v18 =	vld.idx.msk [tilespmem:v18+s25+$0x0], $0xffff;
	[tilespmem:s14+$0x20] =	vst v23  }
0x2b9: {  	v12 =	vadd.s32 v7, v12;
	v19 =	vld.idx.msk [tilespmem:v19+s25+$0x0], $0xffff;
	[tilespmem:s23+$0x20] =	vst v45  }
0x2ba: {  	v48 =	vadd.s32 v4, v10;
	v49 =	vld.idx.msk [tilespmem:v46+s25+$0x0], $0xffff;
	[tilespmem:s22+$0xFFFFFFE0] =	vst v25  }
0x2bb: {  	v50 =	vadd.s32 v4, v14;
	v15 =	vld.idx.msk [tilespmem:v15+s25+$0x0], $0xffff;
	[tilespmem:s15+$0x20] =	vst v20  }
0x2bc: {  	v51 =	vadd.s32 v4, v13;
	[tilespmem:s19+$0x60] =	vst v22;
	v17 =	vld.idx.msk [tilespmem:v47+s25+$0x0], $0xffff  }
0x2bd: {  	v52 =	vadd.s32 v4, v26;
	v16 =	vld.idx.msk [tilespmem:v16+s25+$0x0], $0xffff;
	[tilespmem:s20+$0xFFFFFFF0] =	vst v18  }
0x2be: {  	v11 =	vadd.s32 v7, v11;
	v12 =	vld.idx.msk [tilespmem:v12+s25+$0x0], $0xffff;
	[tilespmem:s21+$0x40] =	vst v19  }
0x2bf: {  	v53 =	vadd.s32 v5, v9;
	v21 =	vld.idx.msk [tilespmem:v48+s25+$0x0], $0xffff;
	[tilespmem:s23+$0x30] =	vst v49  }
0x2c0: {  	v54 =	vadd.s32 v5, v10;
	v23 =	vld.idx.msk [tilespmem:v50+s25+$0x0], $0xffff;
	[tilespmem:s22+$0xFFFFFFF0] =	vst v15  }
0x2c1: {  	v15 =	vadd.s32 v5, v14;
	v20 =	vld.idx.msk [tilespmem:v51+s25+$0x0], $0xffff;
	[tilespmem:s15+$0x30] =	vst v17  }
0x2c2: {  	v55 =	vadd.s32 v5, v13;
	[tilespmem:s18+$0x10] =	vst v16;
	v17 =	vld.idx.msk [tilespmem:v52+s25+$0x0], $0xffff  }
0x2c3: {  	v11 =	vld.idx.msk [tilespmem:v11+s25+$0x0], $0xffff;
	[tilespmem:s14+$0x30] =	vst v12;
	v12 =	vadd.s32 v5, v26  }
0x2c4: {  	v56 =	vadd.s32 v6, v8;
	v19 =	vld.idx.msk [tilespmem:v53+s25+$0x0], $0xffff;
	[tilespmem:s20+$0x0] =	vst v21  }
0x2c5: {  	v57 =	vadd.s32 v6, v9;
	v22 =	vld.idx.msk [tilespmem:v54+s25+$0x0], $0xffff;
	[tilespmem:s23+$0x40] =	vst v23  }
0x2c6: {  	v58 =	vadd.s32 v6, v10;
	v15 =	vld.idx.msk [tilespmem:v15+s25+$0x0], $0xffff;
	[tilespmem:s22+$0x0] =	vst v20  }
0x2c7: {  	v59 =	vadd.s32 v6, v14;
	v16 =	vld.idx.msk [tilespmem:v55+s25+$0x0], $0xffff;
	[tilespmem:s15+$0x40] =	vst v17  }
0x2c8: {  	[tilespmem:s19+$0x70] =	vst v11;
	v11 =	vadd.s32 v6, v13;
	v12 =	vld.idx.msk [tilespmem:v12+s25+$0x0], $0xffff  }
0x2c9: {  	v61 =	vadd.s32 v6, v26;
	v60 =	vld.idx.msk [tilespmem:v56+s25+$0x0], $0xffff;
	[tilespmem:s21+$0x50] =	vst v19  }
0x2ca: {  	v8 =	vadd.s32 v7, v8;
	v19 =	vld.idx.msk [tilespmem:v57+s25+$0x0], $0xffff;
	[tilespmem:s20+$0x10] =	vst v22  }
0x2cb: {  	v9 =	vadd.s32 v7, v9;
	v62 =	vld.idx.msk [tilespmem:v58+s25+$0x0], $0xffff;
	[tilespmem:s23+$0x50] =	vst v15  }
0x2cc: {  	v10 =	vadd.s32 v7, v10;
	v15 =	vld.idx.msk [tilespmem:v59+s25+$0x0], $0xffff;
	[tilespmem:s22+$0x10] =	vst v16  }
0x2cd: {  	v14 =	vadd.s32 v7, v14;
	v11 =	vld.idx.msk [tilespmem:v11+s25+$0x0], $0xffff;
	[tilespmem:s15+$0x50] =	vst v12  }
0x2ce: {  	[tilespmem:s18+$0x20] =	vst v60;
	v12 =	vadd.s32 v7, v13;
	v13 =	vld.idx.msk [tilespmem:v61+s25+$0x0], $0xffff  }
0x2cf: {  	v63 =	vadd.s32 v7, v26;
	v8 =	vld.idx.msk [tilespmem:v8+s25+$0x0], $0xffff;
	[tilespmem:s21+$0x60] =	vst v19  }
0x2d0: {  	v9 =	vld.idx.msk [tilespmem:v9+s25+$0x0], $0xffff;
	[tilespmem:s20+$0x20] =	vst v62  }
0x2d1: {  	v10 =	vld.idx.msk [tilespmem:v10+s25+$0x0], $0xffff;
	[tilespmem:s23+$0x60] =	vst v15  }
0x2d2: {  	v14 =	vld.idx.msk [tilespmem:v14+s25+$0x0], $0xffff;
	[tilespmem:s22+$0x20] =	vst v11  }
0x2d3: {  	s1 =	smul.u32 @!p0 $0xA00, s3;
	v11 =	vld.idx.msk [tilespmem:v12+s25+$0x0], $0xffff;
	[tilespmem:s15+$0x60] =	vst v13  }
0x2d4: {  	[tilespmem:s18+$0x30] =	vst v8;
	v8 =	vld.idx.msk [tilespmem:v63+s25+$0x0], $0xffff  }
0x2d5: {  	s14 =	smul.u32 @!p0 $0x280, s3;
	s1 =	sadd.s32 @!p0 $0x1000, s1;
	[tilespmem:s21+$0x70] =	vst v9  }
0x2d6: {  	s1 =	sand.u32 @!p0 $0x7F000, s1;
	[tilespmem:s20+$0x30] =	vst v10  }
0x2d7: {  	s14 =	sand.u32 @!p0 $0x380, s14;
	s1 =	sshrl.u32 @!p0 s1, $0x2;
	[tilespmem:s23+$0x70] =	vst v14  }
0x2d8: {  	s1 =	sor.u32 @!p0 s14, s1;
	[tilespmem:s22+$0x30] =	vst v11  }
0x2d9: {  	s14 =	simm.s32 @!p0 $0x80;
	s21 =	sadd.s32 s9, s11;
	[tilespmem:s15+$0x70] =	vst v8;
	s15 =	simm.s32 @!p0 $0xE800  }
0x2da: {  	[tilespmem:s15], [sflag:$0x4] =	stream.indirect.gather @!p0 [hbm4b:s5+s14], $0x40, s1, s14, $0xb8;
	[tilespmem:$0x1C800] =	vst v63  }
0x2db: {  	s1 =	sshrl.u32 s21, $0x3  }
0x2dc: {  	s22 =	simm.s32 $0x18800;
	s1 =	sadd.s32 s2, s1  }
0x2dd: {  	[hbm4b:s1+s12] =	stream.strided.scatter [tilespmem:s22], [sflag:$0x9], $0x2000, s13, s12, $0x38;
	[tilespmem:$0x1C800] =	vst v63  }
0x2de: {  	s1 =	simm.s32 @!p1 $0xA  }
0x2df: {  	_ =	swait.ge @!p1 [sflag:s1], $0x2000  }
0x2e0: {  	[sflag:s1] =	ssyncset.done @!p1 $0x0  }
0x2e1: {  	[sflag:s1] =	ssyncadd.s32 @!p1 $0xFFFFE000  }
0x2e2: {  	_ =	swait.ge [sflag:s16], $0x2000  }
0x2e3: {  	[sflag:s16] =	ssyncset.done $0x0  }
0x2e4: {  	s23 =	simm.s32 $0x10840;
	[sflag:s16] =	ssyncadd.s32 $0xFFFFE000  }
0x2e5: {  	v8 =	vld [tilespmem:s23+$0x0];
	_ =	sdelay $0x3  }
0x2e6: {  	v9 =	vld [tilespmem:s23+$0xFFFFFFC0]  }
0x2e7: {  	v8 =	vmul.f32 $8.000000000e+00, v8  }
0x2e8: {  	s18 =	simm.s32 $0x6448;
	s20 =	simm.s32 $0x108C0  }
0x2e9: {  	[tilespmem:s18+$0x0] =	vst v8;
	v8 =	vld [tilespmem:s20+$0x0]  }
0x2ea: {  	v10 =	vld [tilespmem:s23+$0x10]  }
0x2eb: {  	v9 =	vmul.f32 $8.000000000e+00, v9;
	_ =	sdelay $0x1  }
0x2ec: {  	[tilespmem:s18+$0xFFFFFFB8] =	vst v9;
	v9 =	vld [tilespmem:s20+$0xFFFFFFC0]  }
0x2ed: {  	v11 =	vld [tilespmem:s23+$0xFFFFFFD0];
	v8 =	vmul.f32 $8.000000000e+00, v8  }
0x2ee: {  	s19 =	simm.s32 $0x64D8;
	s15 =	simm.s32 $0x10940;
	v10 =	vmul.f32 $8.000000000e+00, v10  }
0x2ef: {  	[tilespmem:s19+$0x0] =	vst v8;
	v8 =	vld [tilespmem:s15+$0x0]  }
0x2f0: {  	[tilespmem:s18+$0x10] =	vst v10;
	v10 =	vld [tilespmem:s20+$0x10]  }
0x2f1: {  	v9 =	vmul.f32 $8.000000000e+00, v9;
	v12 =	vld [tilespmem:s23+$0x20]  }
0x2f2: {  	v11 =	vmul.f32 $8.000000000e+00, v11  }
0x2f3: {  	[tilespmem:s19+$0xFFFFFFB8] =	vst v9;
	v9 =	vld [tilespmem:s15+$0xFFFFFFC0]  }
0x2f4: {  	[tilespmem:s18+$0xFFFFFFC8] =	vst v11;
	v11 =	vld [tilespmem:s20+$0xFFFFFFD0];
	v8 =	vmul.f32 $8.000000000e+00, v8  }
0x2f5: {  	s21 =	simm.s32 $0x6568;
	s22 =	simm.s32 $0x109C0;
	v13 =	vld [tilespmem:s23+$0xFFFFFFE0];
	v10 =	vmul.f32 $8.000000000e+00, v10  }
0x2f6: {  	[tilespmem:s21+$0x0] =	vst v8;
	v8 =	vmul.f32 $8.000000000e+00, v12;
	v12 =	vld [tilespmem:s22+$0x0]  }
0x2f7: {  	[tilespmem:s19+$0x10] =	vst v10;
	v14 =	vld [tilespmem:s15+$0x10]  }
0x2f8: {  	v9 =	vmul.f32 $8.000000000e+00, v9;
	[tilespmem:s18+$0x20] =	vst v8;
	v15 =	vld [tilespmem:s20+$0x20]  }
0x2f9: {  	v10 =	vmul.f32 $8.000000000e+00, v11;
	v8 =	vld [tilespmem:s23+$0x30]  }
0x2fa: {  	[tilespmem:s21+$0xFFFFFFB8] =	vst v9;
	v9 =	vmul.f32 $8.000000000e+00, v13;
	v11 =	vld [tilespmem:s22+$0xFFFFFFC0]  }
0x2fb: {  	[tilespmem:s19+$0xFFFFFFC8] =	vst v10;
	v13 =	vmul.f32 $8.000000000e+00, v12;
	v12 =	vld [tilespmem:s15+$0xFFFFFFD0]  }
0x2fc: {  	s26 =	simm.s32 $0x65F8;
	[tilespmem:s18+$0xFFFFFFD8] =	vst v9;
	v10 =	vld [tilespmem:s20+$0xFFFFFFE0];
	v14 =	vmul.f32 $8.000000000e+00, v14  }
0x2fd: {  	s29 =	simm.s32 $0x6;
	s31 =	simm.s32 $0x10A40;
	v9 =	vld [tilespmem:s23+$0xFFFFFFF0];
	s23 =	simm.s32 $0x65F8;
	[tilespmem:s26+$0x0] =	vst v13;
	v13 =	vmul.f32 $8.000000000e+00, v15  }
.LBB2_19:
0x2fe: {  	v15 =	vld [tilespmem:s31+$0x0];
	[tilespmem:s21+$0x10] =	vst v14;
	v8 =	vmul.f32 $8.000000000e+00, v8;
	s1 =	smov.u32 s20;
	s20 =	smov.u32 s15;
	s15 =	smov.u32 s22  }
0x2ff: {  	s22 =	smov.u32 s31;
	s29 =	sadd.s32 $0x2, s29;
	v11 =	vmul.f32 $8.000000000e+00, v11;
	v14 =	vld [tilespmem:s15+$0x10];
	[tilespmem:s19+$0x20] =	vst v13  }
0x300: {  	s14 =	simm.s32 $0x1A840;
	p1 =	slt.u32 s29, $0x7E;
	v12 =	vmul.f32 $8.000000000e+00, v12;
	v13 =	vld [tilespmem:s20+$0x20];
	[tilespmem:s18+$0x30] =	vst v8  }
.Ltmp8:
0x301: {  	[tilespmem:s26+$0xFFFFFFB8] =	vst v11;
	v10 =	vmul.f32 $8.000000000e+00, v10;
	v8 =	vld [tilespmem:s1+$0x30];
	(pc) =	sbr.rel @p1 .LBB2_19-.Ltmp8, $4  }
0x302: {  	v11 =	vld [tilespmem:s31+$0xFFFFFFC0];
	[tilespmem:s21+$0xFFFFFFC8] =	vst v12;
	v9 =	vmul.f32 $8.000000000e+00, v9  }
0x303: {  	v15 =	vmul.f32 $8.000000000e+00, v15;
	v12 =	vld [tilespmem:s15+$0xFFFFFFD0];
	[tilespmem:s19+$0xFFFFFFD8] =	vst v10  }
0x304: {  	s26 =	sadd.s32 $0x90, s26;
	v14 =	vmul.f32 $8.000000000e+00, v14;
	v10 =	vld [tilespmem:s20+$0xFFFFFFE0];
	[tilespmem:s18+$0xFFFFFFE8] =	vst v9;
	s18 =	smov.u32 s19;
	s19 =	smov.u32 s21  }
0x305: {  	s31 =	sadd.s32 $0x80, s31;
	s21 =	smov.u32 s23;
	s23 =	smov.u32 s26;
	[tilespmem:s26+$0x0] =	vst v15;
	v13 =	vmul.f32 $8.000000000e+00, v13;
	v9 =	vld [tilespmem:s1+$0xFFFFFFF0]  }
0x306: {  	_ = 	snop  }
0x307: {  	v11 =	vmul.f32 $8.000000000e+00, v11;
	_ =	sdelay $0x1  }
0x308: {  	v15 =	vld [tilespmem:s22+$0x10];
	[tilespmem:s26+$0xFFFFFFB8] =	vst v11  }
0x309: {  	v11 =	vld [tilespmem:s22+$0xFFFFFFD0];
	_ =	sdelay $0x2  }
0x30a: {  	v12 =	vmul.f32 $8.000000000e+00, v12  }
0x30b: {  	[tilespmem:s21+$0x10] =	vst v14;
	v14 =	vmul.f32 $8.000000000e+00, v15  }
0x30c: {  	[tilespmem:s21+$0xFFFFFFC8] =	vst v12;
	v15 =	vld [tilespmem:s15+$0x20];
	v11 =	vmul.f32 $8.000000000e+00, v11  }
0x30d: {  	v12 =	vld [tilespmem:s15+$0xFFFFFFE0];
	[tilespmem:s23+$0x10] =	vst v14  }
0x30e: {  	v14 =	vld [tilespmem:s22+$0x20];
	[tilespmem:s23+$0xFFFFFFC8] =	vst v11  }
0x30f: {  	v11 =	vld [tilespmem:s22+$0xFFFFFFE0]  }
0x310: {  	v10 =	vmul.f32 $8.000000000e+00, v10  }
0x311: {  	[tilespmem:s19+$0x20] =	vst v13;
	v13 =	vmul.f32 $8.000000000e+00, v15  }
0x312: {  	[tilespmem:s19+$0xFFFFFFD8] =	vst v10;
	v15 =	vld [tilespmem:s20+$0x30];
	v10 =	vmul.f32 $8.000000000e+00, v12  }
0x313: {  	v12 =	vld [tilespmem:s20+$0xFFFFFFF0];
	[tilespmem:s21+$0x20] =	vst v13;
	v13 =	vmul.f32 $8.000000000e+00, v14  }
0x314: {  	[tilespmem:s21+$0xFFFFFFD8] =	vst v10;
	v14 =	vld [tilespmem:s15+$0x30];
	v10 =	vmul.f32 $8.000000000e+00, v11  }
0x315: {  	v8 =	vmul.f32 $8.000000000e+00, v8;
	[tilespmem:s23+$0x20] =	vst v13;
	v11 =	vld [tilespmem:s15+$0xFFFFFFF0]  }
0x316: {  	v9 =	vmul.f32 $8.000000000e+00, v9;
	v13 =	vld [tilespmem:s22+$0x30];
	[tilespmem:s23+$0xFFFFFFD8] =	vst v10  }
0x317: {  	s1 =	simm.s32 $0x0;
	[tilespmem:s18+$0x30] =	vst v8;
	v8 =	vmul.f32 $8.000000000e+00, v15;
	v10 =	vld [tilespmem:s22+$0xFFFFFFF0]  }
0x318: {  	[tilespmem:s18+$0xFFFFFFE8] =	vst v9;
	v9 =	vmul.f32 $8.000000000e+00, v12;
	v12 =	vmov s1  }
0x319: {  	v12 =	vand.u32 $0x3E, v12;
	[tilespmem:s19+$0x30] =	vst v8;
	v8 =	vmul.f32 $8.000000000e+00, v14  }
0x31a: {  	[tilespmem:s19+$0xFFFFFFE8] =	vst v9;
	v14 =	vadd.s32 v0, v12;
	s22 =	simm.s32 $0x1;
	v9 =	vmul.f32 $8.000000000e+00, v11  }
0x31b: {  	[tilespmem:s21+$0x30] =	vst v8;
	v8 =	vmul.f32 $8.000000000e+00, v13;
	v11 =	vmov s22  }
0x31c: {  	v11 =	vand.u32 $0x3F, v11;
	[tilespmem:s21+$0xFFFFFFE8] =	vst v9;
	v9 =	vmul.f32 $8.000000000e+00, v10  }
0x31d: {  	[tilespmem:s23+$0x30] =	vst v8;
	v8 =	vadd.s32 v0, v11  }
0x31e: {  	[tilespmem:s23+$0xFFFFFFE8] =	vst v9  }
0x31f: {  	v9 =	vld.idx.msk [tilespmem:v14+s25+$0x0], $0xffff  }
0x320: {  	v10 =	vadd.s32 v1, v12  }
0x321: {  	s23 =	simm.s32 $0x2  }
0x322: {  	v13 =	vmov s23;
	v14 =	vld.idx.msk [tilespmem:v8+s25+$0x0], $0xffff  }
0x323: {  	v8 =	vand.u32 $0x3E, v13;
	v13 =	vadd.s32 v1, v11  }
0x324: {  	s31 =	simm.s32 $0x0;
	s26 =	simm.s32 $0x80;
	[tilespmem:s14+$0xFFFFFFC0] =	vst v9;
	v9 =	vadd.s32 v0, v8  }
0x325: {  	s1 =	sand.u32 $0x380, s26;
	s15 =	sand.u32 $0x1C00, s31;
	v10 =	vld.idx.msk [tilespmem:v10+s25+$0x0], $0xffff  }
0x326: {  	v15 =	vadd.s32 v2, v12;
	s1 =	sor.u32 s1, s15  }
0x327: {  	[tilespmem:s1+$0x1A800] =	vst v14  }
0x328: {  	s18 =	simm.s32 $0x3;
	v13 =	vld.idx.msk [tilespmem:v13+s25+$0x0], $0xffff  }
0x329: {  	v16 =	vadd.s32 v2, v11;
	v14 =	vld.idx.msk [tilespmem:v9+s25+$0x0], $0xffff;
	v9 =	vmov s18  }
0x32a: {  	v17 =	vadd.s32 v1, v8;
	[tilespmem:s14+$0xFFFFFFD0] =	vst v10;
	v9 =	vand.u32 $0x3F, v9  }
0x32b: {  	s19 =	simm.s32 $0x4;
	v15 =	vld.idx.msk [tilespmem:v15+s25+$0x0], $0xffff;
	v18 =	vadd.s32 v0, v9  }
0x32c: {  	v19 =	vadd.s32 v3, v12;
	v10 =	vmov s19;
	s19 =	sadd.s32 $0x1A800, s1  }
0x32d: {  	s18 =	simm.s32 $0x1A940;
	v10 =	vand.u32 $0x3E, v10;
	[tilespmem:s19+$0x10] =	vst v13  }
0x32e: {  	v13 =	vadd.s32 v0, v10;
	[tilespmem:s18+$0xFFFFFFC0] =	vst v14;
	v14 =	vld.idx.msk [tilespmem:v16+s25+$0x0], $0xffff  }
0x32f: {  	v16 =	vld.idx.msk [tilespmem:v17+s25+$0x0], $0xffff;
	v17 =	vadd.s32 v3, v11  }
0x330: {  	[tilespmem:s14+$0xFFFFFFE0] =	vst v15;
	v15 =	vadd.s32 v2, v8;
	v18 =	vld.idx.msk [tilespmem:v18+s25+$0x0], $0xffff  }
0x331: {  	v20 =	vadd.s32 v1, v9;
	v19 =	vld.idx.msk [tilespmem:v19+s25+$0x0], $0xffff  }
0x332: {  	s20 =	simm.s32 $0x180;
	s21 =	simm.s32 $0x100  }
0x333: {  	v21 =	vadd.s32 v4, v12;
	s15 =	sand.u32 $0x1C00, s21;
	s1 =	sand.u32 $0x380, s20;
	v13 =	vld.idx.msk [tilespmem:v13+s25+$0x0], $0xffff;
	[tilespmem:s19+$0x20] =	vst v14  }
0x334: {  	s1 =	sor.u32 s1, s15;
	[tilespmem:s18+$0xFFFFFFD0] =	vst v16;
	v16 =	vadd.s32 v1, v10;
	v17 =	vld.idx.msk [tilespmem:v17+s25+$0x0], $0xffff  }
0x335: {  	v15 =	vld.idx.msk [tilespmem:v15+s25+$0x0], $0xffff;
	[tilespmem:s1+$0x1A800] =	vst v18;
	v18 =	vadd.s32 v4, v11  }
0x336: {  	[tilespmem:s14+$0xFFFFFFF0] =	vst v19;
	v19 =	vadd.s32 v3, v8;
	v20 =	vld.idx.msk [tilespmem:v20+s25+$0x0], $0xffff  }
0x337: {  	s22 =	simm.s32 $0x5;
	s20 =	simm.s32 $0x1AA40;
	v22 =	vadd.s32 v2, v9  }
0x338: {  	s23 =	simm.s32 $0x6;
	v14 =	vmov s22;
	[tilespmem:s20+$0xFFFFFFC0] =	vst v13;
	v21 =	vld.idx.msk [tilespmem:v21+s25+$0x0], $0xffff  }
0x339: {  	v23 =	vadd.s32 v5, v12;
	v14 =	vand.u32 $0x3F, v14;
	v13 =	vmov s23;
	v16 =	vld.idx.msk [tilespmem:v16+s25+$0x0], $0xffff;
	[tilespmem:s19+$0x30] =	vst v17  }
0x33a: {  	s21 =	sadd.s32 $0x1A800, s1;
	v24 =	vadd.s32 v0, v14;
	v13 =	vand.u32 $0x3E, v13;
	[tilespmem:s18+$0xFFFFFFE0] =	vst v15;
	v15 =	vld.idx.msk [tilespmem:v18+s25+$0x0], $0xffff  }
0x33b: {  	v17 =	vadd.s32 v0, v13;
	v18 =	vld.idx.msk [tilespmem:v19+s25+$0x0], $0xffff;
	[tilespmem:s21+$0x10] =	vst v20  }
0x33c: {  	v19 =	vadd.s32 v5, v11;
	v22 =	vld.idx.msk [tilespmem:v22+s25+$0x0], $0xffff  }
0x33d: {  	v25 =	vadd.s32 v3, v9;
	[tilespmem:s14+$0x0] =	vst v21  }
0x33e: {  	v21 =	vadd.s32 v2, v10;
	v23 =	vld.idx.msk [tilespmem:v23+s25+$0x0], $0xffff  }
0x33f: {  	[tilespmem:s20+$0xFFFFFFD0] =	vst v16;
	v16 =	vld.idx.msk [tilespmem:v24+s25+$0x0], $0xffff;
	v24 =	vadd.s32 v4, v8  }
0x340: {  	v28 =	vadd.s32 v6, v12;
	v26 =	vld.idx.msk [tilespmem:v17+s25+$0x0], $0xffff;
	[tilespmem:s19+$0x40] =	vst v15  }
0x341: {  	v27 =	vadd.s32 v1, v14;
	v20 =	vld.idx.msk [tilespmem:v19+s25+$0x0], $0xffff;
	[tilespmem:s21+$0x20] =	vst v22  }
0x342: {  	s26 =	simm.s32 $0x200;
	s15 =	simm.s32 $0x280;
	v15 =	vld.idx.msk [tilespmem:v25+s25+$0x0], $0xffff;
	v25 =	vadd.s32 v1, v13  }
0x343: {  	s31 =	sand.u32 $0x380, s15;
	s1 =	sand.u32 $0x1C00, s26;
	[tilespmem:s18+$0xFFFFFFF0] =	vst v18;
	v21 =	vld.idx.msk [tilespmem:v21+s25+$0x0], $0xffff;
	v22 =	vadd.s32 v6, v11  }
0x344: {  	s26 =	sor.u32 s31, s1;
	v18 =	vadd.s32 v3, v10;
	[tilespmem:s14+$0x10] =	vst v23;
	v17 =	vld.idx.msk [tilespmem:v24+s25+$0x0], $0xffff  }
0x345: {  	s22 =	simm.s32 $0x1AB40;
	v19 =	vadd.s32 v4, v9;
	[tilespmem:s26+$0x1A800] =	vst v16;
	v23 =	vld.idx.msk [tilespmem:v28+s25+$0x0], $0xffff  }
0x346: {  	s29 =	simm.s32 $0x7;
	s23 =	simm.s32 $0x8;
	[tilespmem:s22+$0xFFFFFFC0] =	vst v26;
	v16 =	vadd.s32 v5, v8;
	v24 =	vld.idx.msk [tilespmem:v27+s25+$0x0], $0xffff  }
.LBB2_21:
0x347: {  	p1 =	slt.u32 s23, $0x3E;
	v25 =	vld.idx.msk [tilespmem:v25+s25+$0x0], $0xffff;
	v26 =	vmov s29;
	v27 =	vadd.s32 v2, v14;
	[tilespmem:s19+$0x50] =	vst v20  }
0x348: {  	v20 =	vand.u32 $0x3F, v26;
	[tilespmem:s20+$0xFFFFFFE0] =	vst v21;
	v21 =	vadd.s32 v7, v12;
	v22 =	vld.idx.msk [tilespmem:v22+s25+$0x0], $0xffff;
	v12 =	vmovc v8;
	v8 =	vmov v10  }
0x349: {  	v26 =	vmov s23;
	v10 =	vmov v13;
	v28 =	vadd.s32 v0, v20;
	v18 =	vld.idx.msk [tilespmem:v18+s25+$0x0], $0xffff;
	[tilespmem:s21+$0x30] =	vst v15  }
0x34a: {  	s1 =	sadd.s32 $0x1A800, s26;
	v13 =	vand.u32 $0x3E, v26;
	[tilespmem:s18+$0x0] =	vst v17;
	v15 =	vld.idx.msk [tilespmem:v19+s25+$0x0], $0xffff;
	v17 =	vadd.s32 v7, v11;
	v11 =	vmovc v9;
	v9 =	vmov v14  }
0x34b: {  	v19 =	vadd.s32 v0, v13;
	v14 =	vmov v20;
	[tilespmem:s1+$0x10] =	vst v24;
	v16 =	vld.idx.msk [tilespmem:v16+s25+$0x0], $0xffff  }
0x34c: {  	v20 =	vadd.s32 v5, v11;
	v24 =	vld.idx.msk [tilespmem:v27+s25+$0x0], $0xffff;
	[tilespmem:s14+$0x20] =	vst v23  }
0x34d: {  	v23 =	vadd.s32 v2, v10;
	[tilespmem:s22+$0xFFFFFFD0] =	vst v25;
	v26 =	vld.idx.msk [tilespmem:v21+s25+$0x0], $0xffff  }
0x34e: {  	v27 =	vld.idx.msk [tilespmem:v28+s25+$0x0], $0xffff;
	v28 =	vadd.s32 v3, v9;
	[tilespmem:s19+$0x60] =	vst v22  }
0x34f: {  	v29 =	vadd.s32 v4, v8;
	[tilespmem:s20+$0xFFFFFFF0] =	vst v18;
	v30 =	vld.idx.msk [tilespmem:v17+s25+$0x0], $0xffff  }
0x350: {  	s15 =	sadd.s32 $0x100, s15;
	v31 =	vld.idx.msk [tilespmem:v19+s25+$0x0], $0xffff;
	v19 =	vadd.s32 v1, v14;
	[tilespmem:s21+$0x40] =	vst v15  }
0x351: {  	s26 =	sadd.s32 $0xFFFFFF80, s15;
	v32 =	vadd.s32 v6, v12;
	[tilespmem:s18+$0x10] =	vst v16;
	v20 =	vld.idx.msk [tilespmem:v20+s25+$0x0], $0xffff  }
.Ltmp9:
0x352: {  	s29 =	sand.u32 $0x380, s15;
	s26 =	sand.u32 $0x1C00, s26;
	v25 =	vadd.s32 v1, v13;
	v21 =	vld.idx.msk [tilespmem:v23+s25+$0x0], $0xffff;
	[tilespmem:s1+$0x20] =	vst v24;
	(pc) =	sbr.rel @p1 .LBB2_21-.Ltmp9, $4  }
0x353: {  	s26 =	sor.u32 s29, s26;
	v22 =	vadd.s32 v6, v11;
	v15 =	vld.idx.msk [tilespmem:v28+s25+$0x0], $0xffff;
	[tilespmem:s14+$0x30] =	vst v26;
	s14 =	smov.u32 s18;
	s18 =	smov.u32 s20  }
0x354: {  	v18 =	vadd.s32 v3, v10;
	s20 =	smov.u32 s22;
	[tilespmem:s26+$0x1A800] =	vst v27;
	v17 =	vld.idx.msk [tilespmem:v29+s25+$0x0], $0xffff  }
0x355: {  	s22 =	sadd.s32 $0x100, s22;
	v24 =	vld.idx.msk [tilespmem:v19+s25+$0x0], $0xffff;
	v19 =	vadd.s32 v4, v9;
	[tilespmem:s19+$0x70] =	vst v30;
	s19 =	smov.u32 s21;
	s21 =	smov.u32 s1  }
0x356: {  	s29 =	sadd.s32 $0x1, s23;
	s23 =	sadd.s32 $0x2, s23;
	v16 =	vadd.s32 v5, v8;
	[tilespmem:s22+$0xFFFFFFC0] =	vst v31;
	v23 =	vld.idx.msk [tilespmem:v32+s25+$0x0], $0xffff  }
0x357: {  	v26 =	vmov s29  }
0x358: {  	v26 =	vand.u32 $0x3F, v26  }
0x359: {  	v27 =	vadd.s32 v0, v26;
	_ =	sdelay $0x4  }
0x35a: {  	v27 =	vld.idx.msk [tilespmem:v27+s25+$0x0], $0xffff  }
0x35b: {  	s1 =	sadd.s32 $0x100, s15;
	v28 =	vadd.s32 v1, v26  }
0x35c: {  	s15 =	sadd.s32 $0xFFFFFF80, s1  }
0x35d: {  	s1 =	sand.u32 $0x380, s1;
	s15 =	sand.u32 $0x1C00, s15  }
0x35e: {  	s1 =	sor.u32 s1, s15  }
0x35f: {  	v25 =	vld.idx.msk [tilespmem:v25+s25+$0x0], $0xffff;
	v29 =	vadd.s32 v2, v14;
	[tilespmem:s1+$0x1A800] =	vst v27  }
0x360: {  	v34 =	vadd.s32 v2, v13;
	v28 =	vld.idx.msk [tilespmem:v28+s25+$0x0], $0xffff  }
0x361: {  	[tilespmem:s19+$0x50] =	vst v20;
	v35 =	vadd.s32 v2, v26  }
0x362: {  	[tilespmem:s20+$0xFFFFFFE0] =	vst v21;
	s29 =	sadd.s32 $0x1A800, s26  }
0x363: {  	[tilespmem:s29+$0x10] =	vst v24  }
0x364: {  	s23 =	sadd.s32 $0x1A800, s1;
	v36 =	vld.idx.msk [tilespmem:v29+s25+$0x0], $0xffff;
	[tilespmem:s22+$0xFFFFFFD0] =	vst v25  }
0x365: {  	v37 =	vadd.s32 v3, v14;
	v25 =	vld.idx.msk [tilespmem:v34+s25+$0x0], $0xffff;
	[tilespmem:s23+$0x10] =	vst v28  }
0x366: {  	v38 =	vadd.s32 v3, v13;
	[tilespmem:s21+$0x30] =	vst v15;
	v20 =	vld.idx.msk [tilespmem:v35+s25+$0x0], $0xffff  }
0x367: {  	v22 =	vld.idx.msk [tilespmem:v22+s25+$0x0], $0xffff;
	[tilespmem:s18+$0x0] =	vst v17;
	v39 =	vadd.s32 v3, v26  }
0x368: {  	v18 =	vld.idx.msk [tilespmem:v18+s25+$0x0], $0xffff;
	[tilespmem:s14+$0x20] =	vst v23  }
0x369: {  	v12 =	vadd.s32 v7, v12;
	v19 =	vld.idx.msk [tilespmem:v19+s25+$0x0], $0xffff;
	[tilespmem:s29+$0x20] =	vst v36  }
0x36a: {  	v40 =	vadd.s32 v4, v10;
	v41 =	vld.idx.msk [tilespmem:v37+s25+$0x0], $0xffff;
	[tilespmem:s22+$0xFFFFFFE0] =	vst v25  }
0x36b: {  	v42 =	vadd.s32 v4, v14;
	v15 =	vld.idx.msk [tilespmem:v38+s25+$0x0], $0xffff;
	[tilespmem:s23+$0x20] =	vst v20  }
0x36c: {  	v43 =	vadd.s32 v4, v13;
	[tilespmem:s19+$0x60] =	vst v22;
	v17 =	vld.idx.msk [tilespmem:v39+s25+$0x0], $0xffff  }
0x36d: {  	v44 =	vadd.s32 v4, v26;
	v16 =	vld.idx.msk [tilespmem:v16+s25+$0x0], $0xffff;
	[tilespmem:s20+$0xFFFFFFF0] =	vst v18  }
0x36e: {  	v11 =	vadd.s32 v7, v11;
	v12 =	vld.idx.msk [tilespmem:v12+s25+$0x0], $0xffff;
	[tilespmem:s21+$0x40] =	vst v19  }
0x36f: {  	v45 =	vadd.s32 v5, v9;
	v21 =	vld.idx.msk [tilespmem:v40+s25+$0x0], $0xffff;
	[tilespmem:s29+$0x30] =	vst v41  }
0x370: {  	v46 =	vadd.s32 v5, v10;
	v23 =	vld.idx.msk [tilespmem:v42+s25+$0x0], $0xffff;
	[tilespmem:s22+$0xFFFFFFF0] =	vst v15  }
0x371: {  	v47 =	vadd.s32 v5, v14;
	v20 =	vld.idx.msk [tilespmem:v43+s25+$0x0], $0xffff;
	[tilespmem:s23+$0x30] =	vst v17  }
0x372: {  	v48 =	vadd.s32 v5, v13;
	[tilespmem:s18+$0x10] =	vst v16;
	v17 =	vld.idx.msk [tilespmem:v44+s25+$0x0], $0xffff  }
0x373: {  	v49 =	vadd.s32 v5, v26;
	v11 =	vld.idx.msk [tilespmem:v11+s25+$0x0], $0xffff;
	[tilespmem:s14+$0x30] =	vst v12  }
0x374: {  	v50 =	vadd.s32 v6, v8;
	v19 =	vld.idx.msk [tilespmem:v45+s25+$0x0], $0xffff;
	[tilespmem:s20+$0x0] =	vst v21  }
0x375: {  	v51 =	vadd.s32 v6, v9;
	v22 =	vld.idx.msk [tilespmem:v46+s25+$0x0], $0xffff;
	[tilespmem:s29+$0x40] =	vst v23  }
0x376: {  	v52 =	vadd.s32 v6, v10;
	v15 =	vld.idx.msk [tilespmem:v47+s25+$0x0], $0xffff;
	[tilespmem:s22+$0x0] =	vst v20  }
0x377: {  	v53 =	vadd.s32 v6, v14;
	v16 =	vld.idx.msk [tilespmem:v48+s25+$0x0], $0xffff;
	[tilespmem:s23+$0x40] =	vst v17  }
0x378: {  	v54 =	vadd.s32 v6, v13;
	[tilespmem:s19+$0x70] =	vst v11;
	v12 =	vld.idx.msk [tilespmem:v49+s25+$0x0], $0xffff  }
0x379: {  	v56 =	vadd.s32 v6, v26;
	v55 =	vld.idx.msk [tilespmem:v50+s25+$0x0], $0xffff;
	[tilespmem:s21+$0x50] =	vst v19  }
0x37a: {  	v8 =	vadd.s32 v7, v8;
	v19 =	vld.idx.msk [tilespmem:v51+s25+$0x0], $0xffff;
	[tilespmem:s20+$0x10] =	vst v22  }
0x37b: {  	v57 =	vadd.s32 v7, v9;
	v58 =	vld.idx.msk [tilespmem:v52+s25+$0x0], $0xffff;
	[tilespmem:s29+$0x50] =	vst v15  }
0x37c: {  	v59 =	vadd.s32 v7, v10;
	v15 =	vld.idx.msk [tilespmem:v53+s25+$0x0], $0xffff;
	[tilespmem:s22+$0x10] =	vst v16  }
0x37d: {  	v60 =	vadd.s32 v7, v14;
	v11 =	vld.idx.msk [tilespmem:v54+s25+$0x0], $0xffff;
	[tilespmem:s23+$0x50] =	vst v12  }
0x37e: {  	v61 =	vadd.s32 v7, v13;
	[tilespmem:s18+$0x20] =	vst v55;
	v62 =	vld.idx.msk [tilespmem:v56+s25+$0x0], $0xffff  }
0x37f: {  	v63 =	vadd.s32 v7, v26;
	v8 =	vld.idx.msk [tilespmem:v8+s25+$0x0], $0xffff;
	[tilespmem:s21+$0x60] =	vst v19  }
0x380: {  	v9 =	vld.idx.msk [tilespmem:v57+s25+$0x0], $0xffff;
	[tilespmem:s20+$0x20] =	vst v58  }
0x381: {  	v10 =	vld.idx.msk [tilespmem:v59+s25+$0x0], $0xffff;
	[tilespmem:s29+$0x60] =	vst v15  }
0x382: {  	v14 =	vld.idx.msk [tilespmem:v60+s25+$0x0], $0xffff;
	[tilespmem:s22+$0x20] =	vst v11  }
0x383: {  	v11 =	vld.idx.msk [tilespmem:v61+s25+$0x0], $0xffff;
	[tilespmem:s23+$0x60] =	vst v62  }
0x384: {  	[tilespmem:s18+$0x30] =	vst v8;
	v8 =	vld.idx.msk [tilespmem:v63+s25+$0x0], $0xffff  }
0x385: {  	[tilespmem:s21+$0x70] =	vst v9  }
0x386: {  	[tilespmem:s20+$0x30] =	vst v10  }
0x387: {  	[tilespmem:s29+$0x70] =	vst v14  }
0x388: {  	s3 =	sadd.s32 $0x1, s3;
	s1 =	sadd.s32 @!p0 $0x480, s6;
	[tilespmem:s22+$0x30] =	vst v11  }
0x389: {  	s14 =	simm.s32 @!p0 $0x10800;
	s6 =	simm.s32 @!p0 $0x80;
	s1 =	sand.u32 @!p0 $0x1FF80, s1;
	[tilespmem:s23+$0x70] =	vst v8  }
0x38a: {  	[tilespmem:s14], [sflag:$0x5] =	stream.indirect.gather @!p0 [hbm4b:s5+s6], $0x40, s1, s6, $0xb8;
	[tilespmem:$0x1C800] =	vst v63  }
0x38b: {  	p0 =	sne.s32 s3, $0x28  }
.Ltmp10:
0x38c: {  	_ = 	snop;
	(pc) =	sbr.rel @p0 .LBB2_2-.Ltmp10, $4  }
0x38d: {  	s31 =	sadd.s32 s10, s11  }
0x38e: {  	s1 =	sshrl.u32 s31, $0x3  }
0x38f: {  	s1 =	sadd.s32 s2, s1  }
0x390: {  	[hbm4b:s1+s12] =	stream.strided.scatter [tilespmem:s17], [sflag:$0xA], $0x2000, s13, s12, $0x38;
	[tilespmem:$0x1C800] =	vst v63  }
0x391: {  	s1 =	simm.s32 $0x6  }
0x392: {  	_ =	swait.ge [sflag:s1], $0x2000  }
0x393: {  	[sflag:s1] =	ssyncset.done $0x0  }
0x394: {  	s23 =	simm.s32 $0x7;
	[sflag:s1] =	ssyncadd.s32 $0xFFFFE000  }
0x395: {  	_ =	swait.ge [sflag:s23], $0x2000  }
0x396: {  	[sflag:s23] =	ssyncset.done $0x0  }
0x397: {  	s26 =	simm.s32 $0x8;
	[sflag:s23] =	ssyncadd.s32 $0xFFFFE000  }
0x398: {  	_ =	swait.ge [sflag:s26], $0x2000  }
0x399: {  	[sflag:s26] =	ssyncset.done $0x0  }
0x39a: {  	s29 =	simm.s32 $0x9;
	[sflag:s26] =	ssyncadd.s32 $0xFFFFE000  }
0x39b: {  	_ =	swait.ge [sflag:s29], $0x2000  }
0x39c: {  	[sflag:s29] =	ssyncset.done $0x0  }
0x39d: {  	s3 =	simm.s32 $0xA;
	[sflag:s29] =	ssyncadd.s32 $0xFFFFE000  }
0x39e: {  	_ =	swait.ge [sflag:s3], $0x2000  }
0x39f: {  	s6 =	rddreg [dreg:$0x6]  }
0x3a0: {  	s31 =	rddreg [dreg:$0x5];
	s6 =	sadd.s32 $0x1, s6  }
0x3a1: {  	p0 =	sne.s32 s6, s31  }
.Ltmp11:
0x3a2: {  	_ = 	snop;
	(pc) =	sbr.rel @p0 .LBB2_1-.Ltmp11, $3  }
0x3a3: {  	_ =	sdelay $0x1  }
0x3a4: {  	[sflag:s3] =	ssyncset.done $0x0  }
0x3a5: {  	[sflag:s3] =	ssyncadd.s32 $0xFFFFE000  }
0x3a6: {  	_ =	sfence.sel $0x180000  }
0x3a7: {  	[bflag:$0x0] =	sbarrier.arrive $0xFFFF  }
0x3a8: {  	_ =	strace $0x90000047  }
0x3a9: {  	s0 =	stileid.u32;
	[bflag:$0x2] =	sbarrier.arrive $0xFFFF  }
0x3aa: {  	p0 =	sne.s32 s0, $0x0;
	s0 =	rddreg [dreg:$0x3]  }
0x3ab: {  	s0 =	sadd.s32 @!p0 $0x100000, s0  }
0x3ac: {  	[sflag:s0] =	ssyncadd.tile.s32 @!p0 $0x1;
	_ =	shalt  }
.Lfunc_end2:
_tile_overlayer_lowered:
.L_overlay_start_2:
0x3ad: {  	(tag) =	ssettag $0x2  }
0x3ae: {  	s0 =	rddreg [dreg:$0x0];
	s2 =	stileid.u32  }
0x3af: {  	s1 =	rddreg [dreg:$0x1];
	p0 =	sne.s32 s2, $0x0  }
0x3b0: {  	s3 =	rddreg [dreg:$0x2];
	[bflag:$0x3] =	sbarrier.arrive $0xFFFF;
	s2 =	simm.s32 @!p0 $0x1C0B  }
0x3b1: {  	[timem:s3], [sflag:s2] =	dma.local @!p0 [hbm:s0], s1  }
0x3b2: {  	s0 =	simm.s32 @!p0 $0xB  }
0x3b3: {  	_ =	swait.ge @!p0 [sflag:s0], s1  }
0x3b4: {  	s1 =	ssub.s32 @!p0 $0x0, s1;
	[sflag:s0] =	ssyncset.done @!p0 $0x0  }
0x3b5: {  	[sflag:s0] =	ssyncadd.s32 @!p0 s1  }
0x3b6: {  	[bflag:$0x3] =	sbarrier.arrive $0xFFFF  }
0x3b7: {  	_ =	shalt  }

</sc_bundles>
